<compile_context>
chip_gen: v7x
topology: tpu7x:2x2x1
jax: 0.10.2.dev20260603
libtpu: 0.0.44.dev20260713+nightly
codegen_flags: <defaults>
</compile_context>

<pallas_src>
import functools

import jax
import jax.numpy as jnp
from jax import lax
from jax.experimental import pallas as pl
from jax.experimental.pallas import tpu as pltpu
from jax.experimental.pallas import tpu_sc as plsc

E_BLOCK = 1280

NC, NS = 2, 16
NW = NC * NS
GCHUNK = 80


def _gather_body(h_hbm, tp_hbm, srcr_hbm, dstr_hbm, hsum_hbm, td_hbm,
                 sidx, didx, bufh, buft, tdbuf, sem1, sem2):
    ew = srcr_hbm.shape[1] * srcr_hbm.shape[2]
    nj = srcr_hbm.shape[1]
    wid = lax.axis_index("s") * NC + lax.axis_index("c")
    pltpu.sync_copy(srcr_hbm.at[wid], sidx)
    pltpu.sync_copy(dstr_hbm.at[wid], didx)

    def body(j, carry):
        base = wid * ew + j * GCHUNK
        cp1 = pltpu.async_copy(h_hbm.at[didx.at[j]], bufh, sem1)
        cp2 = pltpu.async_copy(tp_hbm.at[didx.at[j]], buft, sem2)
        cp1.wait()
        cpa = pltpu.async_copy(h_hbm.at[sidx.at[j]], bufh, sem1, add=True)
        cp2.wait()
        for i in range(GCHUNK):
            tdbuf[i, :] = buft[i, pl.ds(0, 16)]
        cpa.wait()
        pltpu.sync_copy(bufh, hsum_hbm.at[pl.ds(base, GCHUNK)])
        pltpu.sync_copy(tdbuf, td_hbm.at[pl.ds(base, GCHUNK)])
        return carry

    lax.fori_loop(0, nj, body, 0)


def _sc_gather(h, tp, src, dst):
    E = src.shape[0]
    ew = E // NW
    nj = ew // GCHUNK
    srcr = src.reshape(NW, nj, GCHUNK)
    dstr = dst.reshape(NW, nj, GCHUNK)
    mesh = plsc.VectorSubcoreMesh(core_axis_name="c", subcore_axis_name="s")
    f = pl.kernel(
        _gather_body,
        out_type=[
            jax.ShapeDtypeStruct((E, 128), jnp.float32),
            jax.ShapeDtypeStruct((E, 16), jnp.float32),
        ],
        mesh=mesh,
        scratch_types=[
            pltpu.VMEM((nj, GCHUNK), jnp.int32),
            pltpu.VMEM((nj, GCHUNK), jnp.int32),
            pltpu.VMEM((GCHUNK, 128), jnp.float32),
            pltpu.VMEM((GCHUNK, 128), jnp.float32),
            pltpu.VMEM((GCHUNK, 16), jnp.float32),
            pltpu.SemaphoreType.DMA,
            pltpu.SemaphoreType.DMA,
        ],
    )
    return f(h, tp, srcr, dstr)


def _mlp_force_body(ef_ref, hsum_ref, td_ref, rx_ref, of_ref,
                    w1_ref, w2_ref, w3_ref,
                    b1_ref, g1_ref, be1_ref, b2_ref, g2_ref, be2_ref, b3_ref,
                    out_ref):
    feat = jnp.concatenate(
        [ef_ref[...], hsum_ref[...] * 0.5, td_ref[...]], axis=-1)
    x = jnp.dot(feat.astype(jnp.bfloat16), w1_ref[...],
                preferred_element_type=jnp.float32)
    x = x + b1_ref[...]
    mu = jnp.mean(x, axis=-1, keepdims=True)
    xc = x - mu
    var = jnp.mean(xc * xc, axis=-1, keepdims=True)
    x = xc * jax.lax.rsqrt(var + 1e-5) * g1_ref[...] + be1_ref[...]
    x = jnp.maximum(x, 0.0)
    x = jnp.dot(x.astype(jnp.bfloat16), w2_ref[...],
                preferred_element_type=jnp.float32)
    x = x + b2_ref[...]
    mu = jnp.mean(x, axis=-1, keepdims=True)
    xc = x - mu
    var = jnp.mean(xc * xc, axis=-1, keepdims=True)
    x = xc * jax.lax.rsqrt(var + 1e-5) * g2_ref[...] + be2_ref[...]
    x = jnp.maximum(x, 0.0)
    pred = jnp.sum(x * w3_ref[...], axis=-1, keepdims=True) + b3_ref[...]
    rx = rx_ref[...]
    d = jnp.sqrt(jnp.sum(rx * rx, axis=-1, keepdims=True))
    scale = pred * of_ref[...] / (d * (d + 1.0))
    out_ref[...] = rx * scale


def _mlp_force(ef, hsum, td, rx, of, W1, W2, w3r, b1r, g1r, be1r, b2r, g2r,
               be2r, b3r):
    E = ef.shape[0]
    grid = (E // E_BLOCK,)

    def eb(i):
        return (i, 0)

    def full(i):
        return (0, 0)

    return pl.pallas_call(
        _mlp_force_body,
        grid=grid,
        in_specs=[
            pl.BlockSpec((E_BLOCK, 16), eb),
            pl.BlockSpec((E_BLOCK, 128), eb),
            pl.BlockSpec((E_BLOCK, 16), eb),
            pl.BlockSpec((E_BLOCK, 3), eb),
            pl.BlockSpec((E_BLOCK, 1), eb),
            pl.BlockSpec((160, 256), full),
            pl.BlockSpec((256, 256), full),
            pl.BlockSpec((1, 256), full),
            pl.BlockSpec((1, 256), full),
            pl.BlockSpec((1, 256), full),
            pl.BlockSpec((1, 256), full),
            pl.BlockSpec((1, 256), full),
            pl.BlockSpec((1, 256), full),
            pl.BlockSpec((1, 256), full),
            pl.BlockSpec((1, 1), full),
        ],
        out_specs=pl.BlockSpec((E_BLOCK, 3), eb),
        out_shape=jax.ShapeDtypeStruct((E, 3), jnp.float32),
    )(ef, hsum, td, rx, of, W1, W2, w3r, b1r, g1r, be1r, b2r, g2r, be2r,
      b3r)


def kernel(h, rel_x, edge_feat, edge_index, inner_edge_mask, t,
           W1, b1, g1, beta1, W2, b2, g2, beta2, W3, b3):
    N = h.shape[0]
    E = rel_x.shape[0]
    src = edge_index[0].astype(jnp.int32)
    dst = edge_index[1].astype(jnp.int32)

    tp = jnp.pad(t, ((0, 0), (0, 112)))
    hsum, td = _sc_gather(h, tp, src, dst)

    of = (~inner_edge_mask).astype(jnp.float32).reshape(E, 1)
    w3r = W3.reshape(1, 256)
    b1r = b1.reshape(1, 256)
    g1r = g1.reshape(1, 256)
    be1r = beta1.reshape(1, 256)
    b2r = b2.reshape(1, 256)
    g2r = g2.reshape(1, 256)
    be2r = beta2.reshape(1, 256)
    b3r = b3.reshape(1, 1)

    forces = _mlp_force(edge_feat, hsum, td, rel_x, of,
                        W1.astype(jnp.bfloat16), W2.astype(jnp.bfloat16),
                        w3r, b1r, g1r, be1r, b2r, g2r, be2r, b3r)

    out = jnp.zeros((N, 3), dtype=jnp.float32).at[dst].add(forces)
    return out

# --- scband reference (transcript-rebuilt; emitter-appended) ---
"""Pipeline reference for scband-sym-force-layer-62491774156912 (READ-ONLY COPY).

The authoritative reference and input builder live on the scoring server;
editing this copy changes nothing except your own understanding.
"""

import jax, jax.numpy as jnp
import numpy as np


def _layer_norm(x, g, b, eps=1e-5):
    mu = jnp.mean(x, axis=-1, keepdims=True)
    var = jnp.var(x, axis=-1, keepdims=True)
    return (x - mu) / jnp.sqrt(var + eps) * g + b


def _mlp(feat, W1, b1, g1, beta1, W2, b2, g2, beta2, W3, b3):
    # 3-layer MLP: Linear -> LayerNorm -> ReLU -> Linear -> LayerNorm -> ReLU -> Linear
    x = feat @ W1 + b1
    x = _layer_norm(x, g1, beta1)
    x = jax.nn.relu(x)
    x = x @ W2 + b2
    x = _layer_norm(x, g2, beta2)
    x = jax.nn.relu(x)
    return x @ W3 + b3


def setup_inputs(seed: int = 0) -> dict:
    key = jax.random.key(seed)
    ks = jax.random.split(key, 16)
    N, E = 10000, 320000
    input_dim, hidden_dim, edge_feat_dim, time_dim = 128, 256, 16, 16
    in_total = input_dim + edge_feat_dim + time_dim  # 160
    h = jax.random.normal(ks[0], (N, input_dim), dtype=jnp.float32)
    rel_x = jax.random.normal(ks[1], (E, 3), dtype=jnp.float32)
    edge_feat = jax.random.normal(ks[2], (E, edge_feat_dim), dtype=jnp.float32)
    edge_index = jax.random.randint(ks[3], (2, E), 0, N, dtype=jnp.int64)
    inner_edge_mask = jax.random.randint(ks[4], (E,), 0, 2) == 1
    t = jax.random.normal(ks[5], (N, time_dim), dtype=jnp.float32)
    W1 = jax.random.normal(ks[6], (in_total, hidden_dim), dtype=jnp.float32) / np.sqrt(in_total)
    b1 = jnp.zeros((hidden_dim,), dtype=jnp.float32)
    g1 = jnp.ones((hidden_dim,), dtype=jnp.float32)
    beta1 = jnp.zeros((hidden_dim,), dtype=jnp.float32)
    W2 = jax.random.normal(ks[7], (hidden_dim, hidden_dim), dtype=jnp.float32) / np.sqrt(hidden_dim)
    b2 = jnp.zeros((hidden_dim,), dtype=jnp.float32)
    g2 = jnp.ones((hidden_dim,), dtype=jnp.float32)
    beta2 = jnp.zeros((hidden_dim,), dtype=jnp.float32)
    W3 = jax.random.normal(ks[8], (hidden_dim, 1), dtype=jnp.float32) / np.sqrt(hidden_dim)
    b3 = jnp.zeros((1,), dtype=jnp.float32)
    return {"h": h, "rel_x": rel_x, "edge_feat": edge_feat, "edge_index": edge_index,
            "inner_edge_mask": inner_edge_mask, "t": t,
            "W1": W1, "b1": b1, "g1": g1, "beta1": beta1,
            "W2": W2, "b2": b2, "g2": g2, "beta2": beta2,
            "W3": W3, "b3": b3}


def reference(h, rel_x, edge_feat, edge_index, inner_edge_mask, t,
              W1, b1, g1, beta1, W2, b2, g2, beta2, W3, b3):
    N = h.shape[0]
    outer = ~inner_edge_mask
    src, dst = edge_index[0], edge_index[1]
    rx = rel_x
    distance = jnp.linalg.norm(rx, ord=2, axis=-1)
    hi = h[dst]
    hj = h[src]
    feat = jnp.concatenate([edge_feat, (hi + hj) / 2.0, t[dst]], axis=-1)
    pred = _mlp(feat, W1, b1, g1, beta1, W2, b2, g2, beta2, W3, b3)
    forces = pred * rx / distance[:, None] / (distance[:, None] + 1.0)
    forces = jnp.where(outer[:, None], forces, jnp.zeros_like(forces))
    outer_forces = jnp.zeros((N, 3), dtype=forces.dtype).at[dst].add(forces)
    return outer_forces

if __name__ == "__main__":
    import jax
    _d = setup_inputs()
    print(jax.jit(kernel)(*tuple(_d.values())))

</pallas_src>

<mosaic_0001>
#map = affine_map<(d0, d1) -> (0, 0)>
#map1 = affine_map<(d0, d1) -> (0, 0, 0)>
module attributes {stable_mosaic.version = 14 : i64} {
  func.func @_gather_body(%arg0: i32, %arg1: i32, %arg2: memref<10000x128xf32, #tpu.memory_space<hbm>>, %arg3: memref<10000x128xf32, #tpu.memory_space<hbm>>, %arg4: memref<32x125x80xi32, #tpu.memory_space<hbm>>, %arg5: memref<32x125x80xi32, #tpu.memory_space<hbm>>, %arg6: memref<320000x128xf32, #tpu.memory_space<hbm>>, %arg7: memref<320000x16xf32, #tpu.memory_space<hbm>>, %arg8: memref<125x80xi32, #tpu.memory_space<vmem>>, %arg9: memref<125x80xi32, #tpu.memory_space<vmem>>, %arg10: memref<80x128xf32, #tpu.memory_space<vmem>>, %arg11: memref<80x128xf32, #tpu.memory_space<vmem>>, %arg12: memref<80x16xf32, #tpu.memory_space<vmem>>, %arg13: memref<!tpu.dma_semaphore, #tpu.memory_space<semaphore_mem>>, %arg14: memref<!tpu.dma_semaphore, #tpu.memory_space<semaphore_mem>>) attributes {dimension_semantics = [#tpu.dimension_semantics<core_parallel>, #tpu.dimension_semantics<subcore_parallel>], iteration_bounds = array<i64: 2, 16>, scalar_prefetch = 0 : i64, scratch_operands = 7 : i64, tpu.core_type = #tpu.core_type<sc_vector_subcore>, window_params = [{transform_indices = #map}, {transform_indices = #map}, {transform_indices = #map1}, {transform_indices = #map1}, {transform_indices = #map}, {transform_indices = #map}]} {
    %mul3A = arith.constant 2 : i32
    %mul3A_0 = arith.muli %arg1, %mul3A : i32
    %add3A = arith.addi %mul3A_0, %arg0 : i32
    "tpu.region"() ({
      %run_scoped3A = tpu.sem_alloc : memref<!tpu.dma_semaphore, #tpu.memory_space<semaphore_mem>>
      %dma_start3A = arith.constant 0 : i32
      %dma_start3A_6 = arith.constant 0 : i32
      %dma_start3A_7 = tpu.memref_slice %arg4[%add3A, %dma_start3A, %dma_start3A_6] : memref<32x125x80xi32, #tpu.memory_space<hbm>> -> memref<1x125x80xi32, #tpu.memory_space<hbm>>
      %dma_start3A_8 = tpu.memref_squeeze %dma_start3A_7 : memref<1x125x80xi32, #tpu.memory_space<hbm>> -> memref<125x80xi32, #tpu.memory_space<hbm>>
      %dma_start3A_9 = arith.constant 0 : i32
      %dma_start3A_10 = arith.constant 0 : i32
      %dma_start3A_11 = tpu.memref_slice %arg4[%add3A, %dma_start3A_9, %dma_start3A_10] : memref<32x125x80xi32, #tpu.memory_space<hbm>> -> memref<1x125x80xi32, #tpu.memory_space<hbm>>
      %dma_start3A_12 = tpu.memref_squeeze %dma_start3A_11 : memref<1x125x80xi32, #tpu.memory_space<hbm>> -> memref<125x80xi32, #tpu.memory_space<hbm>>
      tpu.enqueue_dma source(%dma_start3A_12 : memref<125x80xi32, #tpu.memory_space<hbm>>) target(%arg8 : memref<125x80xi32, #tpu.memory_space<vmem>>) target_semaphore(%run_scoped3A : memref<!tpu.dma_semaphore, #tpu.memory_space<semaphore_mem>>)
      %dma_wait3A = arith.constant 0 : i32
      %dma_wait3A_13 = arith.constant 0 : i32
      %dma_wait3A_14 = tpu.memref_slice %arg4[%add3A, %dma_wait3A, %dma_wait3A_13] : memref<32x125x80xi32, #tpu.memory_space<hbm>> -> memref<1x125x80xi32, #tpu.memory_space<hbm>>
      %dma_wait3A_15 = tpu.memref_squeeze %dma_wait3A_14 : memref<1x125x80xi32, #tpu.memory_space<hbm>> -> memref<125x80xi32, #tpu.memory_space<hbm>>
      %dma_wait3A_16 = arith.constant 0 : i32
      %dma_wait3A_17 = arith.constant 0 : i32
      %dma_wait3A_18 = tpu.memref_slice %arg4[%add3A, %dma_wait3A_16, %dma_wait3A_17] : memref<32x125x80xi32, #tpu.memory_space<hbm>> -> memref<1x125x80xi32, #tpu.memory_space<hbm>>
      %dma_wait3A_19 = tpu.memref_squeeze %dma_wait3A_18 : memref<1x125x80xi32, #tpu.memory_space<hbm>> -> memref<125x80xi32, #tpu.memory_space<hbm>>
      tpu.wait_dma2 semaphore(%run_scoped3A : memref<!tpu.dma_semaphore, #tpu.memory_space<semaphore_mem>>) src(%dma_wait3A_19 : memref<125x80xi32, #tpu.memory_space<hbm>>) dst(%arg8 : memref<125x80xi32, #tpu.memory_space<vmem>>)
      tpu.yield
    }) : () -> ()
    "tpu.region"() ({
      %run_scoped3A = tpu.sem_alloc : memref<!tpu.dma_semaphore, #tpu.memory_space<semaphore_mem>>
      %dma_start3A = arith.constant 0 : i32
      %dma_start3A_6 = arith.constant 0 : i32
      %dma_start3A_7 = tpu.memref_slice %arg5[%add3A, %dma_start3A, %dma_start3A_6] : memref<32x125x80xi32, #tpu.memory_space<hbm>> -> memref<1x125x80xi32, #tpu.memory_space<hbm>>
      %dma_start3A_8 = tpu.memref_squeeze %dma_start3A_7 : memref<1x125x80xi32, #tpu.memory_space<hbm>> -> memref<125x80xi32, #tpu.memory_space<hbm>>
      %dma_start3A_9 = arith.constant 0 : i32
      %dma_start3A_10 = arith.constant 0 : i32
      %dma_start3A_11 = tpu.memref_slice %arg5[%add3A, %dma_start3A_9, %dma_start3A_10] : memref<32x125x80xi32, #tpu.memory_space<hbm>> -> memref<1x125x80xi32, #tpu.memory_space<hbm>>
      %dma_start3A_12 = tpu.memref_squeeze %dma_start3A_11 : memref<1x125x80xi32, #tpu.memory_space<hbm>> -> memref<125x80xi32, #tpu.memory_space<hbm>>
      tpu.enqueue_dma source(%dma_start3A_12 : memref<125x80xi32, #tpu.memory_space<hbm>>) target(%arg9 : memref<125x80xi32, #tpu.memory_space<vmem>>) target_semaphore(%run_scoped3A : memref<!tpu.dma_semaphore, #tpu.memory_space<semaphore_mem>>)
      %dma_wait3A = arith.constant 0 : i32
      %dma_wait3A_13 = arith.constant 0 : i32
      %dma_wait3A_14 = tpu.memref_slice %arg5[%add3A, %dma_wait3A, %dma_wait3A_13] : memref<32x125x80xi32, #tpu.memory_space<hbm>> -> memref<1x125x80xi32, #tpu.memory_space<hbm>>
      %dma_wait3A_15 = tpu.memref_squeeze %dma_wait3A_14 : memref<1x125x80xi32, #tpu.memory_space<hbm>> -> memref<125x80xi32, #tpu.memory_space<hbm>>
      %dma_wait3A_16 = arith.constant 0 : i32
      %dma_wait3A_17 = arith.constant 0 : i32
      %dma_wait3A_18 = tpu.memref_slice %arg5[%add3A, %dma_wait3A_16, %dma_wait3A_17] : memref<32x125x80xi32, #tpu.memory_space<hbm>> -> memref<1x125x80xi32, #tpu.memory_space<hbm>>
      %dma_wait3A_19 = tpu.memref_squeeze %dma_wait3A_18 : memref<1x125x80xi32, #tpu.memory_space<hbm>> -> memref<125x80xi32, #tpu.memory_space<hbm>>
      tpu.wait_dma2 semaphore(%run_scoped3A : memref<!tpu.dma_semaphore, #tpu.memory_space<semaphore_mem>>) src(%dma_wait3A_19 : memref<125x80xi32, #tpu.memory_space<hbm>>) dst(%arg9 : memref<125x80xi32, #tpu.memory_space<vmem>>)
      tpu.yield
    }) : () -> ()
    %scan3A = arith.constant 0 : i32
    %scan3A_1 = arith.constant 0 : i32
    %scan3A_2 = arith.constant 125 : i32
    %scan3A_3 = arith.addi %scan3A_1, %scan3A_2 : i32
    %scan3A_4 = arith.constant 1 : i32
    scf.for %scan3A_6 = %scan3A_1 to %scan3A_3 step %scan3A_4  : i32 {
      %mul3A_7 = arith.constant 10000 : i32
      %mul3A_8 = arith.muli %add3A, %mul3A_7 : i32
      %mul3A_9 = arith.constant 80 : i32
      %mul3A_10 = arith.muli %scan3A_6, %mul3A_9 : i32
      %add3A_11 = arith.addi %mul3A_8, %mul3A_10 : i32
      %dma_start3A = arith.constant 0 : i32
      %dma_start3A_12 = tpu.memref_slice %arg9[%scan3A_6, %dma_start3A] : memref<125x80xi32, #tpu.memory_space<vmem>> -> memref<1x80xi32, #tpu.memory_space<vmem>>
      %dma_start3A_13 = tpu.memref_squeeze %dma_start3A_12 : memref<1x80xi32, #tpu.memory_space<vmem>> -> memref<80xi32, #tpu.memory_space<vmem>>
      %dma_start3A_14 = arith.constant 0 : i32
      %dma_start3A_15 = arith.constant 0 : i32
      %dma_start3A_16 = tpu.memref_slice %arg2[%dma_start3A_14, %dma_start3A_15] : memref<10000x128xf32, #tpu.memory_space<hbm>> -> memref<10000x128xf32, #tpu.memory_space<hbm>>
      tpu.enqueue_indirect_dma source(%dma_start3A_16 : memref<10000x128xf32, #tpu.memory_space<hbm>>) target(%arg10 : memref<80x128xf32, #tpu.memory_space<vmem>>) offsets(%dma_start3A_13 : memref<80xi32, #tpu.memory_space<vmem>>) semaphore(%arg13 : memref<!tpu.dma_semaphore, #tpu.memory_space<semaphore_mem>>)
      %dma_start3A_17 = arith.constant 0 : i32
      %dma_start3A_18 = tpu.memref_slice %arg9[%scan3A_6, %dma_start3A_17] : memref<125x80xi32, #tpu.memory_space<vmem>> -> memref<1x80xi32, #tpu.memory_space<vmem>>
      %dma_start3A_19 = tpu.memref_squeeze %dma_start3A_18 : memref<1x80xi32, #tpu.memory_space<vmem>> -> memref<80xi32, #tpu.memory_space<vmem>>
      %dma_start3A_20 = arith.constant 0 : i32
      %dma_start3A_21 = arith.constant 0 : i32
      %dma_start3A_22 = tpu.memref_slice %arg3[%dma_start3A_20, %dma_start3A_21] : memref<10000x128xf32, #tpu.memory_space<hbm>> -> memref<10000x128xf32, #tpu.memory_space<hbm>>
      tpu.enqueue_indirect_dma source(%dma_start3A_22 : memref<10000x128xf32, #tpu.memory_space<hbm>>) target(%arg11 : memref<80x128xf32, #tpu.memory_space<vmem>>) offsets(%dma_start3A_19 : memref<80xi32, #tpu.memory_space<vmem>>) semaphore(%arg14 : memref<!tpu.dma_semaphore, #tpu.memory_space<semaphore_mem>>)
      %dma_wait3A = arith.constant 0 : i32
      %dma_wait3A_23 = tpu.memref_slice %arg9[%scan3A_6, %dma_wait3A] : memref<125x80xi32, #tpu.memory_space<vmem>> -> memref<1x80xi32, #tpu.memory_space<vmem>>
      %dma_wait3A_24 = tpu.memref_squeeze %dma_wait3A_23 : memref<1x80xi32, #tpu.memory_space<vmem>> -> memref<80xi32, #tpu.memory_space<vmem>>
      %dma_wait3A_25 = arith.constant 0 : i32
      %dma_wait3A_26 = arith.constant 0 : i32
      %dma_wait3A_27 = tpu.memref_slice %arg2[%dma_wait3A_25, %dma_wait3A_26] : memref<10000x128xf32, #tpu.memory_space<hbm>> -> memref<10000x128xf32, #tpu.memory_space<hbm>>
      tpu.wait_indirect_dma semaphore(%arg13 : memref<!tpu.dma_semaphore, #tpu.memory_space<semaphore_mem>>) src(%dma_wait3A_27 : memref<10000x128xf32, #tpu.memory_space<hbm>>) dst(%arg10 : memref<80x128xf32, #tpu.memory_space<vmem>>)
      %dma_start3A_28 = arith.constant 0 : i32
      %dma_start3A_29 = tpu.memref_slice %arg8[%scan3A_6, %dma_start3A_28] : memref<125x80xi32, #tpu.memory_space<vmem>> -> memref<1x80xi32, #tpu.memory_space<vmem>>
      %dma_start3A_30 = tpu.memref_squeeze %dma_start3A_29 : memref<1x80xi32, #tpu.memory_space<vmem>> -> memref<80xi32, #tpu.memory_space<vmem>>
      %dma_start3A_31 = arith.constant 0 : i32
      %dma_start3A_32 = arith.constant 0 : i32
      %dma_start3A_33 = tpu.memref_slice %arg2[%dma_start3A_31, %dma_start3A_32] : memref<10000x128xf32, #tpu.memory_space<hbm>> -> memref<10000x128xf32, #tpu.memory_space<hbm>>
      tpu.enqueue_indirect_dma source(%dma_start3A_33 : memref<10000x128xf32, #tpu.memory_space<hbm>>) target(%arg10 : memref<80x128xf32, #tpu.memory_space<vmem>>) offsets(%dma_start3A_30 : memref<80xi32, #tpu.memory_space<vmem>>) semaphore(%arg13 : memref<!tpu.dma_semaphore, #tpu.memory_space<semaphore_mem>>) {add = true}
      %dma_wait3A_34 = arith.constant 0 : i32
      %dma_wait3A_35 = tpu.memref_slice %arg9[%scan3A_6, %dma_wait3A_34] : memref<125x80xi32, #tpu.memory_space<vmem>> -> memref<1x80xi32, #tpu.memory_space<vmem>>
      %dma_wait3A_36 = tpu.memref_squeeze %dma_wait3A_35 : memref<1x80xi32, #tpu.memory_space<vmem>> -> memref<80xi32, #tpu.memory_space<vmem>>
      %dma_wait3A_37 = arith.constant 0 : i32
      %dma_wait3A_38 = arith.constant 0 : i32
      %dma_wait3A_39 = tpu.memref_slice %arg3[%dma_wait3A_37, %dma_wait3A_38] : memref<10000x128xf32, #tpu.memory_space<hbm>> -> memref<10000x128xf32, #tpu.memory_space<hbm>>
      tpu.wait_indirect_dma semaphore(%arg14 : memref<!tpu.dma_semaphore, #tpu.memory_space<semaphore_mem>>) src(%dma_wait3A_39 : memref<10000x128xf32, #tpu.memory_space<hbm>>) dst(%arg11 : memref<80x128xf32, #tpu.memory_space<vmem>>)
      %get3A = arith.constant 0 : i32
      %get3A_40 = arith.index_cast %get3A : i32 to index
      %get3A_41 = arith.constant 0 : index
      %get3A_42 = tpu.vector_load %arg11[%get3A_40, %get3A_41] {strides = array<i32>} : memref<80x128xf32, #tpu.memory_space<vmem>>, vector<1x16xf32>,
      %get3A_43 = vector.shape_cast %get3A_42 : vector<1x16xf32> to vector<16xf32>
      %swap3A = arith.constant 0 : i32
      %swap3A_44 = arith.index_cast %swap3A : i32 to index
      %swap3A_45 = arith.constant 0 : index
      %swap3A_46 = tpu.vector_load %arg12[%swap3A_44, %swap3A_45] {strides = array<i32>} : memref<80x16xf32, #tpu.memory_space<vmem>>, vector<1x16xf32>,
      %swap3A_47 = vector.shape_cast %swap3A_46 : vector<1x16xf32> to vector<16xf32>
      %swap3A_48 = vector.shape_cast %get3A_43 : vector<16xf32> to vector<1x16xf32>
      tpu.vector_store %arg12[%swap3A_44, %swap3A_45], %swap3A_48 {strides = array<i32>} : memref<80x16xf32, #tpu.memory_space<vmem>>, vector<1x16xf32>,
      %get3A_49 = arith.constant 1 : i32
      %get3A_50 = arith.index_cast %get3A_49 : i32 to index
      %get3A_51 = arith.constant 0 : index
      %get3A_52 = tpu.vector_load %arg11[%get3A_50, %get3A_51] {strides = array<i32>} : memref<80x128xf32, #tpu.memory_space<vmem>>, vector<1x16xf32>,
      %get3A_53 = vector.shape_cast %get3A_52 : vector<1x16xf32> to vector<16xf32>
      %swap3A_54 = arith.constant 1 : i32
      %swap3A_55 = arith.index_cast %swap3A_54 : i32 to index
      %swap3A_56 = arith.constant 0 : index
      %swap3A_57 = tpu.vector_load %arg12[%swap3A_55, %swap3A_56] {strides = array<i32>} : memref<80x16xf32, #tpu.memory_space<vmem>>, vector<1x16xf32>,
      %swap3A_58 = vector.shape_cast %swap3A_57 : vector<1x16xf32> to vector<16xf32>
      %swap3A_59 = vector.shape_cast %get3A_53 : vector<16xf32> to vector<1x16xf32>
      tpu.vector_store %arg12[%swap3A_55, %swap3A_56], %swap3A_59 {strides = array<i32>} : memref<80x16xf32, #tpu.memory_space<vmem>>, vector<1x16xf32>,
      %get3A_60 = arith.constant 2 : i32
      %get3A_61 = arith.index_cast %get3A_60 : i32 to index
      %get3A_62 = arith.constant 0 : index
      %get3A_63 = tpu.vector_load %arg11[%get3A_61, %get3A_62] {strides = array<i32>} : memref<80x128xf32, #tpu.memory_space<vmem>>, vector<1x16xf32>,
      %get3A_64 = vector.shape_cast %get3A_63 : vector<1x16xf32> to vector<16xf32>
      %swap3A_65 = arith.constant 2 : i32
      %swap3A_66 = arith.index_cast %swap3A_65 : i32 to index
      %swap3A_67 = arith.constant 0 : index
      %swap3A_68 = tpu.vector_load %arg12[%swap3A_66, %swap3A_67] {strides = array<i32>} : memref<80x16xf32, #tpu.memory_space<vmem>>, vector<1x16xf32>,
      %swap3A_69 = vector.shape_cast %swap3A_68 : vector<1x16xf32> to vector<16xf32>
      %swap3A_70 = vector.shape_cast %get3A_64 : vector<16xf32> to vector<1x16xf32>
      tpu.vector_store %arg12[%swap3A_66, %swap3A_67], %swap3A_70 {strides = array<i32>} : memref<80x16xf32, #tpu.memory_space<vmem>>, vector<1x16xf32>,
      %get3A_71 = arith.constant 3 : i32
      %get3A_72 = arith.index_cast %get3A_71 : i32 to index
      %get3A_73 = arith.constant 0 : index
      %get3A_74 = tpu.vector_load %arg11[%get3A_72, %get3A_73] {strides = array<i32>} : memref<80x128xf32, #tpu.memory_space<vmem>>, vector<1x16xf32>,
      %get3A_75 = vector.shape_cast %get3A_74 : vector<1x16xf32> to vector<16xf32>
      %swap3A_76 = arith.constant 3 : i32
      %swap3A_77 = arith.index_cast %swap3A_76 : i32 to index
      %swap3A_78 = arith.constant 0 : index
      %swap3A_79 = tpu.vector_load %arg12[%swap3A_77, %swap3A_78] {strides = array<i32>} : memref<80x16xf32, #tpu.memory_space<vmem>>, vector<1x16xf32>,
      %swap3A_80 = vector.shape_cast %swap3A_79 : vector<1x16xf32> to vector<16xf32>
      %swap3A_81 = vector.shape_cast %get3A_75 : vector<16xf32> to vector<1x16xf32>
      tpu.vector_store %arg12[%swap3A_77, %swap3A_78], %swap3A_81 {strides = array<i32>} : memref<80x16xf32, #tpu.memory_space<vmem>>, vector<1x16xf32>,
      %get3A_82 = arith.constant 4 : i32
      %get3A_83 = arith.index_cast %get3A_82 : i32 to index
      %get3A_84 = arith.constant 0 : index
      %get3A_85 = tpu.vector_load %arg11[%get3A_83, %get3A_84] {strides = array<i32>} : memref<80x128xf32, #tpu.memory_space<vmem>>, vector<1x16xf32>,
      %get3A_86 = vector.shape_cast %get3A_85 : vector<1x16xf32> to vector<16xf32>
      %swap3A_87 = arith.constant 4 : i32
      %swap3A_88 = arith.index_cast %swap3A_87 : i32 to index
      %swap3A_89 = arith.constant 0 : index
      %swap3A_90 = tpu.vector_load %arg12[%swap3A_88, %swap3A_89] {strides = array<i32>} : memref<80x16xf32, #tpu.memory_space<vmem>>, vector<1x16xf32>,
      %swap3A_91 = vector.shape_cast %swap3A_90 : vector<1x16xf32> to vector<16xf32>
      %swap3A_92 = vector.shape_cast %get3A_86 : vector<16xf32> to vector<1x16xf32>
      tpu.vector_store %arg12[%swap3A_88, %swap3A_89], %swap3A_92 {strides = array<i32>} : memref<80x16xf32, #tpu.memory_space<vmem>>, vector<1x16xf32>,
      %get3A_93 = arith.constant 5 : i32
      %get3A_94 = arith.index_cast %get3A_93 : i32 to index
      %get3A_95 = arith.constant 0 : index
      %get3A_96 = tpu.vector_load %arg11[%get3A_94, %get3A_95] {strides = array<i32>} : memref<80x128xf32, #tpu.memory_space<vmem>>, vector<1x16xf32>,
      %get3A_97 = vector.shape_cast %get3A_96 : vector<1x16xf32> to vector<16xf32>
      %swap3A_98 = arith.constant 5 : i32
      %swap3A_99 = arith.index_cast %swap3A_98 : i32 to index
      %swap3A_100 = arith.constant 0 : index
      %swap3A_101 = tpu.vector_load %arg12[%swap3A_99, %swap3A_100] {strides = array<i32>} : memref<80x16xf32, #tpu.memory_space<vmem>>, vector<1x16xf32>,
      %swap3A_102 = vector.shape_cast %swap3A_101 : vector<1x16xf32> to vector<16xf32>
      %swap3A_103 = vector.shape_cast %get3A_97 : vector<16xf32> to vector<1x16xf32>
      tpu.vector_store %arg12[%swap3A_99, %swap3A_100], %swap3A_103 {strides = array<i32>} : memref<80x16xf32, #tpu.memory_space<vmem>>, vector<1x16xf32>,
      %get3A_104 = arith.constant 6 : i32
      %get3A_105 = arith.index_cast %get3A_104 : i32 to index
      %get3A_106 = arith.constant 0 : index
      %get3A_107 = tpu.vector_load %arg11[%get3A_105, %get3A_106] {strides = array<i32>} : memref<80x128xf32, #tpu.memory_space<vmem>>, vector<1x16xf32>,
      %get3A_108 = vector.shape_cast %get3A_107 : vector<1x16xf32> to vector<16xf32>
      %swap3A_109 = arith.constant 6 : i32
      %swap3A_110 = arith.index_cast %swap3A_109 : i32 to index
      %swap3A_111 = arith.constant 0 : index
      %swap3A_112 = tpu.vector_load %arg12[%swap3A_110, %swap3A_111] {strides = array<i32>} : memref<80x16xf32, #tpu.memory_space<vmem>>, vector<1x16xf32>,
      %swap3A_113 = vector.shape_cast %swap3A_112 : vector<1x16xf32> to vector<16xf32>
      %swap3A_114 = vector.shape_cast %get3A_108 : vector<16xf32> to vector<1x16xf32>
      tpu.vector_store %arg12[%swap3A_110, %swap3A_111], %swap3A_114 {strides = array<i32>} : memref<80x16xf32, #tpu.memory_space<vmem>>, vector<1x16xf32>,
      %get3A_115 = arith.constant 7 : i32
      %get3A_116 = arith.index_cast %get3A_115 : i32 to index
      %get3A_117 = arith.constant 0 : index
      %get3A_118 = tpu.vector_load %arg11[%get3A_116, %get3A_117] {strides = array<i32>} : memref<80x128xf32, #tpu.memory_space<vmem>>, vector<1x16xf32>,
      %get3A_119 = vector.shape_cast %get3A_118 : vector<1x16xf32> to vector<16xf32>
      %swap3A_120 = arith.constant 7 : i32
      %swap3A_121 = arith.index_cast %swap3A_120 : i32 to index
      %swap3A_122 = arith.constant 0 : index
      %swap3A_123 = tpu.vector_load %arg12[%swap3A_121, %swap3A_122] {strides = array<i32>} : memref<80x16xf32, #tpu.memory_space<vmem>>, vector<1x16xf32>,
      %swap3A_124 = vector.shape_cast %swap3A_123 : vector<1x16xf32> to vector<16xf32>
      %swap3A_125 = vector.shape_cast %get3A_119 : vector<16xf32> to vector<1x16xf32>
      tpu.vector_store %arg12[%swap3A_121, %swap3A_122], %swap3A_125 {strides = array<i32>} : memref<80x16xf32, #tpu.memory_space<vmem>>, vector<1x16xf32>,
      %get3A_126 = arith.constant 8 : i32
      %get3A_127 = arith.index_cast %get3A_126 : i32 to index
      %get3A_128 = arith.constant 0 : index
      %get3A_129 = tpu.vector_load %arg11[%get3A_127, %get3A_128] {strides = array<i32>} : memref<80x128xf32, #tpu.memory_space<vmem>>, vector<1x16xf32>,
      %get3A_130 = vector.shape_cast %get3A_129 : vector<1x16xf32> to vector<16xf32>
      %swap3A_131 = arith.constant 8 : i32
      %swap3A_132 = arith.index_cast %swap3A_131 : i32 to index
      %swap3A_133 = arith.constant 0 : index
      %swap3A_134 = tpu.vector_load %arg12[%swap3A_132, %swap3A_133] {strides = array<i32>} : memref<80x16xf32, #tpu.memory_space<vmem>>, vector<1x16xf32>,
      %swap3A_135 = vector.shape_cast %swap3A_134 : vector<1x16xf32> to vector<16xf32>
      %swap3A_136 = vector.shape_cast %get3A_130 : vector<16xf32> to vector<1x16xf32>
      tpu.vector_store %arg12[%swap3A_132, %swap3A_133], %swap3A_136 {strides = array<i32>} : memref<80x16xf32, #tpu.memory_space<vmem>>, vector<1x16xf32>,
      %get3A_137 = arith.constant 9 : i32
      %get3A_138 = arith.index_cast %get3A_137 : i32 to index
      %get3A_139 = arith.constant 0 : index
      %get3A_140 = tpu.vector_load %arg11[%get3A_138, %get3A_139] {strides = array<i32>} : memref<80x128xf32, #tpu.memory_space<vmem>>, vector<1x16xf32>,
      %get3A_141 = vector.shape_cast %get3A_140 : vector<1x16xf32> to vector<16xf32>
      %swap3A_142 = arith.constant 9 : i32
      %swap3A_143 = arith.index_cast %swap3A_142 : i32 to index
      %swap3A_144 = arith.constant 0 : index
      %swap3A_145 = tpu.vector_load %arg12[%swap3A_143, %swap3A_144] {strides = array<i32>} : memref<80x16xf32, #tpu.memory_space<vmem>>, vector<1x16xf32>,
      %swap3A_146 = vector.shape_cast %swap3A_145 : vector<1x16xf32> to vector<16xf32>
      %swap3A_147 = vector.shape_cast %get3A_141 : vector<16xf32> to vector<1x16xf32>
      tpu.vector_store %arg12[%swap3A_143, %swap3A_144], %swap3A_147 {strides = array<i32>} : memref<80x16xf32, #tpu.memory_space<vmem>>, vector<1x16xf32>,
      %get3A_148 = arith.constant 10 : i32
      %get3A_149 = arith.index_cast %get3A_148 : i32 to index
      %get3A_150 = arith.constant 0 : index
      %get3A_151 = tpu.vector_load %arg11[%get3A_149, %get3A_150] {strides = array<i32>} : memref<80x128xf32, #tpu.memory_space<vmem>>, vector<1x16xf32>,
      %get3A_152 = vector.shape_cast %get3A_151 : vector<1x16xf32> to vector<16xf32>
      %swap3A_153 = arith.constant 10 : i32
      %swap3A_154 = arith.index_cast %swap3A_153 : i32 to index
      %swap3A_155 = arith.constant 0 : index
      %swap3A_156 = tpu.vector_load %arg12[%swap3A_154, %swap3A_155] {strides = array<i32>} : memref<80x16xf32, #tpu.memory_space<vmem>>, vector<1x16xf32>,
      %swap3A_157 = vector.shape_cast %swap3A_156 : vector<1x16xf32> to vector<16xf32>
      %swap3A_158 = vector.shape_cast %get3A_152 : vector<16xf32> to vector<1x16xf32>
      tpu.vector_store %arg12[%swap3A_154, %swap3A_155], %swap3A_158 {strides = array<i32>} : memref<80x16xf32, #tpu.memory_space<vmem>>, vector<1x16xf32>,
      %get3A_159 = arith.constant 11 : i32
      %get3A_160 = arith.index_cast %get3A_159 : i32 to index
      %get3A_161 = arith.constant 0 : index
      %get3A_162 = tpu.vector_load %arg11[%get3A_160, %get3A_161] {strides = array<i32>} : memref<80x128xf32, #tpu.memory_space<vmem>>, vector<1x16xf32>,
      %get3A_163 = vector.shape_cast %get3A_162 : vector<1x16xf32> to vector<16xf32>
      %swap3A_164 = arith.constant 11 : i32
      %swap3A_165 = arith.index_cast %swap3A_164 : i32 to index
      %swap3A_166 = arith.constant 0 : index
      %swap3A_167 = tpu.vector_load %arg12[%swap3A_165, %swap3A_166] {strides = array<i32>} : memref<80x16xf32, #tpu.memory_space<vmem>>, vector<1x16xf32>,
      %swap3A_168 = vector.shape_cast %swap3A_167 : vector<1x16xf32> to vector<16xf32>
      %swap3A_169 = vector.shape_cast %get3A_163 : vector<16xf32> to vector<1x16xf32>
      tpu.vector_store %arg12[%swap3A_165, %swap3A_166], %swap3A_169 {strides = array<i32>} : memref<80x16xf32, #tpu.memory_space<vmem>>, vector<1x16xf32>,
      %get3A_170 = arith.constant 12 : i32
      %get3A_171 = arith.index_cast %get3A_170 : i32 to index
      %get3A_172 = arith.constant 0 : index
      %get3A_173 = tpu.vector_load %arg11[%get3A_171, %get3A_172] {strides = array<i32>} : memref<80x128xf32, #tpu.memory_space<vmem>>, vector<1x16xf32>,
      %get3A_174 = vector.shape_cast %get3A_173 : vector<1x16xf32> to vector<16xf32>
      %swap3A_175 = arith.constant 12 : i32
      %swap3A_176 = arith.index_cast %swap3A_175 : i32 to index
      %swap3A_177 = arith.constant 0 : index
      %swap3A_178 = tpu.vector_load %arg12[%swap3A_176, %swap3A_177] {strides = array<i32>} : memref<80x16xf32, #tpu.memory_space<vmem>>, vector<1x16xf32>,
      %swap3A_179 = vector.shape_cast %swap3A_178 : vector<1x16xf32> to vector<16xf32>
      %swap3A_180 = vector.shape_cast %get3A_174 : vector<16xf32> to vector<1x16xf32>
      tpu.vector_store %arg12[%swap3A_176, %swap3A_177], %swap3A_180 {strides = array<i32>} : memref<80x16xf32, #tpu.memory_space<vmem>>, vector<1x16xf32>,
      %get3A_181 = arith.constant 13 : i32
      %get3A_182 = arith.index_cast %get3A_181 : i32 to index
      %get3A_183 = arith.constant 0 : index
      %get3A_184 = tpu.vector_load %arg11[%get3A_182, %get3A_183] {strides = array<i32>} : memref<80x128xf32, #tpu.memory_space<vmem>>, vector<1x16xf32>,
      %get3A_185 = vector.shape_cast %get3A_184 : vector<1x16xf32> to vector<16xf32>
      %swap3A_186 = arith.constant 13 : i32
      %swap3A_187 = arith.index_cast %swap3A_186 : i32 to index
      %swap3A_188 = arith.constant 0 : index
      %swap3A_189 = tpu.vector_load %arg12[%swap3A_187, %swap3A_188] {strides = array<i32>} : memref<80x16xf32, #tpu.memory_space<vmem>>, vector<1x16xf32>,
      %swap3A_190 = vector.shape_cast %swap3A_189 : vector<1x16xf32> to vector<16xf32>
      %swap3A_191 = vector.shape_cast %get3A_185 : vector<16xf32> to vector<1x16xf32>
      tpu.vector_store %arg12[%swap3A_187, %swap3A_188], %swap3A_191 {strides = array<i32>} : memref<80x16xf32, #tpu.memory_space<vmem>>, vector<1x16xf32>,
      %get3A_192 = arith.constant 14 : i32
      %get3A_193 = arith.index_cast %get3A_192 : i32 to index
      %get3A_194 = arith.constant 0 : index
      %get3A_195 = tpu.vector_load %arg11[%get3A_193, %get3A_194] {strides = array<i32>} : memref<80x128xf32, #tpu.memory_space<vmem>>, vector<1x16xf32>,
      %get3A_196 = vector.shape_cast %get3A_195 : vector<1x16xf32> to vector<16xf32>
      %swap3A_197 = arith.constant 14 : i32
      %swap3A_198 = arith.index_cast %swap3A_197 : i32 to index
      %swap3A_199 = arith.constant 0 : index
      %swap3A_200 = tpu.vector_load %arg12[%swap3A_198, %swap3A_199] {strides = array<i32>} : memref<80x16xf32, #tpu.memory_space<vmem>>, vector<1x16xf32>,
      %swap3A_201 = vector.shape_cast %swap3A_200 : vector<1x16xf32> to vector<16xf32>
      %swap3A_202 = vector.shape_cast %get3A_196 : vector<16xf32> to vector<1x16xf32>
      tpu.vector_store %arg12[%swap3A_198, %swap3A_199], %swap3A_202 {strides = array<i32>} : memref<80x16xf32, #tpu.memory_space<vmem>>, vector<1x16xf32>,
      %get3A_203 = arith.constant 15 : i32
      %get3A_204 = arith.index_cast %get3A_203 : i32 to index
      %get3A_205 = arith.constant 0 : index
      %get3A_206 = tpu.vector_load %arg11[%get3A_204, %get3A_205] {strides = array<i32>} : memref<80x128xf32, #tpu.memory_space<vmem>>, vector<1x16xf32>,
      %get3A_207 = vector.shape_cast %get3A_206 : vector<1x16xf32> to vector<16xf32>
      %swap3A_208 = arith.constant 15 : i32
      %swap3A_209 = arith.index_cast %swap3A_208 : i32 to index
      %swap3A_210 = arith.constant 0 : index
      %swap3A_211 = tpu.vector_load %arg12[%swap3A_209, %swap3A_210] {strides = array<i32>} : memref<80x16xf32, #tpu.memory_space<vmem>>, vector<1x16xf32>,
      %swap3A_212 = vector.shape_cast %swap3A_211 : vector<1x16xf32> to vector<16xf32>
      %swap3A_213 = vector.shape_cast %get3A_207 : vector<16xf32> to vector<1x16xf32>
      tpu.vector_store %arg12[%swap3A_209, %swap3A_210], %swap3A_213 {strides = array<i32>} : memref<80x16xf32, #tpu.memory_space<vmem>>, vector<1x16xf32>,
      %get3A_214 = arith.constant 16 : i32
      %get3A_215 = arith.index_cast %get3A_214 : i32 to index
      %get3A_216 = arith.constant 0 : index
      %get3A_217 = tpu.vector_load %arg11[%get3A_215, %get3A_216] {strides = array<i32>} : memref<80x128xf32, #tpu.memory_space<vmem>>, vector<1x16xf32>,
      %get3A_218 = vector.shape_cast %get3A_217 : vector<1x16xf32> to vector<16xf32>
      %swap3A_219 = arith.constant 16 : i32
      %swap3A_220 = arith.index_cast %swap3A_219 : i32 to index
      %swap3A_221 = arith.constant 0 : index
      %swap3A_222 = tpu.vector_load %arg12[%swap3A_220, %swap3A_221] {strides = array<i32>} : memref<80x16xf32, #tpu.memory_space<vmem>>, vector<1x16xf32>,
      %swap3A_223 = vector.shape_cast %swap3A_222 : vector<1x16xf32> to vector<16xf32>
      %swap3A_224 = vector.shape_cast %get3A_218 : vector<16xf32> to vector<1x16xf32>
      tpu.vector_store %arg12[%swap3A_220, %swap3A_221], %swap3A_224 {strides = array<i32>} : memref<80x16xf32, #tpu.memory_space<vmem>>, vector<1x16xf32>,
      %get3A_225 = arith.constant 17 : i32
      %get3A_226 = arith.index_cast %get3A_225 : i32 to index
      %get3A_227 = arith.constant 0 : index
      %get3A_228 = tpu.vector_load %arg11[%get3A_226, %get3A_227] {strides = array<i32>} : memref<80x128xf32, #tpu.memory_space<vmem>>, vector<1x16xf32>,
      %get3A_229 = vector.shape_cast %get3A_228 : vector<1x16xf32> to vector<16xf32>
      %swap3A_230 = arith.constant 17 : i32
      %swap3A_231 = arith.index_cast %swap3A_230 : i32 to index
      %swap3A_232 = arith.constant 0 : index
      %swap3A_233 = tpu.vector_load %arg12[%swap3A_231, %swap3A_232] {strides = array<i32>} : memref<80x16xf32, #tpu.memory_space<vmem>>, vector<1x16xf32>,
      %swap3A_234 = vector.shape_cast %swap3A_233 : vector<1x16xf32> to vector<16xf32>
      %swap3A_235 = vector.shape_cast %get3A_229 : vector<16xf32> to vector<1x16xf32>
      tpu.vector_store %arg12[%swap3A_231, %swap3A_232], %swap3A_235 {strides = array<i32>} : memref<80x16xf32, #tpu.memory_space<vmem>>, vector<1x16xf32>,
      %get3A_236 = arith.constant 18 : i32
      %get3A_237 = arith.index_cast %get3A_236 : i32 to index
      %get3A_238 = arith.constant 0 : index
      %get3A_239 = tpu.vector_load %arg11[%get3A_237, %get3A_238] {strides = array<i32>} : memref<80x128xf32, #tpu.memory_space<vmem>>, vector<1x16xf32>,
      %get3A_240 = vector.shape_cast %get3A_239 : vector<1x16xf32> to vector<16xf32>
      %swap3A_241 = arith.constant 18 : i32
      %swap3A_242 = arith.index_cast %swap3A_241 : i32 to index
      %swap3A_243 = arith.constant 0 : index
      %swap3A_244 = tpu.vector_load %arg12[%swap3A_242, %swap3A_243] {strides = array<i32>} : memref<80x16xf32, #tpu.memory_space<vmem>>, vector<1x16xf32>,
      %swap3A_245 = vector.shape_cast %swap3A_244 : vector<1x16xf32> to vector<16xf32>
      %swap3A_246 = vector.shape_cast %get3A_240 : vector<16xf32> to vector<1x16xf32>
      tpu.vector_store %arg12[%swap3A_242, %swap3A_243], %swap3A_246 {strides = array<i32>} : memref<80x16xf32, #tpu.memory_space<vmem>>, vector<1x16xf32>,
      %get3A_247 = arith.constant 19 : i32
      %get3A_248 = arith.index_cast %get3A_247 : i32 to index
      %get3A_249 = arith.constant 0 : index
      %get3A_250 = tpu.vector_load %arg11[%get3A_248, %get3A_249] {strides = array<i32>} : memref<80x128xf32, #tpu.memory_space<vmem>>, vector<1x16xf32>,
      %get3A_251 = vector.shape_cast %get3A_250 : vector<1x16xf32> to vector<16xf32>
      %swap3A_252 = arith.constant 19 : i32
      %swap3A_253 = arith.index_cast %swap3A_252 : i32 to index
      %swap3A_254 = arith.constant 0 : index
      %swap3A_255 = tpu.vector_load %arg12[%swap3A_253, %swap3A_254] {strides = array<i32>} : memref<80x16xf32, #tpu.memory_space<vmem>>, vector<1x16xf32>,
      %swap3A_256 = vector.shape_cast %swap3A_255 : vector<1x16xf32> to vector<16xf32>
      %swap3A_257 = vector.shape_cast %get3A_251 : vector<16xf32> to vector<1x16xf32>
      tpu.vector_store %arg12[%swap3A_253, %swap3A_254], %swap3A_257 {strides = array<i32>} : memref<80x16xf32, #tpu.memory_space<vmem>>, vector<1x16xf32>,
      %get3A_258 = arith.constant 20 : i32
      %get3A_259 = arith.index_cast %get3A_258 : i32 to index
      %get3A_260 = arith.constant 0 : index
      %get3A_261 = tpu.vector_load %arg11[%get3A_259, %get3A_260] {strides = array<i32>} : memref<80x128xf32, #tpu.memory_space<vmem>>, vector<1x16xf32>,
      %get3A_262 = vector.shape_cast %get3A_261 : vector<1x16xf32> to vector<16xf32>
      %swap3A_263 = arith.constant 20 : i32
      %swap3A_264 = arith.index_cast %swap3A_263 : i32 to index
      %swap3A_265 = arith.constant 0 : index
      %swap3A_266 = tpu.vector_load %arg12[%swap3A_264, %swap3A_265] {strides = array<i32>} : memref<80x16xf32, #tpu.memory_space<vmem>>, vector<1x16xf32>,
      %swap3A_267 = vector.shape_cast %swap3A_266 : vector<1x16xf32> to vector<16xf32>
      %swap3A_268 = vector.shape_cast %get3A_262 : vector<16xf32> to vector<1x16xf32>
      tpu.vector_store %arg12[%swap3A_264, %swap3A_265], %swap3A_268 {strides = array<i32>} : memref<80x16xf32, #tpu.memory_space<vmem>>, vector<1x16xf32>,
      %get3A_269 = arith.constant 21 : i32
      %get3A_270 = arith.index_cast %get3A_269 : i32 to index
      %get3A_271 = arith.constant 0 : index
      %get3A_272 = tpu.vector_load %arg11[%get3A_270, %get3A_271] {strides = array<i32>} : memref<80x128xf32, #tpu.memory_space<vmem>>, vector<1x16xf32>,
      %get3A_273 = vector.shape_cast %get3A_272 : vector<1x16xf32> to vector<16xf32>
      %swap3A_274 = arith.constant 21 : i32
      %swap3A_275 = arith.index_cast %swap3A_274 : i32 to index
      %swap3A_276 = arith.constant 0 : index
      %swap3A_277 = tpu.vector_load %arg12[%swap3A_275, %swap3A_276] {strides = array<i32>} : memref<80x16xf32, #tpu.memory_space<vmem>>, vector<1x16xf32>,
      %swap3A_278 = vector.shape_cast %swap3A_277 : vector<1x16xf32> to vector<16xf32>
      %swap3A_279 = vector.shape_cast %get3A_273 : vector<16xf32> to vector<1x16xf32>
      tpu.vector_store %arg12[%swap3A_275, %swap3A_276], %swap3A_279 {strides = array<i32>} : memref<80x16xf32, #tpu.memory_space<vmem>>, vector<1x16xf32>,
      %get3A_280 = arith.constant 22 : i32
      %get3A_281 = arith.index_cast %get3A_280 : i32 to index
      %get3A_282 = arith.constant 0 : index
      %get3A_283 = tpu.vector_load %arg11[%get3A_281, %get3A_282] {strides = array<i32>} : memref<80x128xf32, #tpu.memory_space<vmem>>, vector<1x16xf32>,
      %get3A_284 = vector.shape_cast %get3A_283 : vector<1x16xf32> to vector<16xf32>
      %swap3A_285 = arith.constant 22 : i32
      %swap3A_286 = arith.index_cast %swap3A_285 : i32 to index
      %swap3A_287 = arith.constant 0 : index
      %swap3A_288 = tpu.vector_load %arg12[%swap3A_286, %swap3A_287] {strides = array<i32>} : memref<80x16xf32, #tpu.memory_space<vmem>>, vector<1x16xf32>,
      %swap3A_289 = vector.shape_cast %swap3A_288 : vector<1x16xf32> to vector<16xf32>
      %swap3A_290 = vector.shape_cast %get3A_284 : vector<16xf32> to vector<1x16xf32>
      tpu.vector_store %arg12[%swap3A_286, %swap3A_287], %swap3A_290 {strides = array<i32>} : memref<80x16xf32, #tpu.memory_space<vmem>>, vector<1x16xf32>,
      %get3A_291 = arith.constant 23 : i32
      %get3A_292 = arith.index_cast %get3A_291 : i32 to index
      %get3A_293 = arith.constant 0 : index
      %get3A_294 = tpu.vector_load %arg11[%get3A_292, %get3A_293] {strides = array<i32>} : memref<80x128xf32, #tpu.memory_space<vmem>>, vector<1x16xf32>,
      %get3A_295 = vector.shape_cast %get3A_294 : vector<1x16xf32> to vector<16xf32>
      %swap3A_296 = arith.constant 23 : i32
      %swap3A_297 = arith.index_cast %swap3A_296 : i32 to index
      %swap3A_298 = arith.constant 0 : index
      %swap3A_299 = tpu.vector_load %arg12[%swap3A_297, %swap3A_298] {strides = array<i32>} : memref<80x16xf32, #tpu.memory_space<vmem>>, vector<1x16xf32>,
      %swap3A_300 = vector.shape_cast %swap3A_299 : vector<1x16xf32> to vector<16xf32>
      %swap3A_301 = vector.shape_cast %get3A_295 : vector<16xf32> to vector<1x16xf32>
      tpu.vector_store %arg12[%swap3A_297, %swap3A_298], %swap3A_301 {strides = array<i32>} : memref<80x16xf32, #tpu.memory_space<vmem>>, vector<1x16xf32>,
      %get3A_302 = arith.constant 24 : i32
      %get3A_303 = arith.index_cast %get3A_302 : i32 to index
      %get3A_304 = arith.constant 0 : index
      %get3A_305 = tpu.vector_load %arg11[%get3A_303, %get3A_304] {strides = array<i32>} : memref<80x128xf32, #tpu.memory_space<vmem>>, vector<1x16xf32>,
      %get3A_306 = vector.shape_cast %get3A_305 : vector<1x16xf32> to vector<16xf32>
      %swap3A_307 = arith.constant 24 : i32
      %swap3A_308 = arith.index_cast %swap3A_307 : i32 to index
      %swap3A_309 = arith.constant 0 : index
      %swap3A_310 = tpu.vector_load %arg12[%swap3A_308, %swap3A_309] {strides = array<i32>} : memref<80x16xf32, #tpu.memory_space<vmem>>, vector<1x16xf32>,
      %swap3A_311 = vector.shape_cast %swap3A_310 : vector<1x16xf32> to vector<16xf32>
      %swap3A_312 = vector.shape_cast %get3A_306 : vector<16xf32> to vector<1x16xf32>
      tpu.vector_store %arg12[%swap3A_308, %swap3A_309], %swap3A_312 {strides = array<i32>} : memref<80x16xf32, #tpu.memory_space<vmem>>, vector<1x16xf32>,
      %get3A_313 = arith.constant 25 : i32
      %get3A_314 = arith.index_cast %get3A_313 : i32 to index
      %get3A_315 = arith.constant 0 : index
      %get3A_316 = tpu.vector_load %arg11[%get3A_314, %get3A_315] {strides = array<i32>} : memref<80x128xf32, #tpu.memory_space<vmem>>, vector<1x16xf32>,
      %get3A_317 = vector.shape_cast %get3A_316 : vector<1x16xf32> to vector<16xf32>
      %swap3A_318 = arith.constant 25 : i32
      %swap3A_319 = arith.index_cast %swap3A_318 : i32 to index
      %swap3A_320 = arith.constant 0 : index
      %swap3A_321 = tpu.vector_load %arg12[%swap3A_319, %swap3A_320] {strides = array<i32>} : memref<80x16xf32, #tpu.memory_space<vmem>>, vector<1x16xf32>,
      %swap3A_322 = vector.shape_cast %swap3A_321 : vector<1x16xf32> to vector<16xf32>
      %swap3A_323 = vector.shape_cast %get3A_317 : vector<16xf32> to vector<1x16xf32>
      tpu.vector_store %arg12[%swap3A_319, %swap3A_320], %swap3A_323 {strides = array<i32>} : memref<80x16xf32, #tpu.memory_space<vmem>>, vector<1x16xf32>,
      %get3A_324 = arith.constant 26 : i32
      %get3A_325 = arith.index_cast %get3A_324 : i32 to index
      %get3A_326 = arith.constant 0 : index
      %get3A_327 = tpu.vector_load %arg11[%get3A_325, %get3A_326] {strides = array<i32>} : memref<80x128xf32, #tpu.memory_space<vmem>>, vector<1x16xf32>,
      %get3A_328 = vector.shape_cast %get3A_327 : vector<1x16xf32> to vector<16xf32>
      %swap3A_329 = arith.constant 26 : i32
      %swap3A_330 = arith.index_cast %swap3A_329 : i32 to index
      %swap3A_331 = arith.constant 0 : index
      %swap3A_332 = tpu.vector_load %arg12[%swap3A_330, %swap3A_331] {strides = array<i32>} : memref<80x16xf32, #tpu.memory_space<vmem>>, vector<1x16xf32>,
      %swap3A_333 = vector.shape_cast %swap3A_332 : vector<1x16xf32> to vector<16xf32>
      %swap3A_334 = vector.shape_cast %get3A_328 : vector<16xf32> to vector<1x16xf32>
      tpu.vector_store %arg12[%swap3A_330, %swap3A_331], %swap3A_334 {strides = array<i32>} : memref<80x16xf32, #tpu.memory_space<vmem>>, vector<1x16xf32>,
      %get3A_335 = arith.constant 27 : i32
      %get3A_336 = arith.index_cast %get3A_335 : i32 to index
      %get3A_337 = arith.constant 0 : index
      %get3A_338 = tpu.vector_load %arg11[%get3A_336, %get3A_337] {strides = array<i32>} : memref<80x128xf32, #tpu.memory_space<vmem>>, vector<1x16xf32>,
      %get3A_339 = vector.shape_cast %get3A_338 : vector<1x16xf32> to vector<16xf32>
      %swap3A_340 = arith.constant 27 : i32
      %swap3A_341 = arith.index_cast %swap3A_340 : i32 to index
      %swap3A_342 = arith.constant 0 : index
      %swap3A_343 = tpu.vector_load %arg12[%swap3A_341, %swap3A_342] {strides = array<i32>} : memref<80x16xf32, #tpu.memory_space<vmem>>, vector<1x16xf32>,
      %swap3A_344 = vector.shape_cast %swap3A_343 : vector<1x16xf32> to vector<16xf32>
      %swap3A_345 = vector.shape_cast %get3A_339 : vector<16xf32> to vector<1x16xf32>
      tpu.vector_store %arg12[%swap3A_341, %swap3A_342], %swap3A_345 {strides = array<i32>} : memref<80x16xf32, #tpu.memory_space<vmem>>, vector<1x16xf32>,
      %get3A_346 = arith.constant 28 : i32
      %get3A_347 = arith.index_cast %get3A_346 : i32 to index
      %get3A_348 = arith.constant 0 : index
      %get3A_349 = tpu.vector_load %arg11[%get3A_347, %get3A_348] {strides = array<i32>} : memref<80x128xf32, #tpu.memory_space<vmem>>, vector<1x16xf32>,
      %get3A_350 = vector.shape_cast %get3A_349 : vector<1x16xf32> to vector<16xf32>
      %swap3A_351 = arith.constant 28 : i32
      %swap3A_352 = arith.index_cast %swap3A_351 : i32 to index
      %swap3A_353 = arith.constant 0 : index
      %swap3A_354 = tpu.vector_load %arg12[%swap3A_352, %swap3A_353] {strides = array<i32>} : memref<80x16xf32, #tpu.memory_space<vmem>>, vector<1x16xf32>,
      %swap3A_355 = vector.shape_cast %swap3A_354 : vector<1x16xf32> to vector<16xf32>
      %swap3A_356 = vector.shape_cast %get3A_350 : vector<16xf32> to vector<1x16xf32>
      tpu.vector_store %arg12[%swap3A_352, %swap3A_353], %swap3A_356 {strides = array<i32>} : memref<80x16xf32, #tpu.memory_space<vmem>>, vector<1x16xf32>,
      %get3A_357 = arith.constant 29 : i32
      %get3A_358 = arith.index_cast %get3A_357 : i32 to index
      %get3A_359 = arith.constant 0 : index
      %get3A_360 = tpu.vector_load %arg11[%get3A_358, %get3A_359] {strides = array<i32>} : memref<80x128xf32, #tpu.memory_space<vmem>>, vector<1x16xf32>,
      %get3A_361 = vector.shape_cast %get3A_360 : vector<1x16xf32> to vector<16xf32>
      %swap3A_362 = arith.constant 29 : i32
      %swap3A_363 = arith.index_cast %swap3A_362 : i32 to index
      %swap3A_364 = arith.constant 0 : index
      %swap3A_365 = tpu.vector_load %arg12[%swap3A_363, %swap3A_364] {strides = array<i32>} : memref<80x16xf32, #tpu.memory_space<vmem>>, vector<1x16xf32>,
      %swap3A_366 = vector.shape_cast %swap3A_365 : vector<1x16xf32> to vector<16xf32>
      %swap3A_367 = vector.shape_cast %get3A_361 : vector<16xf32> to vector<1x16xf32>
      tpu.vector_store %arg12[%swap3A_363, %swap3A_364], %swap3A_367 {strides = array<i32>} : memref<80x16xf32, #tpu.memory_space<vmem>>, vector<1x16xf32>,
      %get3A_368 = arith.constant 30 : i32
      %get3A_369 = arith.index_cast %get3A_368 : i32 to index
      %get3A_370 = arith.constant 0 : index
      %get3A_371 = tpu.vector_load %arg11[%get3A_369, %get3A_370] {strides = array<i32>} : memref<80x128xf32, #tpu.memory_space<vmem>>, vector<1x16xf32>,
      %get3A_372 = vector.shape_cast %get3A_371 : vector<1x16xf32> to vector<16xf32>
      %swap3A_373 = arith.constant 30 : i32
      %swap3A_374 = arith.index_cast %swap3A_373 : i32 to index
      %swap3A_375 = arith.constant 0 : index
      %swap3A_376 = tpu.vector_load %arg12[%swap3A_374, %swap3A_375] {strides = array<i32>} : memref<80x16xf32, #tpu.memory_space<vmem>>, vector<1x16xf32>,
      %swap3A_377 = vector.shape_cast %swap3A_376 : vector<1x16xf32> to vector<16xf32>
      %swap3A_378 = vector.shape_cast %get3A_372 : vector<16xf32> to vector<1x16xf32>
      tpu.vector_store %arg12[%swap3A_374, %swap3A_375], %swap3A_378 {strides = array<i32>} : memref<80x16xf32, #tpu.memory_space<vmem>>, vector<1x16xf32>,
      %get3A_379 = arith.constant 31 : i32
      %get3A_380 = arith.index_cast %get3A_379 : i32 to index
      %get3A_381 = arith.constant 0 : index
      %get3A_382 = tpu.vector_load %arg11[%get3A_380, %get3A_381] {strides = array<i32>} : memref<80x128xf32, #tpu.memory_space<vmem>>, vector<1x16xf32>,
      %get3A_383 = vector.shape_cast %get3A_382 : vector<1x16xf32> to vector<16xf32>
      %swap3A_384 = arith.constant 31 : i32
      %swap3A_385 = arith.index_cast %swap3A_384 : i32 to index
      %swap3A_386 = arith.constant 0 : index
      %swap3A_387 = tpu.vector_load %arg12[%swap3A_385, %swap3A_386] {strides = array<i32>} : memref<80x16xf32, #tpu.memory_space<vmem>>, vector<1x16xf32>,
      %swap3A_388 = vector.shape_cast %swap3A_387 : vector<1x16xf32> to vector<16xf32>
      %swap3A_389 = vector.shape_cast %get3A_383 : vector<16xf32> to vector<1x16xf32>
      tpu.vector_store %arg12[%swap3A_385, %swap3A_386], %swap3A_389 {strides = array<i32>} : memref<80x16xf32, #tpu.memory_space<vmem>>, vector<1x16xf32>,
      %get3A_390 = arith.constant 32 : i32
      %get3A_391 = arith.index_cast %get3A_390 : i32 to index
      %get3A_392 = arith.constant 0 : index
      %get3A_393 = tpu.vector_load %arg11[%get3A_391, %get3A_392] {strides = array<i32>} : memref<80x128xf32, #tpu.memory_space<vmem>>, vector<1x16xf32>,
      %get3A_394 = vector.shape_cast %get3A_393 : vector<1x16xf32> to vector<16xf32>
      %swap3A_395 = arith.constant 32 : i32
      %swap3A_396 = arith.index_cast %swap3A_395 : i32 to index
      %swap3A_397 = arith.constant 0 : index
      %swap3A_398 = tpu.vector_load %arg12[%swap3A_396, %swap3A_397] {strides = array<i32>} : memref<80x16xf32, #tpu.memory_space<vmem>>, vector<1x16xf32>,
      %swap3A_399 = vector.shape_cast %swap3A_398 : vector<1x16xf32> to vector<16xf32>
      %swap3A_400 = vector.shape_cast %get3A_394 : vector<16xf32> to vector<1x16xf32>
      tpu.vector_store %arg12[%swap3A_396, %swap3A_397], %swap3A_400 {strides = array<i32>} : memref<80x16xf32, #tpu.memory_space<vmem>>, vector<1x16xf32>,
      %get3A_401 = arith.constant 33 : i32
      %get3A_402 = arith.index_cast %get3A_401 : i32 to index
      %get3A_403 = arith.constant 0 : index
      %get3A_404 = tpu.vector_load %arg11[%get3A_402, %get3A_403] {strides = array<i32>} : memref<80x128xf32, #tpu.memory_space<vmem>>, vector<1x16xf32>,
      %get3A_405 = vector.shape_cast %get3A_404 : vector<1x16xf32> to vector<16xf32>
      %swap3A_406 = arith.constant 33 : i32
      %swap3A_407 = arith.index_cast %swap3A_406 : i32 to index
      %swap3A_408 = arith.constant 0 : index
      %swap3A_409 = tpu.vector_load %arg12[%swap3A_407, %swap3A_408] {strides = array<i32>} : memref<80x16xf32, #tpu.memory_space<vmem>>, vector<1x16xf32>,
      %swap3A_410 = vector.shape_cast %swap3A_409 : vector<1x16xf32> to vector<16xf32>
      %swap3A_411 = vector.shape_cast %get3A_405 : vector<16xf32> to vector<1x16xf32>
      tpu.vector_store %arg12[%swap3A_407, %swap3A_408], %swap3A_411 {strides = array<i32>} : memref<80x16xf32, #tpu.memory_space<vmem>>, vector<1x16xf32>,
      %get3A_412 = arith.constant 34 : i32
      %get3A_413 = arith.index_cast %get3A_412 : i32 to index
      %get3A_414 = arith.constant 0 : index
      %get3A_415 = tpu.vector_load %arg11[%get3A_413, %get3A_414] {strides = array<i32>} : memref<80x128xf32, #tpu.memory_space<vmem>>, vector<1x16xf32>,
      %get3A_416 = vector.shape_cast %get3A_415 : vector<1x16xf32> to vector<16xf32>
      %swap3A_417 = arith.constant 34 : i32
      %swap3A_418 = arith.index_cast %swap3A_417 : i32 to index
      %swap3A_419 = arith.constant 0 : index
      %swap3A_420 = tpu.vector_load %arg12[%swap3A_418, %swap3A_419] {strides = array<i32>} : memref<80x16xf32, #tpu.memory_space<vmem>>, vector<1x16xf32>,
      %swap3A_421 = vector.shape_cast %swap3A_420 : vector<1x16xf32> to vector<16xf32>
      %swap3A_422 = vector.shape_cast %get3A_416 : vector<16xf32> to vector<1x16xf32>
      tpu.vector_store %arg12[%swap3A_418, %swap3A_419], %swap3A_422 {strides = array<i32>} : memref<80x16xf32, #tpu.memory_space<vmem>>, vector<1x16xf32>,
      %get3A_423 = arith.constant 35 : i32
      %get3A_424 = arith.index_cast %get3A_423 : i32 to index
      %get3A_425 = arith.constant 0 : index
      %get3A_426 = tpu.vector_load %arg11[%get3A_424, %get3A_425] {strides = array<i32>} : memref<80x128xf32, #tpu.memory_space<vmem>>, vector<1x16xf32>,
      %get3A_427 = vector.shape_cast %get3A_426 : vector<1x16xf32> to vector<16xf32>
      %swap3A_428 = arith.constant 35 : i32
      %swap3A_429 = arith.index_cast %swap3A_428 : i32 to index
      %swap3A_430 = arith.constant 0 : index
      %swap3A_431 = tpu.vector_load %arg12[%swap3A_429, %swap3A_430] {strides = array<i32>} : memref<80x16xf32, #tpu.memory_space<vmem>>, vector<1x16xf32>,
      %swap3A_432 = vector.shape_cast %swap3A_431 : vector<1x16xf32> to vector<16xf32>
      %swap3A_433 = vector.shape_cast %get3A_427 : vector<16xf32> to vector<1x16xf32>
      tpu.vector_store %arg12[%swap3A_429, %swap3A_430], %swap3A_433 {strides = array<i32>} : memref<80x16xf32, #tpu.memory_space<vmem>>, vector<1x16xf32>,
      %get3A_434 = arith.constant 36 : i32
      %get3A_435 = arith.index_cast %get3A_434 : i32 to index
      %get3A_436 = arith.constant 0 : index
      %get3A_437 = tpu.vector_load %arg11[%get3A_435, %get3A_436] {strides = array<i32>} : memref<80x128xf32, #tpu.memory_space<vmem>>, vector<1x16xf32>,
      %get3A_438 = vector.shape_cast %get3A_437 : vector<1x16xf32> to vector<16xf32>
      %swap3A_439 = arith.constant 36 : i32
      %swap3A_440 = arith.index_cast %swap3A_439 : i32 to index
      %swap3A_441 = arith.constant 0 : index
      %swap3A_442 = tpu.vector_load %arg12[%swap3A_440, %swap3A_441] {strides = array<i32>} : memref<80x16xf32, #tpu.memory_space<vmem>>, vector<1x16xf32>,
      %swap3A_443 = vector.shape_cast %swap3A_442 : vector<1x16xf32> to vector<16xf32>
      %swap3A_444 = vector.shape_cast %get3A_438 : vector<16xf32> to vector<1x16xf32>
      tpu.vector_store %arg12[%swap3A_440, %swap3A_441], %swap3A_444 {strides = array<i32>} : memref<80x16xf32, #tpu.memory_space<vmem>>, vector<1x16xf32>,
      %get3A_445 = arith.constant 37 : i32
      %get3A_446 = arith.index_cast %get3A_445 : i32 to index
      %get3A_447 = arith.constant 0 : index
      %get3A_448 = tpu.vector_load %arg11[%get3A_446, %get3A_447] {strides = array<i32>} : memref<80x128xf32, #tpu.memory_space<vmem>>, vector<1x16xf32>,
      %get3A_449 = vector.shape_cast %get3A_448 : vector<1x16xf32> to vector<16xf32>
      %swap3A_450 = arith.constant 37 : i32
      %swap3A_451 = arith.index_cast %swap3A_450 : i32 to index
      %swap3A_452 = arith.constant 0 : index
      %swap3A_453 = tpu.vector_load %arg12[%swap3A_451, %swap3A_452] {strides = array<i32>} : memref<80x16xf32, #tpu.memory_space<vmem>>, vector<1x16xf32>,
      %swap3A_454 = vector.shape_cast %swap3A_453 : vector<1x16xf32> to vector<16xf32>
      %swap3A_455 = vector.shape_cast %get3A_449 : vector<16xf32> to vector<1x16xf32>
      tpu.vector_store %arg12[%swap3A_451, %swap3A_452], %swap3A_455 {strides = array<i32>} : memref<80x16xf32, #tpu.memory_space<vmem>>, vector<1x16xf32>,
      %get3A_456 = arith.constant 38 : i32
      %get3A_457 = arith.index_cast %get3A_456 : i32 to index
      %get3A_458 = arith.constant 0 : index
      %get3A_459 = tpu.vector_load %arg11[%get3A_457, %get3A_458] {strides = array<i32>} : memref<80x128xf32, #tpu.memory_space<vmem>>, vector<1x16xf32>,
      %get3A_460 = vector.shape_cast %get3A_459 : vector<1x16xf32> to vector<16xf32>
      %swap3A_461 = arith.constant 38 : i32
      %swap3A_462 = arith.index_cast %swap3A_461 : i32 to index
      %swap3A_463 = arith.constant 0 : index
      %swap3A_464 = tpu.vector_load %arg12[%swap3A_462, %swap3A_463] {strides = array<i32>} : memref<80x16xf32, #tpu.memory_space<vmem>>, vector<1x16xf32>,
      %swap3A_465 = vector.shape_cast %swap3A_464 : vector<1x16xf32> to vector<16xf32>
      %swap3A_466 = vector.shape_cast %get3A_460 : vector<16xf32> to vector<1x16xf32>
      tpu.vector_store %arg12[%swap3A_462, %swap3A_463], %swap3A_466 {strides = array<i32>} : memref<80x16xf32, #tpu.memory_space<vmem>>, vector<1x16xf32>,
      %get3A_467 = arith.constant 39 : i32
      %get3A_468 = arith.index_cast %get3A_467 : i32 to index
      %get3A_469 = arith.constant 0 : index
      %get3A_470 = tpu.vector_load %arg11[%get3A_468, %get3A_469] {strides = array<i32>} : memref<80x128xf32, #tpu.memory_space<vmem>>, vector<1x16xf32>,
      %get3A_471 = vector.shape_cast %get3A_470 : vector<1x16xf32> to vector<16xf32>
      %swap3A_472 = arith.constant 39 : i32
      %swap3A_473 = arith.index_cast %swap3A_472 : i32 to index
      %swap3A_474 = arith.constant 0 : index
      %swap3A_475 = tpu.vector_load %arg12[%swap3A_473, %swap3A_474] {strides = array<i32>} : memref<80x16xf32, #tpu.memory_space<vmem>>, vector<1x16xf32>,
      %swap3A_476 = vector.shape_cast %swap3A_475 : vector<1x16xf32> to vector<16xf32>
      %swap3A_477 = vector.shape_cast %get3A_471 : vector<16xf32> to vector<1x16xf32>
      tpu.vector_store %arg12[%swap3A_473, %swap3A_474], %swap3A_477 {strides = array<i32>} : memref<80x16xf32, #tpu.memory_space<vmem>>, vector<1x16xf32>,
      %get3A_478 = arith.constant 40 : i32
      %get3A_479 = arith.index_cast %get3A_478 : i32 to index
      %get3A_480 = arith.constant 0 : index
      %get3A_481 = tpu.vector_load %arg11[%get3A_479, %get3A_480] {strides = array<i32>} : memref<80x128xf32, #tpu.memory_space<vmem>>, vector<1x16xf32>,
      %get3A_482 = vector.shape_cast %get3A_481 : vector<1x16xf32> to vector<16xf32>
      %swap3A_483 = arith.constant 40 : i32
      %swap3A_484 = arith.index_cast %swap3A_483 : i32 to index
      %swap3A_485 = arith.constant 0 : index
      %swap3A_486 = tpu.vector_load %arg12[%swap3A_484, %swap3A_485] {strides = array<i32>} : memref<80x16xf32, #tpu.memory_space<vmem>>, vector<1x16xf32>,
      %swap3A_487 = vector.shape_cast %swap3A_486 : vector<1x16xf32> to vector<16xf32>
      %swap3A_488 = vector.shape_cast %get3A_482 : vector<16xf32> to vector<1x16xf32>
      tpu.vector_store %arg12[%swap3A_484, %swap3A_485], %swap3A_488 {strides = array<i32>} : memref<80x16xf32, #tpu.memory_space<vmem>>, vector<1x16xf32>,
      %get3A_489 = arith.constant 41 : i32
      %get3A_490 = arith.index_cast %get3A_489 : i32 to index
      %get3A_491 = arith.constant 0 : index
      %get3A_492 = tpu.vector_load %arg11[%get3A_490, %get3A_491] {strides = array<i32>} : memref<80x128xf32, #tpu.memory_space<vmem>>, vector<1x16xf32>,
      %get3A_493 = vector.shape_cast %get3A_492 : vector<1x16xf32> to vector<16xf32>
      %swap3A_494 = arith.constant 41 : i32
      %swap3A_495 = arith.index_cast %swap3A_494 : i32 to index
      %swap3A_496 = arith.constant 0 : index
      %swap3A_497 = tpu.vector_load %arg12[%swap3A_495, %swap3A_496] {strides = array<i32>} : memref<80x16xf32, #tpu.memory_space<vmem>>, vector<1x16xf32>,
      %swap3A_498 = vector.shape_cast %swap3A_497 : vector<1x16xf32> to vector<16xf32>
      %swap3A_499 = vector.shape_cast %get3A_493 : vector<16xf32> to vector<1x16xf32>
      tpu.vector_store %arg12[%swap3A_495, %swap3A_496], %swap3A_499 {strides = array<i32>} : memref<80x16xf32, #tpu.memory_space<vmem>>, vector<1x16xf32>,
      %get3A_500 = arith.constant 42 : i32
      %get3A_501 = arith.index_cast %get3A_500 : i32 to index
      %get3A_502 = arith.constant 0 : index
      %get3A_503 = tpu.vector_load %arg11[%get3A_501, %get3A_502] {strides = array<i32>} : memref<80x128xf32, #tpu.memory_space<vmem>>, vector<1x16xf32>,
      %get3A_504 = vector.shape_cast %get3A_503 : vector<1x16xf32> to vector<16xf32>
      %swap3A_505 = arith.constant 42 : i32
      %swap3A_506 = arith.index_cast %swap3A_505 : i32 to index
      %swap3A_507 = arith.constant 0 : index
      %swap3A_508 = tpu.vector_load %arg12[%swap3A_506, %swap3A_507] {strides = array<i32>} : memref<80x16xf32, #tpu.memory_space<vmem>>, vector<1x16xf32>,
      %swap3A_509 = vector.shape_cast %swap3A_508 : vector<1x16xf32> to vector<16xf32>
      %swap3A_510 = vector.shape_cast %get3A_504 : vector<16xf32> to vector<1x16xf32>
      tpu.vector_store %arg12[%swap3A_506, %swap3A_507], %swap3A_510 {strides = array<i32>} : memref<80x16xf32, #tpu.memory_space<vmem>>, vector<1x16xf32>,
      %get3A_511 = arith.constant 43 : i32
      %get3A_512 = arith.index_cast %get3A_511 : i32 to index
      %get3A_513 = arith.constant 0 : index
      %get3A_514 = tpu.vector_load %arg11[%get3A_512, %get3A_513] {strides = array<i32>} : memref<80x128xf32, #tpu.memory_space<vmem>>, vector<1x16xf32>,
      %get3A_515 = vector.shape_cast %get3A_514 : vector<1x16xf32> to vector<16xf32>
      %swap3A_516 = arith.constant 43 : i32
      %swap3A_517 = arith.index_cast %swap3A_516 : i32 to index
      %swap3A_518 = arith.constant 0 : index
      %swap3A_519 = tpu.vector_load %arg12[%swap3A_517, %swap3A_518] {strides = array<i32>} : memref<80x16xf32, #tpu.memory_space<vmem>>, vector<1x16xf32>,
      %swap3A_520 = vector.shape_cast %swap3A_519 : vector<1x16xf32> to vector<16xf32>
      %swap3A_521 = vector.shape_cast %get3A_515 : vector<16xf32> to vector<1x16xf32>
      tpu.vector_store %arg12[%swap3A_517, %swap3A_518], %swap3A_521 {strides = array<i32>} : memref<80x16xf32, #tpu.memory_space<vmem>>, vector<1x16xf32>,
      %get3A_522 = arith.constant 44 : i32
      %get3A_523 = arith.index_cast %get3A_522 : i32 to index
      %get3A_524 = arith.constant 0 : index
      %get3A_525 = tpu.vector_load %arg11[%get3A_523, %get3A_524] {strides = array<i32>} : memref<80x128xf32, #tpu.memory_space<vmem>>, vector<1x16xf32>,
      %get3A_526 = vector.shape_cast %get3A_525 : vector<1x16xf32> to vector<16xf32>
      %swap3A_527 = arith.constant 44 : i32
      %swap3A_528 = arith.index_cast %swap3A_527 : i32 to index
      %swap3A_529 = arith.constant 0 : index
      %swap3A_530 = tpu.vector_load %arg12[%swap3A_528, %swap3A_529] {strides = array<i32>} : memref<80x16xf32, #tpu.memory_space<vmem>>, vector<1x16xf32>,
      %swap3A_531 = vector.shape_cast %swap3A_530 : vector<1x16xf32> to vector<16xf32>
      %swap3A_532 = vector.shape_cast %get3A_526 : vector<16xf32> to vector<1x16xf32>
      tpu.vector_store %arg12[%swap3A_528, %swap3A_529], %swap3A_532 {strides = array<i32>} : memref<80x16xf32, #tpu.memory_space<vmem>>, vector<1x16xf32>,
      %get3A_533 = arith.constant 45 : i32
      %get3A_534 = arith.index_cast %get3A_533 : i32 to index
      %get3A_535 = arith.constant 0 : index
      %get3A_536 = tpu.vector_load %arg11[%get3A_534, %get3A_535] {strides = array<i32>} : memref<80x128xf32, #tpu.memory_space<vmem>>, vector<1x16xf32>,
      %get3A_537 = vector.shape_cast %get3A_536 : vector<1x16xf32> to vector<16xf32>
      %swap3A_538 = arith.constant 45 : i32
      %swap3A_539 = arith.index_cast %swap3A_538 : i32 to index
      %swap3A_540 = arith.constant 0 : index
      %swap3A_541 = tpu.vector_load %arg12[%swap3A_539, %swap3A_540] {strides = array<i32>} : memref<80x16xf32, #tpu.memory_space<vmem>>, vector<1x16xf32>,
      %swap3A_542 = vector.shape_cast %swap3A_541 : vector<1x16xf32> to vector<16xf32>
      %swap3A_543 = vector.shape_cast %get3A_537 : vector<16xf32> to vector<1x16xf32>
      tpu.vector_store %arg12[%swap3A_539, %swap3A_540], %swap3A_543 {strides = array<i32>} : memref<80x16xf32, #tpu.memory_space<vmem>>, vector<1x16xf32>,
      %get3A_544 = arith.constant 46 : i32
      %get3A_545 = arith.index_cast %get3A_544 : i32 to index
      %get3A_546 = arith.constant 0 : index
      %get3A_547 = tpu.vector_load %arg11[%get3A_545, %get3A_546] {strides = array<i32>} : memref<80x128xf32, #tpu.memory_space<vmem>>, vector<1x16xf32>,
      %get3A_548 = vector.shape_cast %get3A_547 : vector<1x16xf32> to vector<16xf32>
      %swap3A_549 = arith.constant 46 : i32
      %swap3A_550 = arith.index_cast %swap3A_549 : i32 to index
      %swap3A_551 = arith.constant 0 : index
      %swap3A_552 = tpu.vector_load %arg12[%swap3A_550, %swap3A_551] {strides = array<i32>} : memref<80x16xf32, #tpu.memory_space<vmem>>, vector<1x16xf32>,
      %swap3A_553 = vector.shape_cast %swap3A_552 : vector<1x16xf32> to vector<16xf32>
      %swap3A_554 = vector.shape_cast %get3A_548 : vector<16xf32> to vector<1x16xf32>
      tpu.vector_store %arg12[%swap3A_550, %swap3A_551], %swap3A_554 {strides = array<i32>} : memref<80x16xf32, #tpu.memory_space<vmem>>, vector<1x16xf32>,
      %get3A_555 = arith.constant 47 : i32
      %get3A_556 = arith.index_cast %get3A_555 : i32 to index
      %get3A_557 = arith.constant 0 : index
      %get3A_558 = tpu.vector_load %arg11[%get3A_556, %get3A_557] {strides = array<i32>} : memref<80x128xf32, #tpu.memory_space<vmem>>, vector<1x16xf32>,
      %get3A_559 = vector.shape_cast %get3A_558 : vector<1x16xf32> to vector<16xf32>
      %swap3A_560 = arith.constant 47 : i32
      %swap3A_561 = arith.index_cast %swap3A_560 : i32 to index
      %swap3A_562 = arith.constant 0 : index
      %swap3A_563 = tpu.vector_load %arg12[%swap3A_561, %swap3A_562] {strides = array<i32>} : memref<80x16xf32, #tpu.memory_space<vmem>>, vector<1x16xf32>,
      %swap3A_564 = vector.shape_cast %swap3A_563 : vector<1x16xf32> to vector<16xf32>
      %swap3A_565 = vector.shape_cast %get3A_559 : vector<16xf32> to vector<1x16xf32>
      tpu.vector_store %arg12[%swap3A_561, %swap3A_562], %swap3A_565 {strides = array<i32>} : memref<80x16xf32, #tpu.memory_space<vmem>>, vector<1x16xf32>,
      %get3A_566 = arith.constant 48 : i32
      %get3A_567 = arith.index_cast %get3A_566 : i32 to index
      %get3A_568 = arith.constant 0 : index
      %get3A_569 = tpu.vector_load %arg11[%get3A_567, %get3A_568] {strides = array<i32>} : memref<80x128xf32, #tpu.memory_space<vmem>>, vector<1x16xf32>,
      %get3A_570 = vector.shape_cast %get3A_569 : vector<1x16xf32> to vector<16xf32>
      %swap3A_571 = arith.constant 48 : i32
      %swap3A_572 = arith.index_cast %swap3A_571 : i32 to index
      %swap3A_573 = arith.constant 0 : index
      %swap3A_574 = tpu.vector_load %arg12[%swap3A_572, %swap3A_573] {strides = array<i32>} : memref<80x16xf32, #tpu.memory_space<vmem>>, vector<1x16xf32>,
      %swap3A_575 = vector.shape_cast %swap3A_574 : vector<1x16xf32> to vector<16xf32>
      %swap3A_576 = vector.shape_cast %get3A_570 : vector<16xf32> to vector<1x16xf32>
      tpu.vector_store %arg12[%swap3A_572, %swap3A_573], %swap3A_576 {strides = array<i32>} : memref<80x16xf32, #tpu.memory_space<vmem>>, vector<1x16xf32>,
      %get3A_577 = arith.constant 49 : i32
      %get3A_578 = arith.index_cast %get3A_577 : i32 to index
      %get3A_579 = arith.constant 0 : index
      %get3A_580 = tpu.vector_load %arg11[%get3A_578, %get3A_579] {strides = array<i32>} : memref<80x128xf32, #tpu.memory_space<vmem>>, vector<1x16xf32>,
      %get3A_581 = vector.shape_cast %get3A_580 : vector<1x16xf32> to vector<16xf32>
      %swap3A_582 = arith.constant 49 : i32
      %swap3A_583 = arith.index_cast %swap3A_582 : i32 to index
      %swap3A_584 = arith.constant 0 : index
      %swap3A_585 = tpu.vector_load %arg12[%swap3A_583, %swap3A_584] {strides = array<i32>} : memref<80x16xf32, #tpu.memory_space<vmem>>, vector<1x16xf32>,
      %swap3A_586 = vector.shape_cast %swap3A_585 : vector<1x16xf32> to vector<16xf32>
      %swap3A_587 = vector.shape_cast %get3A_581 : vector<16xf32> to vector<1x16xf32>
      tpu.vector_store %arg12[%swap3A_583, %swap3A_584], %swap3A_587 {strides = array<i32>} : memref<80x16xf32, #tpu.memory_space<vmem>>, vector<1x16xf32>,
      %get3A_588 = arith.constant 50 : i32
      %get3A_589 = arith.index_cast %get3A_588 : i32 to index
      %get3A_590 = arith.constant 0 : index
      %get3A_591 = tpu.vector_load %arg11[%get3A_589, %get3A_590] {strides = array<i32>} : memref<80x128xf32, #tpu.memory_space<vmem>>, vector<1x16xf32>,
      %get3A_592 = vector.shape_cast %get3A_591 : vector<1x16xf32> to vector<16xf32>
      %swap3A_593 = arith.constant 50 : i32
      %swap3A_594 = arith.index_cast %swap3A_593 : i32 to index
      %swap3A_595 = arith.constant 0 : index
      %swap3A_596 = tpu.vector_load %arg12[%swap3A_594, %swap3A_595] {strides = array<i32>} : memref<80x16xf32, #tpu.memory_space<vmem>>, vector<1x16xf32>,
      %swap3A_597 = vector.shape_cast %swap3A_596 : vector<1x16xf32> to vector<16xf32>
      %swap3A_598 = vector.shape_cast %get3A_592 : vector<16xf32> to vector<1x16xf32>
      tpu.vector_store %arg12[%swap3A_594, %swap3A_595], %swap3A_598 {strides = array<i32>} : memref<80x16xf32, #tpu.memory_space<vmem>>, vector<1x16xf32>,
      %get3A_599 = arith.constant 51 : i32
      %get3A_600 = arith.index_cast %get3A_599 : i32 to index
      %get3A_601 = arith.constant 0 : index
      %get3A_602 = tpu.vector_load %arg11[%get3A_600, %get3A_601] {strides = array<i32>} : memref<80x128xf32, #tpu.memory_space<vmem>>, vector<1x16xf32>,
      %get3A_603 = vector.shape_cast %get3A_602 : vector<1x16xf32> to vector<16xf32>
      %swap3A_604 = arith.constant 51 : i32
      %swap3A_605 = arith.index_cast %swap3A_604 : i32 to index
      %swap3A_606 = arith.constant 0 : index
      %swap3A_607 = tpu.vector_load %arg12[%swap3A_605, %swap3A_606] {strides = array<i32>} : memref<80x16xf32, #tpu.memory_space<vmem>>, vector<1x16xf32>,
      %swap3A_608 = vector.shape_cast %swap3A_607 : vector<1x16xf32> to vector<16xf32>
      %swap3A_609 = vector.shape_cast %get3A_603 : vector<16xf32> to vector<1x16xf32>
      tpu.vector_store %arg12[%swap3A_605, %swap3A_606], %swap3A_609 {strides = array<i32>} : memref<80x16xf32, #tpu.memory_space<vmem>>, vector<1x16xf32>,
      %get3A_610 = arith.constant 52 : i32
      %get3A_611 = arith.index_cast %get3A_610 : i32 to index
      %get3A_612 = arith.constant 0 : index
      %get3A_613 = tpu.vector_load %arg11[%get3A_611, %get3A_612] {strides = array<i32>} : memref<80x128xf32, #tpu.memory_space<vmem>>, vector<1x16xf32>,
      %get3A_614 = vector.shape_cast %get3A_613 : vector<1x16xf32> to vector<16xf32>
      %swap3A_615 = arith.constant 52 : i32
      %swap3A_616 = arith.index_cast %swap3A_615 : i32 to index
      %swap3A_617 = arith.constant 0 : index
      %swap3A_618 = tpu.vector_load %arg12[%swap3A_616, %swap3A_617] {strides = array<i32>} : memref<80x16xf32, #tpu.memory_space<vmem>>, vector<1x16xf32>,
      %swap3A_619 = vector.shape_cast %swap3A_618 : vector<1x16xf32> to vector<16xf32>
      %swap3A_620 = vector.shape_cast %get3A_614 : vector<16xf32> to vector<1x16xf32>
      tpu.vector_store %arg12[%swap3A_616, %swap3A_617], %swap3A_620 {strides = array<i32>} : memref<80x16xf32, #tpu.memory_space<vmem>>, vector<1x16xf32>,
      %get3A_621 = arith.constant 53 : i32
      %get3A_622 = arith.index_cast %get3A_621 : i32 to index
      %get3A_623 = arith.constant 0 : index
      %get3A_624 = tpu.vector_load %arg11[%get3A_622, %get3A_623] {strides = array<i32>} : memref<80x128xf32, #tpu.memory_space<vmem>>, vector<1x16xf32>,
      %get3A_625 = vector.shape_cast %get3A_624 : vector<1x16xf32> to vector<16xf32>
      %swap3A_626 = arith.constant 53 : i32
      %swap3A_627 = arith.index_cast %swap3A_626 : i32 to index
      %swap3A_628 = arith.constant 0 : index
      %swap3A_629 = tpu.vector_load %arg12[%swap3A_627, %swap3A_628] {strides = array<i32>} : memref<80x16xf32, #tpu.memory_space<vmem>>, vector<1x16xf32>,
      %swap3A_630 = vector.shape_cast %swap3A_629 : vector<1x16xf32> to vector<16xf32>
      %swap3A_631 = vector.shape_cast %get3A_625 : vector<16xf32> to vector<1x16xf32>
      tpu.vector_store %arg12[%swap3A_627, %swap3A_628], %swap3A_631 {strides = array<i32>} : memref<80x16xf32, #tpu.memory_space<vmem>>, vector<1x16xf32>,
      %get3A_632 = arith.constant 54 : i32
      %get3A_633 = arith.index_cast %get3A_632 : i32 to index
      %get3A_634 = arith.constant 0 : index
      %get3A_635 = tpu.vector_load %arg11[%get3A_633, %get3A_634] {strides = array<i32>} : memref<80x128xf32, #tpu.memory_space<vmem>>, vector<1x16xf32>,
      %get3A_636 = vector.shape_cast %get3A_635 : vector<1x16xf32> to vector<16xf32>
      %swap3A_637 = arith.constant 54 : i32
      %swap3A_638 = arith.index_cast %swap3A_637 : i32 to index
      %swap3A_639 = arith.constant 0 : index
      %swap3A_640 = tpu.vector_load %arg12[%swap3A_638, %swap3A_639] {strides = array<i32>} : memref<80x16xf32, #tpu.memory_space<vmem>>, vector<1x16xf32>,
      %swap3A_641 = vector.shape_cast %swap3A_640 : vector<1x16xf32> to vector<16xf32>
      %swap3A_642 = vector.shape_cast %get3A_636 : vector<16xf32> to vector<1x16xf32>
      tpu.vector_store %arg12[%swap3A_638, %swap3A_639], %swap3A_642 {strides = array<i32>} : memref<80x16xf32, #tpu.memory_space<vmem>>, vector<1x16xf32>,
      %get3A_643 = arith.constant 55 : i32
      %get3A_644 = arith.index_cast %get3A_643 : i32 to index
      %get3A_645 = arith.constant 0 : index
      %get3A_646 = tpu.vector_load %arg11[%get3A_644, %get3A_645] {strides = array<i32>} : memref<80x128xf32, #tpu.memory_space<vmem>>, vector<1x16xf32>,
      %get3A_647 = vector.shape_cast %get3A_646 : vector<1x16xf32> to vector<16xf32>
      %swap3A_648 = arith.constant 55 : i32
      %swap3A_649 = arith.index_cast %swap3A_648 : i32 to index
      %swap3A_650 = arith.constant 0 : index
      %swap3A_651 = tpu.vector_load %arg12[%swap3A_649, %swap3A_650] {strides = array<i32>} : memref<80x16xf32, #tpu.memory_space<vmem>>, vector<1x16xf32>,
      %swap3A_652 = vector.shape_cast %swap3A_651 : vector<1x16xf32> to vector<16xf32>
      %swap3A_653 = vector.shape_cast %get3A_647 : vector<16xf32> to vector<1x16xf32>
      tpu.vector_store %arg12[%swap3A_649, %swap3A_650], %swap3A_653 {strides = array<i32>} : memref<80x16xf32, #tpu.memory_space<vmem>>, vector<1x16xf32>,
      %get3A_654 = arith.constant 56 : i32
      %get3A_655 = arith.index_cast %get3A_654 : i32 to index
      %get3A_656 = arith.constant 0 : index
      %get3A_657 = tpu.vector_load %arg11[%get3A_655, %get3A_656] {strides = array<i32>} : memref<80x128xf32, #tpu.memory_space<vmem>>, vector<1x16xf32>,
      %get3A_658 = vector.shape_cast %get3A_657 : vector<1x16xf32> to vector<16xf32>
      %swap3A_659 = arith.constant 56 : i32
      %swap3A_660 = arith.index_cast %swap3A_659 : i32 to index
      %swap3A_661 = arith.constant 0 : index
      %swap3A_662 = tpu.vector_load %arg12[%swap3A_660, %swap3A_661] {strides = array<i32>} : memref<80x16xf32, #tpu.memory_space<vmem>>, vector<1x16xf32>,
      %swap3A_663 = vector.shape_cast %swap3A_662 : vector<1x16xf32> to vector<16xf32>
      %swap3A_664 = vector.shape_cast %get3A_658 : vector<16xf32> to vector<1x16xf32>
      tpu.vector_store %arg12[%swap3A_660, %swap3A_661], %swap3A_664 {strides = array<i32>} : memref<80x16xf32, #tpu.memory_space<vmem>>, vector<1x16xf32>,
      %get3A_665 = arith.constant 57 : i32
      %get3A_666 = arith.index_cast %get3A_665 : i32 to index
      %get3A_667 = arith.constant 0 : index
      %get3A_668 = tpu.vector_load %arg11[%get3A_666, %get3A_667] {strides = array<i32>} : memref<80x128xf32, #tpu.memory_space<vmem>>, vector<1x16xf32>,
      %get3A_669 = vector.shape_cast %get3A_668 : vector<1x16xf32> to vector<16xf32>
      %swap3A_670 = arith.constant 57 : i32
      %swap3A_671 = arith.index_cast %swap3A_670 : i32 to index
      %swap3A_672 = arith.constant 0 : index
      %swap3A_673 = tpu.vector_load %arg12[%swap3A_671, %swap3A_672] {strides = array<i32>} : memref<80x16xf32, #tpu.memory_space<vmem>>, vector<1x16xf32>,
      %swap3A_674 = vector.shape_cast %swap3A_673 : vector<1x16xf32> to vector<16xf32>
      %swap3A_675 = vector.shape_cast %get3A_669 : vector<16xf32> to vector<1x16xf32>
      tpu.vector_store %arg12[%swap3A_671, %swap3A_672], %swap3A_675 {strides = array<i32>} : memref<80x16xf32, #tpu.memory_space<vmem>>, vector<1x16xf32>,
      %get3A_676 = arith.constant 58 : i32
      %get3A_677 = arith.index_cast %get3A_676 : i32 to index
      %get3A_678 = arith.constant 0 : index
      %get3A_679 = tpu.vector_load %arg11[%get3A_677, %get3A_678] {strides = array<i32>} : memref<80x128xf32, #tpu.memory_space<vmem>>, vector<1x16xf32>,
      %get3A_680 = vector.shape_cast %get3A_679 : vector<1x16xf32> to vector<16xf32>
      %swap3A_681 = arith.constant 58 : i32
      %swap3A_682 = arith.index_cast %swap3A_681 : i32 to index
      %swap3A_683 = arith.constant 0 : index
      %swap3A_684 = tpu.vector_load %arg12[%swap3A_682, %swap3A_683] {strides = array<i32>} : memref<80x16xf32, #tpu.memory_space<vmem>>, vector<1x16xf32>,
      %swap3A_685 = vector.shape_cast %swap3A_684 : vector<1x16xf32> to vector<16xf32>
      %swap3A_686 = vector.shape_cast %get3A_680 : vector<16xf32> to vector<1x16xf32>
      tpu.vector_store %arg12[%swap3A_682, %swap3A_683], %swap3A_686 {strides = array<i32>} : memref<80x16xf32, #tpu.memory_space<vmem>>, vector<1x16xf32>,
      %get3A_687 = arith.constant 59 : i32
      %get3A_688 = arith.index_cast %get3A_687 : i32 to index
      %get3A_689 = arith.constant 0 : index
      %get3A_690 = tpu.vector_load %arg11[%get3A_688, %get3A_689] {strides = array<i32>} : memref<80x128xf32, #tpu.memory_space<vmem>>, vector<1x16xf32>,
      %get3A_691 = vector.shape_cast %get3A_690 : vector<1x16xf32> to vector<16xf32>
      %swap3A_692 = arith.constant 59 : i32
      %swap3A_693 = arith.index_cast %swap3A_692 : i32 to index
      %swap3A_694 = arith.constant 0 : index
      %swap3A_695 = tpu.vector_load %arg12[%swap3A_693, %swap3A_694] {strides = array<i32>} : memref<80x16xf32, #tpu.memory_space<vmem>>, vector<1x16xf32>,
      %swap3A_696 = vector.shape_cast %swap3A_695 : vector<1x16xf32> to vector<16xf32>
      %swap3A_697 = vector.shape_cast %get3A_691 : vector<16xf32> to vector<1x16xf32>
      tpu.vector_store %arg12[%swap3A_693, %swap3A_694], %swap3A_697 {strides = array<i32>} : memref<80x16xf32, #tpu.memory_space<vmem>>, vector<1x16xf32>,
      %get3A_698 = arith.constant 60 : i32
      %get3A_699 = arith.index_cast %get3A_698 : i32 to index
      %get3A_700 = arith.constant 0 : index
      %get3A_701 = tpu.vector_load %arg11[%get3A_699, %get3A_700] {strides = array<i32>} : memref<80x128xf32, #tpu.memory_space<vmem>>, vector<1x16xf32>,
      %get3A_702 = vector.shape_cast %get3A_701 : vector<1x16xf32> to vector<16xf32>
      %swap3A_703 = arith.constant 60 : i32
      %swap3A_704 = arith.index_cast %swap3A_703 : i32 to index
      %swap3A_705 = arith.constant 0 : index
      %swap3A_706 = tpu.vector_load %arg12[%swap3A_704, %swap3A_705] {strides = array<i32>} : memref<80x16xf32, #tpu.memory_space<vmem>>, vector<1x16xf32>,
      %swap3A_707 = vector.shape_cast %swap3A_706 : vector<1x16xf32> to vector<16xf32>
      %swap3A_708 = vector.shape_cast %get3A_702 : vector<16xf32> to vector<1x16xf32>
      tpu.vector_store %arg12[%swap3A_704, %swap3A_705], %swap3A_708 {strides = array<i32>} : memref<80x16xf32, #tpu.memory_space<vmem>>, vector<1x16xf32>,
      %get3A_709 = arith.constant 61 : i32
      %get3A_710 = arith.index_cast %get3A_709 : i32 to index
      %get3A_711 = arith.constant 0 : index
      %get3A_712 = tpu.vector_load %arg11[%get3A_710, %get3A_711] {strides = array<i32>} : memref<80x128xf32, #tpu.memory_space<vmem>>, vector<1x16xf32>,
      %get3A_713 = vector.shape_cast %get3A_712 : vector<1x16xf32> to vector<16xf32>
      %swap3A_714 = arith.constant 61 : i32
      %swap3A_715 = arith.index_cast %swap3A_714 : i32 to index
      %swap3A_716 = arith.constant 0 : index
      %swap3A_717 = tpu.vector_load %arg12[%swap3A_715, %swap3A_716] {strides = array<i32>} : memref<80x16xf32, #tpu.memory_space<vmem>>, vector<1x16xf32>,
      %swap3A_718 = vector.shape_cast %swap3A_717 : vector<1x16xf32> to vector<16xf32>
      %swap3A_719 = vector.shape_cast %get3A_713 : vector<16xf32> to vector<1x16xf32>
      tpu.vector_store %arg12[%swap3A_715, %swap3A_716], %swap3A_719 {strides = array<i32>} : memref<80x16xf32, #tpu.memory_space<vmem>>, vector<1x16xf32>,
      %get3A_720 = arith.constant 62 : i32
      %get3A_721 = arith.index_cast %get3A_720 : i32 to index
      %get3A_722 = arith.constant 0 : index
      %get3A_723 = tpu.vector_load %arg11[%get3A_721, %get3A_722] {strides = array<i32>} : memref<80x128xf32, #tpu.memory_space<vmem>>, vector<1x16xf32>,
      %get3A_724 = vector.shape_cast %get3A_723 : vector<1x16xf32> to vector<16xf32>
      %swap3A_725 = arith.constant 62 : i32
      %swap3A_726 = arith.index_cast %swap3A_725 : i32 to index
      %swap3A_727 = arith.constant 0 : index
      %swap3A_728 = tpu.vector_load %arg12[%swap3A_726, %swap3A_727] {strides = array<i32>} : memref<80x16xf32, #tpu.memory_space<vmem>>, vector<1x16xf32>,
      %swap3A_729 = vector.shape_cast %swap3A_728 : vector<1x16xf32> to vector<16xf32>
      %swap3A_730 = vector.shape_cast %get3A_724 : vector<16xf32> to vector<1x16xf32>
      tpu.vector_store %arg12[%swap3A_726, %swap3A_727], %swap3A_730 {strides = array<i32>} : memref<80x16xf32, #tpu.memory_space<vmem>>, vector<1x16xf32>,
      %get3A_731 = arith.constant 63 : i32
      %get3A_732 = arith.index_cast %get3A_731 : i32 to index
      %get3A_733 = arith.constant 0 : index
      %get3A_734 = tpu.vector_load %arg11[%get3A_732, %get3A_733] {strides = array<i32>} : memref<80x128xf32, #tpu.memory_space<vmem>>, vector<1x16xf32>,
      %get3A_735 = vector.shape_cast %get3A_734 : vector<1x16xf32> to vector<16xf32>
      %swap3A_736 = arith.constant 63 : i32
      %swap3A_737 = arith.index_cast %swap3A_736 : i32 to index
      %swap3A_738 = arith.constant 0 : index
      %swap3A_739 = tpu.vector_load %arg12[%swap3A_737, %swap3A_738] {strides = array<i32>} : memref<80x16xf32, #tpu.memory_space<vmem>>, vector<1x16xf32>,
      %swap3A_740 = vector.shape_cast %swap3A_739 : vector<1x16xf32> to vector<16xf32>
      %swap3A_741 = vector.shape_cast %get3A_735 : vector<16xf32> to vector<1x16xf32>
      tpu.vector_store %arg12[%swap3A_737, %swap3A_738], %swap3A_741 {strides = array<i32>} : memref<80x16xf32, #tpu.memory_space<vmem>>, vector<1x16xf32>,
      %get3A_742 = arith.constant 64 : i32
      %get3A_743 = arith.index_cast %get3A_742 : i32 to index
      %get3A_744 = arith.constant 0 : index
      %get3A_745 = tpu.vector_load %arg11[%get3A_743, %get3A_744] {strides = array<i32>} : memref<80x128xf32, #tpu.memory_space<vmem>>, vector<1x16xf32>,
      %get3A_746 = vector.shape_cast %get3A_745 : vector<1x16xf32> to vector<16xf32>
      %swap3A_747 = arith.constant 64 : i32
      %swap3A_748 = arith.index_cast %swap3A_747 : i32 to index
      %swap3A_749 = arith.constant 0 : index
      %swap3A_750 = tpu.vector_load %arg12[%swap3A_748, %swap3A_749] {strides = array<i32>} : memref<80x16xf32, #tpu.memory_space<vmem>>, vector<1x16xf32>,
      %swap3A_751 = vector.shape_cast %swap3A_750 : vector<1x16xf32> to vector<16xf32>
      %swap3A_752 = vector.shape_cast %get3A_746 : vector<16xf32> to vector<1x16xf32>
      tpu.vector_store %arg12[%swap3A_748, %swap3A_749], %swap3A_752 {strides = array<i32>} : memref<80x16xf32, #tpu.memory_space<vmem>>, vector<1x16xf32>,
      %get3A_753 = arith.constant 65 : i32
      %get3A_754 = arith.index_cast %get3A_753 : i32 to index
      %get3A_755 = arith.constant 0 : index
      %get3A_756 = tpu.vector_load %arg11[%get3A_754, %get3A_755] {strides = array<i32>} : memref<80x128xf32, #tpu.memory_space<vmem>>, vector<1x16xf32>,
      %get3A_757 = vector.shape_cast %get3A_756 : vector<1x16xf32> to vector<16xf32>
      %swap3A_758 = arith.constant 65 : i32
      %swap3A_759 = arith.index_cast %swap3A_758 : i32 to index
      %swap3A_760 = arith.constant 0 : index
      %swap3A_761 = tpu.vector_load %arg12[%swap3A_759, %swap3A_760] {strides = array<i32>} : memref<80x16xf32, #tpu.memory_space<vmem>>, vector<1x16xf32>,
      %swap3A_762 = vector.shape_cast %swap3A_761 : vector<1x16xf32> to vector<16xf32>
      %swap3A_763 = vector.shape_cast %get3A_757 : vector<16xf32> to vector<1x16xf32>
      tpu.vector_store %arg12[%swap3A_759, %swap3A_760], %swap3A_763 {strides = array<i32>} : memref<80x16xf32, #tpu.memory_space<vmem>>, vector<1x16xf32>,
      %get3A_764 = arith.constant 66 : i32
      %get3A_765 = arith.index_cast %get3A_764 : i32 to index
      %get3A_766 = arith.constant 0 : index
      %get3A_767 = tpu.vector_load %arg11[%get3A_765, %get3A_766] {strides = array<i32>} : memref<80x128xf32, #tpu.memory_space<vmem>>, vector<1x16xf32>,
      %get3A_768 = vector.shape_cast %get3A_767 : vector<1x16xf32> to vector<16xf32>
      %swap3A_769 = arith.constant 66 : i32
      %swap3A_770 = arith.index_cast %swap3A_769 : i32 to index
      %swap3A_771 = arith.constant 0 : index
      %swap3A_772 = tpu.vector_load %arg12[%swap3A_770, %swap3A_771] {strides = array<i32>} : memref<80x16xf32, #tpu.memory_space<vmem>>, vector<1x16xf32>,
      %swap3A_773 = vector.shape_cast %swap3A_772 : vector<1x16xf32> to vector<16xf32>
      %swap3A_774 = vector.shape_cast %get3A_768 : vector<16xf32> to vector<1x16xf32>
      tpu.vector_store %arg12[%swap3A_770, %swap3A_771], %swap3A_774 {strides = array<i32>} : memref<80x16xf32, #tpu.memory_space<vmem>>, vector<1x16xf32>,
      %get3A_775 = arith.constant 67 : i32
      %get3A_776 = arith.index_cast %get3A_775 : i32 to index
      %get3A_777 = arith.constant 0 : index
      %get3A_778 = tpu.vector_load %arg11[%get3A_776, %get3A_777] {strides = array<i32>} : memref<80x128xf32, #tpu.memory_space<vmem>>, vector<1x16xf32>,
      %get3A_779 = vector.shape_cast %get3A_778 : vector<1x16xf32> to vector<16xf32>
      %swap3A_780 = arith.constant 67 : i32
      %swap3A_781 = arith.index_cast %swap3A_780 : i32 to index
      %swap3A_782 = arith.constant 0 : index
      %swap3A_783 = tpu.vector_load %arg12[%swap3A_781, %swap3A_782] {strides = array<i32>} : memref<80x16xf32, #tpu.memory_space<vmem>>, vector<1x16xf32>,
      %swap3A_784 = vector.shape_cast %swap3A_783 : vector<1x16xf32> to vector<16xf32>
      %swap3A_785 = vector.shape_cast %get3A_779 : vector<16xf32> to vector<1x16xf32>
      tpu.vector_store %arg12[%swap3A_781, %swap3A_782], %swap3A_785 {strides = array<i32>} : memref<80x16xf32, #tpu.memory_space<vmem>>, vector<1x16xf32>,
      %get3A_786 = arith.constant 68 : i32
      %get3A_787 = arith.index_cast %get3A_786 : i32 to index
      %get3A_788 = arith.constant 0 : index
      %get3A_789 = tpu.vector_load %arg11[%get3A_787, %get3A_788] {strides = array<i32>} : memref<80x128xf32, #tpu.memory_space<vmem>>, vector<1x16xf32>,
      %get3A_790 = vector.shape_cast %get3A_789 : vector<1x16xf32> to vector<16xf32>
      %swap3A_791 = arith.constant 68 : i32
      %swap3A_792 = arith.index_cast %swap3A_791 : i32 to index
      %swap3A_793 = arith.constant 0 : index
      %swap3A_794 = tpu.vector_load %arg12[%swap3A_792, %swap3A_793] {strides = array<i32>} : memref<80x16xf32, #tpu.memory_space<vmem>>, vector<1x16xf32>,
      %swap3A_795 = vector.shape_cast %swap3A_794 : vector<1x16xf32> to vector<16xf32>
      %swap3A_796 = vector.shape_cast %get3A_790 : vector<16xf32> to vector<1x16xf32>
      tpu.vector_store %arg12[%swap3A_792, %swap3A_793], %swap3A_796 {strides = array<i32>} : memref<80x16xf32, #tpu.memory_space<vmem>>, vector<1x16xf32>,
      %get3A_797 = arith.constant 69 : i32
      %get3A_798 = arith.index_cast %get3A_797 : i32 to index
      %get3A_799 = arith.constant 0 : index
      %get3A_800 = tpu.vector_load %arg11[%get3A_798, %get3A_799] {strides = array<i32>} : memref<80x128xf32, #tpu.memory_space<vmem>>, vector<1x16xf32>,
      %get3A_801 = vector.shape_cast %get3A_800 : vector<1x16xf32> to vector<16xf32>
      %swap3A_802 = arith.constant 69 : i32
      %swap3A_803 = arith.index_cast %swap3A_802 : i32 to index
      %swap3A_804 = arith.constant 0 : index
      %swap3A_805 = tpu.vector_load %arg12[%swap3A_803, %swap3A_804] {strides = array<i32>} : memref<80x16xf32, #tpu.memory_space<vmem>>, vector<1x16xf32>,
      %swap3A_806 = vector.shape_cast %swap3A_805 : vector<1x16xf32> to vector<16xf32>
      %swap3A_807 = vector.shape_cast %get3A_801 : vector<16xf32> to vector<1x16xf32>
      tpu.vector_store %arg12[%swap3A_803, %swap3A_804], %swap3A_807 {strides = array<i32>} : memref<80x16xf32, #tpu.memory_space<vmem>>, vector<1x16xf32>,
      %get3A_808 = arith.constant 70 : i32
      %get3A_809 = arith.index_cast %get3A_808 : i32 to index
      %get3A_810 = arith.constant 0 : index
      %get3A_811 = tpu.vector_load %arg11[%get3A_809, %get3A_810] {strides = array<i32>} : memref<80x128xf32, #tpu.memory_space<vmem>>, vector<1x16xf32>,
      %get3A_812 = vector.shape_cast %get3A_811 : vector<1x16xf32> to vector<16xf32>
      %swap3A_813 = arith.constant 70 : i32
      %swap3A_814 = arith.index_cast %swap3A_813 : i32 to index
      %swap3A_815 = arith.constant 0 : index
      %swap3A_816 = tpu.vector_load %arg12[%swap3A_814, %swap3A_815] {strides = array<i32>} : memref<80x16xf32, #tpu.memory_space<vmem>>, vector<1x16xf32>,
      %swap3A_817 = vector.shape_cast %swap3A_816 : vector<1x16xf32> to vector<16xf32>
      %swap3A_818 = vector.shape_cast %get3A_812 : vector<16xf32> to vector<1x16xf32>
      tpu.vector_store %arg12[%swap3A_814, %swap3A_815], %swap3A_818 {strides = array<i32>} : memref<80x16xf32, #tpu.memory_space<vmem>>, vector<1x16xf32>,
      %get3A_819 = arith.constant 71 : i32
      %get3A_820 = arith.index_cast %get3A_819 : i32 to index
      %get3A_821 = arith.constant 0 : index
      %get3A_822 = tpu.vector_load %arg11[%get3A_820, %get3A_821] {strides = array<i32>} : memref<80x128xf32, #tpu.memory_space<vmem>>, vector<1x16xf32>,
      %get3A_823 = vector.shape_cast %get3A_822 : vector<1x16xf32> to vector<16xf32>
      %swap3A_824 = arith.constant 71 : i32
      %swap3A_825 = arith.index_cast %swap3A_824 : i32 to index
      %swap3A_826 = arith.constant 0 : index
      %swap3A_827 = tpu.vector_load %arg12[%swap3A_825, %swap3A_826] {strides = array<i32>} : memref<80x16xf32, #tpu.memory_space<vmem>>, vector<1x16xf32>,
      %swap3A_828 = vector.shape_cast %swap3A_827 : vector<1x16xf32> to vector<16xf32>
      %swap3A_829 = vector.shape_cast %get3A_823 : vector<16xf32> to vector<1x16xf32>
      tpu.vector_store %arg12[%swap3A_825, %swap3A_826], %swap3A_829 {strides = array<i32>} : memref<80x16xf32, #tpu.memory_space<vmem>>, vector<1x16xf32>,
      %get3A_830 = arith.constant 72 : i32
      %get3A_831 = arith.index_cast %get3A_830 : i32 to index
      %get3A_832 = arith.constant 0 : index
      %get3A_833 = tpu.vector_load %arg11[%get3A_831, %get3A_832] {strides = array<i32>} : memref<80x128xf32, #tpu.memory_space<vmem>>, vector<1x16xf32>,
      %get3A_834 = vector.shape_cast %get3A_833 : vector<1x16xf32> to vector<16xf32>
      %swap3A_835 = arith.constant 72 : i32
      %swap3A_836 = arith.index_cast %swap3A_835 : i32 to index
      %swap3A_837 = arith.constant 0 : index
      %swap3A_838 = tpu.vector_load %arg12[%swap3A_836, %swap3A_837] {strides = array<i32>} : memref<80x16xf32, #tpu.memory_space<vmem>>, vector<1x16xf32>,
      %swap3A_839 = vector.shape_cast %swap3A_838 : vector<1x16xf32> to vector<16xf32>
      %swap3A_840 = vector.shape_cast %get3A_834 : vector<16xf32> to vector<1x16xf32>
      tpu.vector_store %arg12[%swap3A_836, %swap3A_837], %swap3A_840 {strides = array<i32>} : memref<80x16xf32, #tpu.memory_space<vmem>>, vector<1x16xf32>,
      %get3A_841 = arith.constant 73 : i32
      %get3A_842 = arith.index_cast %get3A_841 : i32 to index
      %get3A_843 = arith.constant 0 : index
      %get3A_844 = tpu.vector_load %arg11[%get3A_842, %get3A_843] {strides = array<i32>} : memref<80x128xf32, #tpu.memory_space<vmem>>, vector<1x16xf32>,
      %get3A_845 = vector.shape_cast %get3A_844 : vector<1x16xf32> to vector<16xf32>
      %swap3A_846 = arith.constant 73 : i32
      %swap3A_847 = arith.index_cast %swap3A_846 : i32 to index
      %swap3A_848 = arith.constant 0 : index
      %swap3A_849 = tpu.vector_load %arg12[%swap3A_847, %swap3A_848] {strides = array<i32>} : memref<80x16xf32, #tpu.memory_space<vmem>>, vector<1x16xf32>,
      %swap3A_850 = vector.shape_cast %swap3A_849 : vector<1x16xf32> to vector<16xf32>
      %swap3A_851 = vector.shape_cast %get3A_845 : vector<16xf32> to vector<1x16xf32>
      tpu.vector_store %arg12[%swap3A_847, %swap3A_848], %swap3A_851 {strides = array<i32>} : memref<80x16xf32, #tpu.memory_space<vmem>>, vector<1x16xf32>,
      %get3A_852 = arith.constant 74 : i32
      %get3A_853 = arith.index_cast %get3A_852 : i32 to index
      %get3A_854 = arith.constant 0 : index
      %get3A_855 = tpu.vector_load %arg11[%get3A_853, %get3A_854] {strides = array<i32>} : memref<80x128xf32, #tpu.memory_space<vmem>>, vector<1x16xf32>,
      %get3A_856 = vector.shape_cast %get3A_855 : vector<1x16xf32> to vector<16xf32>
      %swap3A_857 = arith.constant 74 : i32
      %swap3A_858 = arith.index_cast %swap3A_857 : i32 to index
      %swap3A_859 = arith.constant 0 : index
      %swap3A_860 = tpu.vector_load %arg12[%swap3A_858, %swap3A_859] {strides = array<i32>} : memref<80x16xf32, #tpu.memory_space<vmem>>, vector<1x16xf32>,
      %swap3A_861 = vector.shape_cast %swap3A_860 : vector<1x16xf32> to vector<16xf32>
      %swap3A_862 = vector.shape_cast %get3A_856 : vector<16xf32> to vector<1x16xf32>
      tpu.vector_store %arg12[%swap3A_858, %swap3A_859], %swap3A_862 {strides = array<i32>} : memref<80x16xf32, #tpu.memory_space<vmem>>, vector<1x16xf32>,
      %get3A_863 = arith.constant 75 : i32
      %get3A_864 = arith.index_cast %get3A_863 : i32 to index
      %get3A_865 = arith.constant 0 : index
      %get3A_866 = tpu.vector_load %arg11[%get3A_864, %get3A_865] {strides = array<i32>} : memref<80x128xf32, #tpu.memory_space<vmem>>, vector<1x16xf32>,
      %get3A_867 = vector.shape_cast %get3A_866 : vector<1x16xf32> to vector<16xf32>
      %swap3A_868 = arith.constant 75 : i32
      %swap3A_869 = arith.index_cast %swap3A_868 : i32 to index
      %swap3A_870 = arith.constant 0 : index
      %swap3A_871 = tpu.vector_load %arg12[%swap3A_869, %swap3A_870] {strides = array<i32>} : memref<80x16xf32, #tpu.memory_space<vmem>>, vector<1x16xf32>,
      %swap3A_872 = vector.shape_cast %swap3A_871 : vector<1x16xf32> to vector<16xf32>
      %swap3A_873 = vector.shape_cast %get3A_867 : vector<16xf32> to vector<1x16xf32>
      tpu.vector_store %arg12[%swap3A_869, %swap3A_870], %swap3A_873 {strides = array<i32>} : memref<80x16xf32, #tpu.memory_space<vmem>>, vector<1x16xf32>,
      %get3A_874 = arith.constant 76 : i32
      %get3A_875 = arith.index_cast %get3A_874 : i32 to index
      %get3A_876 = arith.constant 0 : index
      %get3A_877 = tpu.vector_load %arg11[%get3A_875, %get3A_876] {strides = array<i32>} : memref<80x128xf32, #tpu.memory_space<vmem>>, vector<1x16xf32>,
      %get3A_878 = vector.shape_cast %get3A_877 : vector<1x16xf32> to vector<16xf32>
      %swap3A_879 = arith.constant 76 : i32
      %swap3A_880 = arith.index_cast %swap3A_879 : i32 to index
      %swap3A_881 = arith.constant 0 : index
      %swap3A_882 = tpu.vector_load %arg12[%swap3A_880, %swap3A_881] {strides = array<i32>} : memref<80x16xf32, #tpu.memory_space<vmem>>, vector<1x16xf32>,
      %swap3A_883 = vector.shape_cast %swap3A_882 : vector<1x16xf32> to vector<16xf32>
      %swap3A_884 = vector.shape_cast %get3A_878 : vector<16xf32> to vector<1x16xf32>
      tpu.vector_store %arg12[%swap3A_880, %swap3A_881], %swap3A_884 {strides = array<i32>} : memref<80x16xf32, #tpu.memory_space<vmem>>, vector<1x16xf32>,
      %get3A_885 = arith.constant 77 : i32
      %get3A_886 = arith.index_cast %get3A_885 : i32 to index
      %get3A_887 = arith.constant 0 : index
      %get3A_888 = tpu.vector_load %arg11[%get3A_886, %get3A_887] {strides = array<i32>} : memref<80x128xf32, #tpu.memory_space<vmem>>, vector<1x16xf32>,
      %get3A_889 = vector.shape_cast %get3A_888 : vector<1x16xf32> to vector<16xf32>
      %swap3A_890 = arith.constant 77 : i32
      %swap3A_891 = arith.index_cast %swap3A_890 : i32 to index
      %swap3A_892 = arith.constant 0 : index
      %swap3A_893 = tpu.vector_load %arg12[%swap3A_891, %swap3A_892] {strides = array<i32>} : memref<80x16xf32, #tpu.memory_space<vmem>>, vector<1x16xf32>,
      %swap3A_894 = vector.shape_cast %swap3A_893 : vector<1x16xf32> to vector<16xf32>
      %swap3A_895 = vector.shape_cast %get3A_889 : vector<16xf32> to vector<1x16xf32>
      tpu.vector_store %arg12[%swap3A_891, %swap3A_892], %swap3A_895 {strides = array<i32>} : memref<80x16xf32, #tpu.memory_space<vmem>>, vector<1x16xf32>,
      %get3A_896 = arith.constant 78 : i32
      %get3A_897 = arith.index_cast %get3A_896 : i32 to index
      %get3A_898 = arith.constant 0 : index
      %get3A_899 = tpu.vector_load %arg11[%get3A_897, %get3A_898] {strides = array<i32>} : memref<80x128xf32, #tpu.memory_space<vmem>>, vector<1x16xf32>,
      %get3A_900 = vector.shape_cast %get3A_899 : vector<1x16xf32> to vector<16xf32>
      %swap3A_901 = arith.constant 78 : i32
      %swap3A_902 = arith.index_cast %swap3A_901 : i32 to index
      %swap3A_903 = arith.constant 0 : index
      %swap3A_904 = tpu.vector_load %arg12[%swap3A_902, %swap3A_903] {strides = array<i32>} : memref<80x16xf32, #tpu.memory_space<vmem>>, vector<1x16xf32>,
      %swap3A_905 = vector.shape_cast %swap3A_904 : vector<1x16xf32> to vector<16xf32>
      %swap3A_906 = vector.shape_cast %get3A_900 : vector<16xf32> to vector<1x16xf32>
      tpu.vector_store %arg12[%swap3A_902, %swap3A_903], %swap3A_906 {strides = array<i32>} : memref<80x16xf32, #tpu.memory_space<vmem>>, vector<1x16xf32>,
      %get3A_907 = arith.constant 79 : i32
      %get3A_908 = arith.index_cast %get3A_907 : i32 to index
      %get3A_909 = arith.constant 0 : index
      %get3A_910 = tpu.vector_load %arg11[%get3A_908, %get3A_909] {strides = array<i32>} : memref<80x128xf32, #tpu.memory_space<vmem>>, vector<1x16xf32>,
      %get3A_911 = vector.shape_cast %get3A_910 : vector<1x16xf32> to vector<16xf32>
      %swap3A_912 = arith.constant 79 : i32
      %swap3A_913 = arith.index_cast %swap3A_912 : i32 to index
      %swap3A_914 = arith.constant 0 : index
      %swap3A_915 = tpu.vector_load %arg12[%swap3A_913, %swap3A_914] {strides = array<i32>} : memref<80x16xf32, #tpu.memory_space<vmem>>, vector<1x16xf32>,
      %swap3A_916 = vector.shape_cast %swap3A_915 : vector<1x16xf32> to vector<16xf32>
      %swap3A_917 = vector.shape_cast %get3A_911 : vector<16xf32> to vector<1x16xf32>
      tpu.vector_store %arg12[%swap3A_913, %swap3A_914], %swap3A_917 {strides = array<i32>} : memref<80x16xf32, #tpu.memory_space<vmem>>, vector<1x16xf32>,
      %dma_wait3A_918 = arith.constant 0 : i32
      %dma_wait3A_919 = tpu.memref_slice %arg8[%scan3A_6, %dma_wait3A_918] : memref<125x80xi32, #tpu.memory_space<vmem>> -> memref<1x80xi32, #tpu.memory_space<vmem>>
      %dma_wait3A_920 = tpu.memref_squeeze %dma_wait3A_919 : memref<1x80xi32, #tpu.memory_space<vmem>> -> memref<80xi32, #tpu.memory_space<vmem>>
      %dma_wait3A_921 = arith.constant 0 : i32
      %dma_wait3A_922 = arith.constant 0 : i32
      %dma_wait3A_923 = tpu.memref_slice %arg2[%dma_wait3A_921, %dma_wait3A_922] : memref<10000x128xf32, #tpu.memory_space<hbm>> -> memref<10000x128xf32, #tpu.memory_space<hbm>>
      tpu.wait_indirect_dma semaphore(%arg13 : memref<!tpu.dma_semaphore, #tpu.memory_space<semaphore_mem>>) src(%dma_wait3A_923 : memref<10000x128xf32, #tpu.memory_space<hbm>>) dst(%arg10 : memref<80x128xf32, #tpu.memory_space<vmem>>)
      "tpu.region"() ({
        %run_scoped3A = tpu.sem_alloc : memref<!tpu.dma_semaphore, #tpu.memory_space<semaphore_mem>>
        %dma_start3A_924 = arith.constant 0 : i32
        %dma_start3A_925 = tpu.memref_slice %arg6[%add3A_11, %dma_start3A_924] : memref<320000x128xf32, #tpu.memory_space<hbm>> -> memref<80x128xf32, #tpu.memory_space<hbm>>
        %dma_start3A_926 = arith.constant 0 : i32
        %dma_start3A_927 = tpu.memref_slice %arg6[%add3A_11, %dma_start3A_926] : memref<320000x128xf32, #tpu.memory_space<hbm>> -> memref<80x128xf32, #tpu.memory_space<hbm>>
        tpu.enqueue_dma source(%arg10 : memref<80x128xf32, #tpu.memory_space<vmem>>) target(%dma_start3A_927 : memref<80x128xf32, #tpu.memory_space<hbm>>) target_semaphore(%run_scoped3A : memref<!tpu.dma_semaphore, #tpu.memory_space<semaphore_mem>>)
        %dma_wait3A_928 = arith.constant 0 : i32
        %dma_wait3A_929 = tpu.memref_slice %arg6[%add3A_11, %dma_wait3A_928] : memref<320000x128xf32, #tpu.memory_space<hbm>> -> memref<80x128xf32, #tpu.memory_space<hbm>>
        %dma_wait3A_930 = arith.constant 0 : i32
        %dma_wait3A_931 = tpu.memref_slice %arg6[%add3A_11, %dma_wait3A_930] : memref<320000x128xf32, #tpu.memory_space<hbm>> -> memref<80x128xf32, #tpu.memory_space<hbm>>
        tpu.wait_dma2 semaphore(%run_scoped3A : memref<!tpu.dma_semaphore, #tpu.memory_space<semaphore_mem>>) src(%arg10 : memref<80x128xf32, #tpu.memory_space<vmem>>) dst(%dma_wait3A_931 : memref<80x128xf32, #tpu.memory_space<hbm>>)
        tpu.yield
      }) : () -> ()
      "tpu.region"() ({
        %run_scoped3A = tpu.sem_alloc : memref<!tpu.dma_semaphore, #tpu.memory_space<semaphore_mem>>
        %dma_start3A_924 = arith.constant 0 : i32
        %dma_start3A_925 = tpu.memref_slice %arg7[%add3A_11, %dma_start3A_924] : memref<320000x16xf32, #tpu.memory_space<hbm>> -> memref<80x16xf32, #tpu.memory_space<hbm>>
        %dma_start3A_926 = arith.constant 0 : i32
        %dma_start3A_927 = tpu.memref_slice %arg7[%add3A_11, %dma_start3A_926] : memref<320000x16xf32, #tpu.memory_space<hbm>> -> memref<80x16xf32, #tpu.memory_space<hbm>>
        tpu.enqueue_dma source(%arg12 : memref<80x16xf32, #tpu.memory_space<vmem>>) target(%dma_start3A_927 : memref<80x16xf32, #tpu.memory_space<hbm>>) target_semaphore(%run_scoped3A : memref<!tpu.dma_semaphore, #tpu.memory_space<semaphore_mem>>)
        %dma_wait3A_928 = arith.constant 0 : i32
        %dma_wait3A_929 = tpu.memref_slice %arg7[%add3A_11, %dma_wait3A_928] : memref<320000x16xf32, #tpu.memory_space<hbm>> -> memref<80x16xf32, #tpu.memory_space<hbm>>
        %dma_wait3A_930 = arith.constant 0 : i32
        %dma_wait3A_931 = tpu.memref_slice %arg7[%add3A_11, %dma_wait3A_930] : memref<320000x16xf32, #tpu.memory_space<hbm>> -> memref<80x16xf32, #tpu.memory_space<hbm>>
        tpu.wait_dma2 semaphore(%run_scoped3A : memref<!tpu.dma_semaphore, #tpu.memory_space<semaphore_mem>>) src(%arg12 : memref<80x16xf32, #tpu.memory_space<vmem>>) dst(%dma_wait3A_931 : memref<80x16xf32, #tpu.memory_space<hbm>>)
        tpu.yield
      }) : () -> ()
    }
    %scan3A_5 = arith.constant 125 : i32
    return
  }
}

module attributes {stable_mosaic.version = 14 : i64} {
  func.func @_mlp_force_body(%arg0: i32, %arg1: memref<1280x16xf32, #tpu.memory_space<vmem>>, %arg2: memref<1280x128xf32, #tpu.memory_space<vmem>>, %arg3: memref<1280x16xf32, #tpu.memory_space<vmem>>, %arg4: memref<1280x3xf32, #tpu.memory_space<vmem>>, %arg5: memref<1280x1xf32, #tpu.memory_space<vmem>>, %arg6: memref<160x256xbf16, #tpu.memory_space<vmem>>, %arg7: memref<256x256xbf16, #tpu.memory_space<vmem>>, %arg8: memref<1x256xf32, #tpu.memory_space<vmem>>, %arg9: memref<1x256xf32, #tpu.memory_space<vmem>>, %arg10: memref<1x256xf32, #tpu.memory_space<vmem>>, %arg11: memref<1x256xf32, #tpu.memory_space<vmem>>, %arg12: memref<1x256xf32, #tpu.memory_space<vmem>>, %arg13: memref<1x256xf32, #tpu.memory_space<vmem>>, %arg14: memref<1x256xf32, #tpu.memory_space<vmem>>, %arg15: memref<1x1xf32, #tpu.memory_space<vmem>>, %arg16: memref<1280x3xf32, #tpu.memory_space<vmem>>) attributes {dimension_semantics = [#tpu.dimension_semantics<arbitrary>], iteration_bounds = array<i64: 250>, scalar_prefetch = 0 : i64, scratch_operands = 0 : i64, tpu.core_type = #tpu.core_type<tc>, window_params = [{transform_indices = @transform_0, window_bounds = array<i64: 1280, 16>}, {transform_indices = @transform_1, window_bounds = array<i64: 1280, 128>}, {transform_indices = @transform_2, window_bounds = array<i64: 1280, 16>}, {transform_indices = @transform_3, window_bounds = array<i64: 1280, 3>}, {transform_indices = @transform_4, window_bounds = array<i64: 1280, 1>}, {pipeline_mode = #tpu.pipeline_mode<synchronous>, transform_indices = @transform_5, window_bounds = array<i64: 160, 256>}, {pipeline_mode = #tpu.pipeline_mode<synchronous>, transform_indices = @transform_6, window_bounds = array<i64: 256, 256>}, {pipeline_mode = #tpu.pipeline_mode<synchronous>, transform_indices = @transform_7, window_bounds = array<i64: 1, 256>}, {pipeline_mode = #tpu.pipeline_mode<synchronous>, transform_indices = @transform_8, window_bounds = array<i64: 1, 256>}, {pipeline_mode = #tpu.pipeline_mode<synchronous>, transform_indices = @transform_9, window_bounds = array<i64: 1, 256>}, {pipeline_mode = #tpu.pipeline_mode<synchronous>, transform_indices = @transform_10, window_bounds = array<i64: 1, 256>}, {pipeline_mode = #tpu.pipeline_mode<synchronous>, transform_indices = @transform_11, window_bounds = array<i64: 1, 256>}, {pipeline_mode = #tpu.pipeline_mode<synchronous>, transform_indices = @transform_12, window_bounds = array<i64: 1, 256>}, {pipeline_mode = #tpu.pipeline_mode<synchronous>, transform_indices = @transform_13, window_bounds = array<i64: 1, 256>}, {pipeline_mode = #tpu.pipeline_mode<synchronous>, transform_indices = @transform_14, window_bounds = array<i64: 1, 1>}, {transform_indices = @transform_15, window_bounds = array<i64: 1280, 3>}]} {
    %get3A = arith.constant 0 : index
    %get3A_0 = arith.constant 0 : index
    %get3A_1 = vector.load %arg1[%get3A, %get3A_0] : memref<1280x16xf32, #tpu.memory_space<vmem>>, vector<1280x16xf32>
    %get3A_2 = arith.constant 0 : index
    %get3A_3 = arith.constant 0 : index
    %get3A_4 = vector.load %arg2[%get3A_2, %get3A_3] : memref<1280x128xf32, #tpu.memory_space<vmem>>, vector<1280x128xf32>
    %mul3A = arith.constant 5.000000e-01 : f32
    %mul3A_5 = vector.broadcast %mul3A : f32 to vector<1280x128xf32>
    %mul3A_6 = arith.mulf %get3A_4, %mul3A_5 : vector<1280x128xf32>
    %get3A_7 = arith.constant 0 : index
    %get3A_8 = arith.constant 0 : index
    %get3A_9 = vector.load %arg3[%get3A_7, %get3A_8] : memref<1280x16xf32, #tpu.memory_space<vmem>>, vector<1280x16xf32>
    %concatenate3A = tpu.concatenate %get3A_1, %mul3A_6, %get3A_9 in 1 : vector<1280x16xf32>, vector<1280x128xf32>, vector<1280x16xf32> -> vector<1280x160xf32>
    %convert_element_type3A = arith.truncf %concatenate3A : vector<1280x160xf32> to vector<1280x160xbf16>
    %get3A_10 = arith.constant 0 : index
    %get3A_11 = arith.constant 0 : index
    %get3A_12 = vector.load %arg6[%get3A_10, %get3A_11] : memref<160x256xbf16, #tpu.memory_space<vmem>>, vector<160x256xbf16>
    %dot_general3A = arith.constant dense<0.000000e+00> : vector<1280x256xf32>
    %dot_general3A_13 = tpu.matmul %convert_element_type3A, %get3A_12, %dot_general3A {dimension_numbers = #tpu.dot_dimension_numbers<[1], [0], [0], [1], [0, 0, 1, 1], [], []>, transpose_lhs_hint = false} : vector<1280x160xbf16>, vector<160x256xbf16>, vector<1280x256xf32> -> vector<1280x256xf32>
    %get3A_14 = arith.constant 0 : index
    %get3A_15 = arith.constant 0 : index
    %get3A_16 = vector.load %arg9[%get3A_14, %get3A_15] : memref<1x256xf32, #tpu.memory_space<vmem>>, vector<1x256xf32>
    %add3A = vector.broadcast %get3A_16 : vector<1x256xf32> to vector<1280x256xf32>
    %add3A_17 = arith.addf %dot_general3A_13, %add3A : vector<1280x256xf32>
    %reduce_sum3A = arith.constant dense<0.000000e+00> : vector<1280xf32>
    %reduce_sum3A_18 = vector.multi_reduction <add>, %add3A_17, %reduce_sum3A [1] : vector<1280x256xf32> to vector<1280xf32>
    %broadcast_in_dim3A = vector.shape_cast %reduce_sum3A_18 : vector<1280xf32> to vector<1280x1xf32>
    %div3A = arith.constant 2.560000e+02 : f32
    %div3A_19 = vector.broadcast %div3A : f32 to vector<1280x1xf32>
    %div3A_20 = arith.divf %broadcast_in_dim3A, %div3A_19 : vector<1280x1xf32>
    %sub3A = vector.broadcast %div3A_20 : vector<1280x1xf32> to vector<1280x256xf32>
    %sub3A_21 = arith.subf %add3A_17, %sub3A : vector<1280x256xf32>
    %mul3A_22 = arith.mulf %sub3A_21, %sub3A_21 : vector<1280x256xf32>
    %reduce_sum3A_23 = arith.constant dense<0.000000e+00> : vector<1280xf32>
    %reduce_sum3A_24 = vector.multi_reduction <add>, %mul3A_22, %reduce_sum3A_23 [1] : vector<1280x256xf32> to vector<1280xf32>
    %broadcast_in_dim3A_25 = vector.shape_cast %reduce_sum3A_24 : vector<1280xf32> to vector<1280x1xf32>
    %div3A_26 = arith.constant 2.560000e+02 : f32
    %div3A_27 = vector.broadcast %div3A_26 : f32 to vector<1280x1xf32>
    %div3A_28 = arith.divf %broadcast_in_dim3A_25, %div3A_27 : vector<1280x1xf32>
    %add3A_29 = arith.constant 9.99999974E-6 : f32
    %add3A_30 = vector.broadcast %add3A_29 : f32 to vector<1280x1xf32>
    %add3A_31 = arith.addf %div3A_28, %add3A_30 : vector<1280x1xf32>
    %rsqrt3A = math.rsqrt %add3A_31 : vector<1280x1xf32>
    %mul3A_32 = vector.broadcast %rsqrt3A : vector<1280x1xf32> to vector<1280x256xf32>
    %mul3A_33 = arith.mulf %sub3A_21, %mul3A_32 : vector<1280x256xf32>
    %get3A_34 = arith.constant 0 : index
    %get3A_35 = arith.constant 0 : index
    %get3A_36 = vector.load %arg10[%get3A_34, %get3A_35] : memref<1x256xf32, #tpu.memory_space<vmem>>, vector<1x256xf32>
    %mul3A_37 = vector.broadcast %get3A_36 : vector<1x256xf32> to vector<1280x256xf32>
    %mul3A_38 = arith.mulf %mul3A_33, %mul3A_37 : vector<1280x256xf32>
    %get3A_39 = arith.constant 0 : index
    %get3A_40 = arith.constant 0 : index
    %get3A_41 = vector.load %arg11[%get3A_39, %get3A_40] : memref<1x256xf32, #tpu.memory_space<vmem>>, vector<1x256xf32>
    %add3A_42 = vector.broadcast %get3A_41 : vector<1x256xf32> to vector<1280x256xf32>
    %add3A_43 = arith.addf %mul3A_38, %add3A_42 : vector<1280x256xf32>
    %max3A = arith.constant 0.000000e+00 : f32
    %max3A_44 = vector.broadcast %max3A : f32 to vector<1280x256xf32>
    %max3A_45 = arith.maximumf %add3A_43, %max3A_44 : vector<1280x256xf32>
    %convert_element_type3A_46 = arith.truncf %max3A_45 : vector<1280x256xf32> to vector<1280x256xbf16>
    %get3A_47 = arith.constant 0 : index
    %get3A_48 = arith.constant 0 : index
    %get3A_49 = vector.load %arg7[%get3A_47, %get3A_48] : memref<256x256xbf16, #tpu.memory_space<vmem>>, vector<256x256xbf16>
    %dot_general3A_50 = arith.constant dense<0.000000e+00> : vector<1280x256xf32>
    %dot_general3A_51 = tpu.matmul %convert_element_type3A_46, %get3A_49, %dot_general3A_50 {dimension_numbers = #tpu.dot_dimension_numbers<[1], [0], [0], [1], [0, 0, 1, 1], [], []>, transpose_lhs_hint = false} : vector<1280x256xbf16>, vector<256x256xbf16>, vector<1280x256xf32> -> vector<1280x256xf32>
    %get3A_52 = arith.constant 0 : index
    %get3A_53 = arith.constant 0 : index
    %get3A_54 = vector.load %arg12[%get3A_52, %get3A_53] : memref<1x256xf32, #tpu.memory_space<vmem>>, vector<1x256xf32>
    %add3A_55 = vector.broadcast %get3A_54 : vector<1x256xf32> to vector<1280x256xf32>
    %add3A_56 = arith.addf %dot_general3A_51, %add3A_55 : vector<1280x256xf32>
    %reduce_sum3A_57 = arith.constant dense<0.000000e+00> : vector<1280xf32>
    %reduce_sum3A_58 = vector.multi_reduction <add>, %add3A_56, %reduce_sum3A_57 [1] : vector<1280x256xf32> to vector<1280xf32>
    %broadcast_in_dim3A_59 = vector.shape_cast %reduce_sum3A_58 : vector<1280xf32> to vector<1280x1xf32>
    %div3A_60 = arith.constant 2.560000e+02 : f32
    %div3A_61 = vector.broadcast %div3A_60 : f32 to vector<1280x1xf32>
    %div3A_62 = arith.divf %broadcast_in_dim3A_59, %div3A_61 : vector<1280x1xf32>
    %sub3A_63 = vector.broadcast %div3A_62 : vector<1280x1xf32> to vector<1280x256xf32>
    %sub3A_64 = arith.subf %add3A_56, %sub3A_63 : vector<1280x256xf32>
    %mul3A_65 = arith.mulf %sub3A_64, %sub3A_64 : vector<1280x256xf32>
    %reduce_sum3A_66 = arith.constant dense<0.000000e+00> : vector<1280xf32>
    %reduce_sum3A_67 = vector.multi_reduction <add>, %mul3A_65, %reduce_sum3A_66 [1] : vector<1280x256xf32> to vector<1280xf32>
    %broadcast_in_dim3A_68 = vector.shape_cast %reduce_sum3A_67 : vector<1280xf32> to vector<1280x1xf32>
    %div3A_69 = arith.constant 2.560000e+02 : f32
    %div3A_70 = vector.broadcast %div3A_69 : f32 to vector<1280x1xf32>
    %div3A_71 = arith.divf %broadcast_in_dim3A_68, %div3A_70 : vector<1280x1xf32>
    %add3A_72 = arith.constant 9.99999974E-6 : f32
    %add3A_73 = vector.broadcast %add3A_72 : f32 to vector<1280x1xf32>
    %add3A_74 = arith.addf %div3A_71, %add3A_73 : vector<1280x1xf32>
    %rsqrt3A_75 = math.rsqrt %add3A_74 : vector<1280x1xf32>
    %mul3A_76 = vector.broadcast %rsqrt3A_75 : vector<1280x1xf32> to vector<1280x256xf32>
    %mul3A_77 = arith.mulf %sub3A_64, %mul3A_76 : vector<1280x256xf32>
    %get3A_78 = arith.constant 0 : index
    %get3A_79 = arith.constant 0 : index
    %get3A_80 = vector.load %arg13[%get3A_78, %get3A_79] : memref<1x256xf32, #tpu.memory_space<vmem>>, vector<1x256xf32>
    %mul3A_81 = vector.broadcast %get3A_80 : vector<1x256xf32> to vector<1280x256xf32>
    %mul3A_82 = arith.mulf %mul3A_77, %mul3A_81 : vector<1280x256xf32>
    %get3A_83 = arith.constant 0 : index
    %get3A_84 = arith.constant 0 : index
    %get3A_85 = vector.load %arg14[%get3A_83, %get3A_84] : memref<1x256xf32, #tpu.memory_space<vmem>>, vector<1x256xf32>
    %add3A_86 = vector.broadcast %get3A_85 : vector<1x256xf32> to vector<1280x256xf32>
    %add3A_87 = arith.addf %mul3A_82, %add3A_86 : vector<1280x256xf32>
    %max3A_88 = arith.constant 0.000000e+00 : f32
    %max3A_89 = vector.broadcast %max3A_88 : f32 to vector<1280x256xf32>
    %max3A_90 = arith.maximumf %add3A_87, %max3A_89 : vector<1280x256xf32>
    %get3A_91 = arith.constant 0 : index
    %get3A_92 = arith.constant 0 : index
    %get3A_93 = vector.load %arg8[%get3A_91, %get3A_92] : memref<1x256xf32, #tpu.memory_space<vmem>>, vector<1x256xf32>
    %mul3A_94 = vector.broadcast %get3A_93 : vector<1x256xf32> to vector<1280x256xf32>
    %mul3A_95 = arith.mulf %max3A_90, %mul3A_94 : vector<1280x256xf32>
    %reduce_sum3A_96 = arith.constant dense<0.000000e+00> : vector<1280xf32>
    %reduce_sum3A_97 = vector.multi_reduction <add>, %mul3A_95, %reduce_sum3A_96 [1] : vector<1280x256xf32> to vector<1280xf32>
    %broadcast_in_dim3A_98 = vector.shape_cast %reduce_sum3A_97 : vector<1280xf32> to vector<1280x1xf32>
    %get3A_99 = arith.constant 0 : index
    %get3A_100 = arith.constant 0 : index
    %get3A_101 = vector.load %arg15[%get3A_99, %get3A_100] : memref<1x1xf32, #tpu.memory_space<vmem>>, vector<1x1xf32>
    %add3A_102 = vector.broadcast %get3A_101 : vector<1x1xf32> to vector<1280x1xf32>
    %add3A_103 = arith.addf %broadcast_in_dim3A_98, %add3A_102 : vector<1280x1xf32>
    %get3A_104 = arith.constant 0 : index
    %get3A_105 = arith.constant 0 : index
    %get3A_106 = vector.load %arg4[%get3A_104, %get3A_105] : memref<1280x3xf32, #tpu.memory_space<vmem>>, vector<1280x3xf32>
    %mul3A_107 = arith.mulf %get3A_106, %get3A_106 : vector<1280x3xf32>
    %reduce_sum3A_108 = arith.constant dense<0.000000e+00> : vector<1280xf32>
    %reduce_sum3A_109 = vector.multi_reduction <add>, %mul3A_107, %reduce_sum3A_108 [1] : vector<1280x3xf32> to vector<1280xf32>
    %broadcast_in_dim3A_110 = vector.shape_cast %reduce_sum3A_109 : vector<1280xf32> to vector<1280x1xf32>
    %sqrt3A = math.sqrt %broadcast_in_dim3A_110 : vector<1280x1xf32>
    %get3A_111 = arith.constant 0 : index
    %get3A_112 = arith.constant 0 : index
    %get3A_113 = vector.load %arg5[%get3A_111, %get3A_112] : memref<1280x1xf32, #tpu.memory_space<vmem>>, vector<1280x1xf32>
    %mul3A_114 = arith.mulf %add3A_103, %get3A_113 : vector<1280x1xf32>
    %add3A_115 = arith.constant 1.000000e+00 : f32
    %add3A_116 = vector.broadcast %add3A_115 : f32 to vector<1280x1xf32>
    %add3A_117 = arith.addf %sqrt3A, %add3A_116 : vector<1280x1xf32>
    %mul3A_118 = arith.mulf %sqrt3A, %add3A_117 : vector<1280x1xf32>
    %div3A_119 = arith.divf %mul3A_114, %mul3A_118 : vector<1280x1xf32>
    %mul3A_120 = vector.broadcast %div3A_119 : vector<1280x1xf32> to vector<1280x3xf32>
    %mul3A_121 = arith.mulf %get3A_106, %mul3A_120 : vector<1280x3xf32>
    %swap3A = arith.constant 0 : index
    %swap3A_122 = arith.constant 0 : index
    %swap3A_123 = vector.load %arg16[%swap3A, %swap3A_122] : memref<1280x3xf32, #tpu.memory_space<vmem>>, vector<1280x3xf32>
    tpu.vector_store %arg16[%swap3A, %swap3A_122], %mul3A_121 {strides = array<i32>} : memref<1280x3xf32, #tpu.memory_space<vmem>>, vector<1280x3xf32>,
    return
  }
  func.func @transform_0(%arg0: i32) -> (i32, i32) {
    %c0_i32 = arith.constant 0 : i32
    %c0_i32_0 = arith.constant 0 : i32
    return %arg0, %c0_i32 : i32, i32
  }
  func.func @transform_1(%arg0: i32) -> (i32, i32) {
    %c0_i32 = arith.constant 0 : i32
    %c0_i32_0 = arith.constant 0 : i32
    return %arg0, %c0_i32 : i32, i32
  }
  func.func @transform_2(%arg0: i32) -> (i32, i32) {
    %c0_i32 = arith.constant 0 : i32
    %c0_i32_0 = arith.constant 0 : i32
    return %arg0, %c0_i32 : i32, i32
  }
  func.func @transform_3(%arg0: i32) -> (i32, i32) {
    %c0_i32 = arith.constant 0 : i32
    %c0_i32_0 = arith.constant 0 : i32
    return %arg0, %c0_i32 : i32, i32
  }
  func.func @transform_4(%arg0: i32) -> (i32, i32) {
    %c0_i32 = arith.constant 0 : i32
    %c0_i32_0 = arith.constant 0 : i32
    return %arg0, %c0_i32 : i32, i32
  }
  func.func @transform_5(%arg0: i32) -> (i32, i32) {
    %c0_i32 = arith.constant 0 : i32
    %c0_i32_0 = arith.constant 0 : i32
    %c0_i32_1 = arith.constant 0 : i32
    return %c0_i32, %c0_i32_0 : i32, i32
  }
  func.func @transform_6(%arg0: i32) -> (i32, i32) {
    %c0_i32 = arith.constant 0 : i32
    %c0_i32_0 = arith.constant 0 : i32
    %c0_i32_1 = arith.constant 0 : i32
    return %c0_i32, %c0_i32_0 : i32, i32
  }
  func.func @transform_7(%arg0: i32) -> (i32, i32) {
    %c0_i32 = arith.constant 0 : i32
    %c0_i32_0 = arith.constant 0 : i32
    %c0_i32_1 = arith.constant 0 : i32
    return %c0_i32, %c0_i32_0 : i32, i32
  }
  func.func @transform_8(%arg0: i32) -> (i32, i32) {
    %c0_i32 = arith.constant 0 : i32
    %c0_i32_0 = arith.constant 0 : i32
    %c0_i32_1 = arith.constant 0 : i32
    return %c0_i32, %c0_i32_0 : i32, i32
  }
  func.func @transform_9(%arg0: i32) -> (i32, i32) {
    %c0_i32 = arith.constant 0 : i32
    %c0_i32_0 = arith.constant 0 : i32
    %c0_i32_1 = arith.constant 0 : i32
    return %c0_i32, %c0_i32_0 : i32, i32
  }
  func.func @transform_10(%arg0: i32) -> (i32, i32) {
    %c0_i32 = arith.constant 0 : i32
    %c0_i32_0 = arith.constant 0 : i32
    %c0_i32_1 = arith.constant 0 : i32
    return %c0_i32, %c0_i32_0 : i32, i32
  }
  func.func @transform_11(%arg0: i32) -> (i32, i32) {
    %c0_i32 = arith.constant 0 : i32
    %c0_i32_0 = arith.constant 0 : i32
    %c0_i32_1 = arith.constant 0 : i32
    return %c0_i32, %c0_i32_0 : i32, i32
  }
  func.func @transform_12(%arg0: i32) -> (i32, i32) {
    %c0_i32 = arith.constant 0 : i32
    %c0_i32_0 = arith.constant 0 : i32
    %c0_i32_1 = arith.constant 0 : i32
    return %c0_i32, %c0_i32_0 : i32, i32
  }
  func.func @transform_13(%arg0: i32) -> (i32, i32) {
    %c0_i32 = arith.constant 0 : i32
    %c0_i32_0 = arith.constant 0 : i32
    %c0_i32_1 = arith.constant 0 : i32
    return %c0_i32, %c0_i32_0 : i32, i32
  }
  func.func @transform_14(%arg0: i32) -> (i32, i32) {
    %c0_i32 = arith.constant 0 : i32
    %c0_i32_0 = arith.constant 0 : i32
    %c0_i32_1 = arith.constant 0 : i32
    return %c0_i32, %c0_i32_0 : i32, i32
  }
  func.func @transform_15(%arg0: i32) -> (i32, i32) {
    %c0_i32 = arith.constant 0 : i32
    %c0_i32_0 = arith.constant 0 : i32
    return %arg0, %c0_i32 : i32, i32
  }
}

</mosaic_0001>

<sc_bundles>
// kernel: kernel.4.cloned.1.call-start
scs
__scs_entry_jumppad:
0x0: {  	(pc) =	sbr.rel $0x88, $3  }
0x1: {  	(tag) =	ssettag $0x0;
	lr =	simm.s32 $0x1  }
0x2: {  	[smem:$0x3F91] =	sst lr;
	_ =	strace $0xD0000000  }
0x3: {  	_ = 	snop  }
0x4: {  	_ = 	snop  }
0x5: {  	_ = 	snop  }
0x6: {  	_ = 	snop  }
0x7: {  	_ = 	snop  }
__scs_overlays_trampoline_lowered:
0x8: {  	[smem:$0x3FA0] =	sst s0  }
0x9: {  	[smem:$0x3FA1] =	sst s1  }
0xa: {  	[smem:$0x3FA2] =	sst s2  }
0xb: {  	[smem:$0x3FA3] =	sst s3  }
0xc: {  	[smem:$0x3FA4] =	sst s4  }
0xd: {  	[smem:$0x3FA5] =	sst s5  }
0xe: {  	[smem:$0x3FA6] =	sst s6  }
0xf: {  	[smem:$0x3FA7] =	sst s7  }
0x10: {  	[smem:$0x3FA8] =	sst s8  }
0x11: {  	[smem:$0x3FA9] =	sst s9;
	s0 =	simm.s32 @!p0 $0x0  }
0x12: {  	s1 =	sld [smem:$0x3F8F];
	s0 =	simm.s32 @p0 $0x1  }
0x13: {  	[smem:$0x3FAA] =	sst s0;
	s0 =	simm.s32 @!p1 $0x0  }
0x14: {  	s2 =	sld [smem:$0x3F8E];
	s0 =	simm.s32 @p1 $0x1  }
0x15: {  	[smem:$0x3FAB] =	sst s0;
	s0 =	simm.s32 @!p2 $0x0  }
0x16: {  	s3 =	sld [smem:$0x3FDB];
	s0 =	simm.s32 @p2 $0x1  }
0x17: {  	s4 =	simm.s32 $0x1BF5;
	[smem:$0x3FAD] =	sst s0  }
0x18: {  	s0 =	sld [smem:$0x3F90];
	_ =	swait.ge [sflag:s4], $0x0  }
0x19: {  	s7 =	sld [smem:$0x3F91]  }
0x1a: {  	s8 =	sadd.s32 $0xFFFFE003, lr  }
0x1b: {  	s9 =	sadd.s32 $0xFFFFFEF7, lr;
	s5 =	simm.s32 $0xFFFFFFFF;
	p2 =	slt.u32 s8, $0xFFFFF086  }
0x1c: {  	p1 =	slt.u32 s9, $0xF7A;
	s5 =	simm.s32 @!p2 $0x0  }
0x1d: {  	s5 =	simm.s32 @p1 $0x1;
	p0 =	seq.s32 s7, s2  }
0x1e: {  	s7 =	smul.u32 @!p0 $0xF7A, s2;
	p2 =	seq.s32 @!p0 s5, $0x0  }
0x1f: {  	s9 =	smul.u32 $0xF7A, s1;
	s8 =	simm.s32 @!p0 $0x1BF5;
	p2 =	por !p2, p0  }
0x20: {  	[sflag:s8] =	ssyncset.s32 @!p0 $0xFFFFF086;
	s6 =	sadd.s32 @!p0 s3, s7;
	s7 =	simm.s32 @!p0 $0x108  }
0x21: {  	s3 =	sadd.s32 s3, s9;
	s6 =	sadd.s32 @!p0 $0x88, s6;
	s7 =	simm.s32 @p2 $0x1082  }
0x22: {  	[simem:s7], [sflag:s8] =	dma.local @!p0 [hbm:s6], $0xF7A  }
0x23: {  	s9 =	sor.u32 $0xD0000000, s2;
	s6 =	simm.s32 $0x108;
	_ =	swait.ge @!p0 [sflag:s8], $0x0  }
0x24: {  	s3 =	sadd.s32 $0x88, s3;
	s6 =	simm.s32 @!p1 $0x1082;
	[sflag:s4] =	ssyncset.s32 $0xFFFFF086  }
0x25: {  	[simem:s6], [sflag:s4] =	dma.local [hbm:s3], $0xF7A  }
0x26: {  	[smem:$0x3F91] =	sst s1;
	(tag) =	ssettag s2;
	_ =	strace s9  }
0x27: {  	s1 =	sld [smem:$0x3FA1]  }
0x28: {  	s2 =	sld [smem:$0x3FA2]  }
0x29: {  	s4 =	sld [smem:$0x3FA4]  }
0x2a: {  	p0 =	seq.s32 s5, $0x0;
	s5 =	sld [smem:$0x3FA5]  }
0x2b: {  	s6 =	sld [smem:$0x3FA6]  }
0x2c: {  	s7 =	sld [smem:$0x3FA7]  }
0x2d: {  	s3 =	simm.s32 $0x108;
	s8 =	sld [smem:$0x3FA8]  }
0x2e: {  	s3 =	simm.s32 @!p0 $0x1082;
	s9 =	sld [smem:$0x3FA9]  }
0x2f: {  	lr =	sadd.s32 s0, s3;
	s0 =	sld [smem:$0x3FA0]  }
0x30: {  	s3 =	sld [smem:$0x3FA3]  }
0x31: {  	[smem:$0x3FAC] =	sst s10  }
0x32: {  	s10 =	sld [smem:$0x3FAA];
	_ =	sdelay $0x3  }
0x33: {  	p0 =	seq.s32 s10, $0x1;
	s10 =	sld [smem:$0x3FAC];
	_ =	sdelay $0x3  }
0x34: {  	[smem:$0x3FAC] =	sst s10  }
0x35: {  	s10 =	sld [smem:$0x3FAB];
	_ =	sdelay $0x3  }
0x36: {  	p1 =	seq.s32 s10, $0x1;
	s10 =	sld [smem:$0x3FAC];
	_ =	sdelay $0x3  }
0x37: {  	[smem:$0x3FAC] =	sst s10  }
0x38: {  	s10 =	sld [smem:$0x3FAD]  }
0x39: {  	_ = 	snop;
	(pc) =	sbr.ind lr, $3  }
0x3a: {  	_ = 	snop  }
0x3b: {  	_ = 	snop  }
0x3c: {  	p2 =	seq.s32 s10, $0x1;
	s10 =	sld [smem:$0x3FAC]  }
0x3d: {  	_ =	shalt  }
0x3e: {  	_ =	shalt  }
0x3f: {  	_ =	shalt  }
0x40: {  	_ =	shalt  }
0x41: {  	_ =	shalt  }
0x42: {  	_ =	shalt  }
0x43: {  	_ =	shalt  }
0x44: {  	_ =	shalt  }
0x45: {  	_ =	shalt  }
0x46: {  	_ =	shalt  }
0x47: {  	_ =	shalt  }
0x48: {  	_ =	shalt  }
0x49: {  	_ =	shalt  }
0x4a: {  	_ =	shalt  }
0x4b: {  	_ =	shalt  }
0x4c: {  	_ =	shalt  }
0x4d: {  	_ =	shalt  }
0x4e: {  	_ =	shalt  }
0x4f: {  	_ =	shalt  }
0x50: {  	_ =	shalt  }
0x51: {  	_ =	shalt  }
0x52: {  	_ =	shalt  }
0x53: {  	_ =	shalt  }
0x54: {  	_ =	shalt  }
0x55: {  	_ =	shalt  }
0x56: {  	_ =	shalt  }
0x57: {  	_ =	shalt  }
0x58: {  	_ =	shalt  }
0x59: {  	_ =	shalt  }
0x5a: {  	_ =	shalt  }
0x5b: {  	_ =	shalt  }
0x5c: {  	_ =	shalt  }
0x5d: {  	_ =	shalt  }
0x5e: {  	_ =	shalt  }
0x5f: {  	_ =	shalt  }
0x60: {  	_ =	shalt  }
0x61: {  	_ =	shalt  }
0x62: {  	_ =	shalt  }
0x63: {  	_ =	shalt  }
0x64: {  	_ =	shalt  }
0x65: {  	_ =	shalt  }
0x66: {  	_ =	shalt  }
0x67: {  	_ =	shalt  }
0x68: {  	_ =	shalt  }
0x69: {  	_ =	shalt  }
0x6a: {  	_ =	shalt  }
0x6b: {  	_ =	shalt  }
0x6c: {  	_ =	shalt  }
0x6d: {  	_ =	shalt  }
0x6e: {  	_ =	shalt  }
0x6f: {  	_ =	shalt  }
0x70: {  	_ =	shalt  }
0x71: {  	_ =	shalt  }
0x72: {  	_ =	shalt  }
0x73: {  	_ =	shalt  }
0x74: {  	_ =	shalt  }
0x75: {  	_ =	shalt  }
0x76: {  	_ =	shalt  }
0x77: {  	_ =	shalt  }
0x78: {  	_ =	shalt  }
0x79: {  	_ =	shalt  }
0x7a: {  	_ =	shalt  }
0x7b: {  	_ =	shalt  }
0x7c: {  	_ =	shalt  }
0x7d: {  	_ =	shalt  }
0x7e: {  	_ =	shalt  }
0x7f: {  	_ =	shalt  }
0x80: {  	_ =	shalt  }
0x81: {  	_ =	shalt  }
0x82: {  	_ =	shalt  }
0x83: {  	_ =	shalt  }
0x84: {  	_ =	shalt  }
0x85: {  	_ =	shalt  }
0x86: {  	_ =	shalt  }
0x87: {  	_ =	shalt  }
.Lfunc_end0:
.L_simem_size_0:
called_computation.1_lowered:
.L_overlay_start_0:
0x88: {  	s2 =	sld [smem:$0x3FD9]  }
0x89: {  	s3 =	sld [smem:$0x3FFE];
	_ =	sdelay $0x1  }
0x8a: {  	s1 =	srdreg.scid  }
0x8b: {  	s0 =	sand.u32 $0x1, s1  }
0x8c: {  	s17 =	sshll.u32 s0, $0xA;
	s2 =	sadd.s32 s3, s2  }
0x8d: {  	s2 =	sadd.s32 s2, s17  }
0x8e: {  	[smem:$0x3FB8] =	sst s2  }
0x8f: {  	_ = 	snop  }
0x90: {  	s2 =	sld [smem:$0x3FC9];
	(tm) =	ssettm $0x1  }
0x91: {  	s18 =	sld [smem:$0x3FFB];
	_ =	sdelay $0x3  }
0x92: {  	_ =	strace s18  }
0x93: {  	s3 =	sld [smem:$0x3FFC];
	_ =	sdelay $0x3  }
0x94: {  	_ =	strace s3  }
0x95: {  	s3 =	sld [smem:$0x3FFD];
	_ =	sdelay $0x3  }
0x96: {  	_ =	strace s3  }
0x97: {  	_ =	strace $0x8FFFFFFF  }
0x98: {  	s19 =	sld [smem:$0x3FDB];
	_ =	sdelay $0x1  }
0x99: {  	s4 =	simm.s32 $_scs_section_size  }
0x9a: {  	s5 =	simm.s32 $_size__tile_overlayer_lowered;
	s6 =	simm.s32 $_tile_overlayer_lowered  }
0x9b: {  	s22 =	simm.s32 $0x1BFF;
	s21 =	sshll.u32 s6, $0x1;
	s3 =	sadd.s32 s4, s19  }
0x9c: {  	s7 =	simm.s32 $0x0;
	s20 =	sshll.u32 s5, $0x1;
	s5 =	sadd.s32 s21, s3  }
0x9d: {  	[timem:s7], [sflag:s22] =	dma.local [hbm:s5], s20  }
0x9e: {  	_ =	swait.ge [sflag:s22], s20  }
0x9f: {  	s4 =	ssub.s32 $0x0, s20;
	[sflag:s22] =	ssyncset.done $0x0  }
0xa0: {  	[sflag:s22] =	ssyncadd.s32 s4;
	_ =	sdelay $0x1  }
0xa1: {  	s23 =	simm.s32 $0x1B8B  }
0xa2: {  	_ =	swait.ge [sflag:s23], $0x1  }
0xa3: {  	[sflag:s23] =	ssyncset.done $0x0  }
0xa4: {  	s25 =	simm.s32 $0x1B8E;
	s24 =	sld [smem:$0x3FFE];
	[sflag:s23] =	ssyncadd.s32 $0xFFFFFFFF  }
0xa5: {  	s26 =	simm.s32 $execute0_lowered;
	[smem:$0x3FD2] =	sst s25  }
0xa6: {  	s5 =	sshll.u32 s26, $0x1;
	_ =	strace $0x80000046;
	[dreg:$0x1] =	wrdreg $0xFFFFFFFF  }
0xa7: {  	s28 =	simm.s32 $_size_execute0_lowered;
	s3 =	sadd.s32 s3, s5;
	[dreg:$0x0] =	wrdreg $0x0  }
0xa8: {  	s5 =	sshll.u32 s28, $0x1;
	[dreg:$0x2] =	wrdreg s3  }
0xa9: {  	[dreg:$0x3] =	wrdreg s5  }
0xaa: {  	[dreg:$0x4] =	wrdreg $0xC0  }
0xab: {  	_ =	task [dreg:s7], $0x5FFFF  }
0xac: {  	[dreg:$0x1] =	wrdreg $0xFFFFFFFF  }
0xad: {  	[dreg:$0x0] =	wrdreg $0x60  }
0xae: {  	[dreg:$0x2] =	wrdreg s2  }
0xaf: {  	[dreg:$0x3] =	wrdreg s24  }
0xb0: {  	[dreg:$0x4] =	wrdreg $0x9  }
0xb1: {  	_ =	task.clear_ibuf [dreg:s7], $0x5FFFF;
	_ =	strace $0x90000046  }
0xb2: {  	s29 =	simm.s32 $0x9;
	_ =	strace $0x80000048  }
0xb3: {  	_ =	swait.ge [sflag:s29], $0x1  }
0xb4: {  	[sflag:s29] =	ssyncadd.s32 $0xFFFFFFFF  }
0xb5: {  	_ =	strace $0x90000048  }
0xb6: {  	_ =	sfence  }
0xb7: {  	s30 =	sld [smem:$0x0];
	_ =	sdelay $0x2  }
0xb8: {  	s31 =	sshll.u32 s1, $0xD;
	s1 =	sshrl.u32 s1, $0x2  }
0xb9: {  	s3 =	sand.u32 $0x4000, s31;
	s1 =	sadd.s32 s1, s30  }
0xba: {  	s0 =	sor.u32 s3, s0;
	s1 =	sshll.u32 s1, $0x11  }
0xbb: {  	s0 =	sor.u32 s1, s0  }
0xbc: {  	s0 =	sadd.s32 $0x8F2B, s0  }
0xbd: {  	[sflag:s0] =	ssyncadd.remote.s32 $0x1  }
0xbe: {  	_ =	sfence.sel $0xFFFF  }
0xbf: {  	[dreg:$0x0] =	wrdreg $0xFFFFFFFF;
	(pc) =	sbr.abs _section_cstart, $3  }
0xc0: {  	[dreg:$0x1] =	wrdreg $0xFFFFFFFF  }
0xc1: {  	_ =	task.clear_ibuf [dreg:s7], $0x2FFFF;
	_ =	strace $0x9FFFFFFF  }
0xc2: {  	(tm) =	ssettm $0x7FFFFFFF  }
0xc3: {  	_ =	shalt  }
tec
execute0_lowered:
.L_overlay_start_1:
0x0: {  	(tag) =	ssettag $0x1  }
0x1: {  	s1 =	rddreg [dreg:$0x0]  }
0x2: {  	s5 =	rddreg [dreg:$0x1]  }
0x3: {  	s0 =	rddreg [dreg:$0x2];
	s3 =	simm.s32 $0x0;
	s6 =	srdreg.scid  }
0x4: {  	s2 =	stileid.u32;
	s12 =	simm.s32 $0x50;
	s13 =	simm.s32 $0x8000  }
0x5: {  	s14 =	simm.s32 $0xA800;
	s15 =	simm.s32 $0x1;
	s16 =	simm.s32 $0x2  }
0x6: {  	s17 =	simm.s32 $0xD000;
	s18 =	simm.s32 $0x0;
	[smem:$0x7FF] =	sst s3  }
0x7: {  	s4 =	sadd.s32 $0x21E00, s5;
	s6 =	sand.u32 $0x1, s6;
	s7 =	sshll.u32 s2, $0xC  }
0x8: {  	s9 =	smul.u32 $0x4E200, s2;
	_ =	strace $0x80000047;
	s8 =	sshll.u32 s6, $0xB  }
0x9: {  	s10 =	ssub.s32 $0x2, s6;
	s11 =	smul.u32 $0x27100, s6;
	s7 =	sor.u32 s8, s7  }
0xa: {  	s29 =	sshrl.u32 s10, $0x1;
	s31 =	sadd.s32 s9, s5;
	s30 =	sadd.s32 s7, s5  }
0xb: {  	s8 =	ssub.s32 s10, s29;
	s9 =	sadd.s32 s11, s31;
	s10 =	simm.s32 $0x3  }
0xc: {  	s11 =	simm.s32 $0x4000;
	s5 =	sadd.s32 $0x1E00, s30;
	s6 =	sadd.s32 $0x11E00, s30  }
0xd: {  	s7 =	smax.u32 s8, $0x1;
	s8 =	sadd.s32 $0x49000, s9;
	s9 =	sadd.s32 $0x52B000, s9  }
.LBB2_1:
0xe: {  	[tilespmem:s3], [sflag:$0x3] =	stream.linear.gather [hbm4b:s5+s3], $0x3E80, $0x38;
	[tilespmem:$0xF800] =	vst v63  }
0xf: {  	_ =	swait.ge [sflag:s10], $0x3E80  }
0x10: {  	[sflag:s10] =	ssyncset.done $0x0  }
0x11: {  	[sflag:s10] =	ssyncadd.s32 $0xFFFFC180  }
0x12: {  	[tilespmem:s11], [sflag:$0x3] =	stream.linear.gather [hbm4b:s6+s3], $0x3E80, $0x38;
	[tilespmem:$0xF800] =	vst v63  }
0x13: {  	_ =	swait.ge [sflag:s10], $0x3E80  }
0x14: {  	s19 =	smov.u32 s9;
	[sflag:s10] =	ssyncset.done $0x0  }
0x15: {  	s20 =	smov.u32 s8;
	s21 =	simm.s32 $0x0;
	[sflag:s10] =	ssyncadd.s32 $0xFFFFC180  }
.LBB2_2:
0x16: {  	s22 =	sshra.s32 s21, $0x2  }
0x17: {  	s23 =	sadd.s32 $0x4000, s22  }
0x18: {  	[tilespmem:s13], [sflag:$0x1] =	stream.indirect.gather [hbm4b:s1+s12], $0x80, s23, s12, $0xb8;
	[tilespmem:$0xF800] =	vst v63  }
0x19: {  	_ = 	snop  }
0x1a: {  	[tilespmem:s14], [sflag:$0x2] =	stream.indirect.gather [hbm4b:s4+s12], $0x80, s23, s12, $0xb8;
	[tilespmem:$0xF800] =	vst v63  }
0x1b: {  	_ =	swait.ge [sflag:s15], $0x2800  }
0x1c: {  	[sflag:s15] =	ssyncset.done $0x0  }
0x1d: {  	[sflag:s15] =	ssyncadd.s32 $0xFFFFD800  }
0x1e: {  	[tilespmem:s13], [sflag:$0x1] =	stream.indirect.gather.add.f32 [hbm:s1], $0x80, s22, s12, $0xb8;
	[tilespmem:$0xF800] =	vst v63  }
0x1f: {  	_ =	swait.ge [sflag:s16], $0x2800  }
0x20: {  	[sflag:s16] =	ssyncset.done $0x0  }
0x21: {  	[sflag:s16] =	ssyncadd.s32 $0xFFFFD800  }
0x22: {  	v0 =	vld [tilespmem:$0xA800]  }
0x23: {  	v1 =	vld [tilespmem:$0xA880]  }
0x24: {  	v2 =	vld [tilespmem:$0xA900]  }
0x25: {  	v3 =	vld [tilespmem:$0xA980]  }
0x26: {  	v4 =	vld [tilespmem:$0xAA00]  }
0x27: {  	v45 =	vld [tilespmem:$0xAA80];
	[tilespmem:$0xD000] =	vst v0  }
0x28: {  	v46 =	vld [tilespmem:$0xAB00];
	[tilespmem:$0xD080] =	vst v1  }
0x29: {  	v47 =	vld [tilespmem:$0xAB80];
	[tilespmem:$0xD100] =	vst v2  }
0x2a: {  	v48 =	vld [tilespmem:$0xAC00];
	[tilespmem:$0xD180] =	vst v3  }
0x2b: {  	v49 =	vld [tilespmem:$0xAC80];
	[tilespmem:$0xD200] =	vst v4  }
0x2c: {  	v50 =	vld [tilespmem:$0xAD00];
	[tilespmem:$0xD280] =	vst v45  }
0x2d: {  	v51 =	vld [tilespmem:$0xAD80];
	[tilespmem:$0xD300] =	vst v46  }
0x2e: {  	v52 =	vld [tilespmem:$0xAE00];
	[tilespmem:$0xD380] =	vst v47  }
0x2f: {  	v53 =	vld [tilespmem:$0xAE80];
	[tilespmem:$0xD400] =	vst v48  }
0x30: {  	v54 =	vld [tilespmem:$0xAF00];
	[tilespmem:$0xD480] =	vst v49  }
0x31: {  	v55 =	vld [tilespmem:$0xAF80];
	[tilespmem:$0xD500] =	vst v50  }
0x32: {  	v56 =	vld [tilespmem:$0xB000];
	[tilespmem:$0xD580] =	vst v51  }
0x33: {  	v57 =	vld [tilespmem:$0xB080];
	[tilespmem:$0xD600] =	vst v52  }
0x34: {  	v58 =	vld [tilespmem:$0xB100];
	[tilespmem:$0xD680] =	vst v53  }
0x35: {  	v59 =	vld [tilespmem:$0xB180];
	[tilespmem:$0xD700] =	vst v54  }
0x36: {  	v60 =	vld [tilespmem:$0xB200];
	[tilespmem:$0xD780] =	vst v55  }
0x37: {  	v61 =	vld [tilespmem:$0xB280];
	[tilespmem:$0xD800] =	vst v56  }
0x38: {  	v62 =	vld [tilespmem:$0xB300];
	[tilespmem:$0xD880] =	vst v57  }
0x39: {  	v63 =	vld [tilespmem:$0xB380];
	[tilespmem:$0xD900] =	vst v58  }
0x3a: {  	v8 =	vld [tilespmem:$0xB400];
	[tilespmem:$0xD980] =	vst v59  }
0x3b: {  	v9 =	vld [tilespmem:$0xB480];
	[tilespmem:$0xDA00] =	vst v60  }
0x3c: {  	v10 =	vld [tilespmem:$0xB500];
	[tilespmem:$0xDA80] =	vst v61  }
0x3d: {  	v11 =	vld [tilespmem:$0xB580];
	[tilespmem:$0xDB00] =	vst v62  }
0x3e: {  	v12 =	vld [tilespmem:$0xB600];
	[tilespmem:$0xDB80] =	vst v63  }
0x3f: {  	v13 =	vld [tilespmem:$0xB680];
	[tilespmem:$0xDC00] =	vst v8  }
0x40: {  	v14 =	vld [tilespmem:$0xB700];
	[tilespmem:$0xDC80] =	vst v9  }
0x41: {  	v15 =	vld [tilespmem:$0xB780];
	[tilespmem:$0xDD00] =	vst v10  }
0x42: {  	v16 =	vld [tilespmem:$0xB800];
	[tilespmem:$0xDD80] =	vst v11  }
0x43: {  	v17 =	vld [tilespmem:$0xB880];
	[tilespmem:$0xDE00] =	vst v12  }
0x44: {  	v18 =	vld [tilespmem:$0xB900];
	[tilespmem:$0xDE80] =	vst v13  }
0x45: {  	v19 =	vld [tilespmem:$0xB980];
	[tilespmem:$0xDF00] =	vst v14  }
0x46: {  	v20 =	vld [tilespmem:$0xBA00];
	[tilespmem:$0xDF80] =	vst v15  }
0x47: {  	v21 =	vld [tilespmem:$0xBA80];
	[tilespmem:$0xE000] =	vst v16  }
0x48: {  	v22 =	vld [tilespmem:$0xBB00];
	[tilespmem:$0xE080] =	vst v17  }
0x49: {  	v23 =	vld [tilespmem:$0xBB80];
	[tilespmem:$0xE100] =	vst v18  }
0x4a: {  	v24 =	vld [tilespmem:$0xBC00];
	[tilespmem:$0xE180] =	vst v19  }
0x4b: {  	v25 =	vld [tilespmem:$0xBC80];
	[tilespmem:$0xE200] =	vst v20  }
0x4c: {  	v26 =	vld [tilespmem:$0xBD00];
	[tilespmem:$0xE280] =	vst v21  }
0x4d: {  	v27 =	vld [tilespmem:$0xBD80];
	[tilespmem:$0xE300] =	vst v22  }
0x4e: {  	v28 =	vld [tilespmem:$0xBE00];
	[tilespmem:$0xE380] =	vst v23  }
0x4f: {  	v29 =	vld [tilespmem:$0xBE80];
	[tilespmem:$0xE400] =	vst v24  }
0x50: {  	v30 =	vld [tilespmem:$0xBF00];
	[tilespmem:$0xE480] =	vst v25  }
0x51: {  	v31 =	vld [tilespmem:$0xBF80];
	[tilespmem:$0xE500] =	vst v26  }
0x52: {  	v32 =	vld [tilespmem:$0xC000];
	[tilespmem:$0xE580] =	vst v27  }
0x53: {  	v33 =	vld [tilespmem:$0xC080];
	[tilespmem:$0xE600] =	vst v28  }
0x54: {  	v34 =	vld [tilespmem:$0xC100];
	[tilespmem:$0xE680] =	vst v29  }
0x55: {  	v35 =	vld [tilespmem:$0xC180];
	[tilespmem:$0xE700] =	vst v30  }
0x56: {  	v36 =	vld [tilespmem:$0xC200];
	[tilespmem:$0xE780] =	vst v31  }
0x57: {  	v37 =	vld [tilespmem:$0xC280];
	[tilespmem:$0xE800] =	vst v32  }
0x58: {  	v38 =	vld [tilespmem:$0xC300];
	[tilespmem:$0xE880] =	vst v33  }
0x59: {  	v39 =	vld [tilespmem:$0xC380];
	[tilespmem:$0xE900] =	vst v34  }
0x5a: {  	v40 =	vld [tilespmem:$0xC400];
	[tilespmem:$0xE980] =	vst v35  }
0x5b: {  	v41 =	vld [tilespmem:$0xC480];
	[tilespmem:$0xEA00] =	vst v36  }
0x5c: {  	v42 =	vld [tilespmem:$0xC500];
	[tilespmem:$0xEA80] =	vst v37  }
0x5d: {  	v43 =	vld [tilespmem:$0xC580];
	[tilespmem:$0xEB00] =	vst v38  }
0x5e: {  	v44 =	vld [tilespmem:$0xC600];
	[tilespmem:$0xEB80] =	vst v39  }
0x5f: {  	[tilespmem:$0xEC00] =	vst v40;
	v45 =	vld [tilespmem:$0xC680]  }
0x60: {  	[tilespmem:$0xEC80] =	vst v41;
	v46 =	vld [tilespmem:$0xC700]  }
0x61: {  	[tilespmem:$0xED00] =	vst v42;
	v47 =	vld [tilespmem:$0xC780]  }
0x62: {  	[tilespmem:$0xED80] =	vst v43;
	v48 =	vld [tilespmem:$0xC800]  }
0x63: {  	[tilespmem:$0xEE00] =	vst v44;
	v49 =	vld [tilespmem:$0xC880]  }
0x64: {  	v50 =	vld [tilespmem:$0xC900];
	[tilespmem:$0xEE80] =	vst v45  }
0x65: {  	v51 =	vld [tilespmem:$0xC980];
	[tilespmem:$0xEF00] =	vst v46  }
0x66: {  	v52 =	vld [tilespmem:$0xCA00];
	[tilespmem:$0xEF80] =	vst v47  }
0x67: {  	v53 =	vld [tilespmem:$0xCA80];
	[tilespmem:$0xF000] =	vst v48  }
0x68: {  	v54 =	vld [tilespmem:$0xCB00];
	[tilespmem:$0xF080] =	vst v49  }
0x69: {  	v55 =	vld [tilespmem:$0xCB80];
	[tilespmem:$0xF100] =	vst v50  }
0x6a: {  	v56 =	vld [tilespmem:$0xCC00];
	[tilespmem:$0xF180] =	vst v51  }
0x6b: {  	v57 =	vld [tilespmem:$0xCC80];
	[tilespmem:$0xF200] =	vst v52  }
0x6c: {  	v58 =	vld [tilespmem:$0xCD00];
	[tilespmem:$0xF280] =	vst v53  }
0x6d: {  	v59 =	vld [tilespmem:$0xCD80];
	[tilespmem:$0xF300] =	vst v54  }
0x6e: {  	v60 =	vld [tilespmem:$0xCE00];
	[tilespmem:$0xF380] =	vst v55  }
0x6f: {  	v61 =	vld [tilespmem:$0xCE80];
	[tilespmem:$0xF400] =	vst v56  }
0x70: {  	v62 =	vld [tilespmem:$0xCF00];
	[tilespmem:$0xF480] =	vst v57  }
0x71: {  	v63 =	vld [tilespmem:$0xCF80];
	[tilespmem:$0xF500] =	vst v58  }
0x72: {  	[tilespmem:$0xF580] =	vst v59  }
0x73: {  	[tilespmem:$0xF600] =	vst v60  }
0x74: {  	[tilespmem:$0xF680] =	vst v61  }
0x75: {  	[tilespmem:$0xF700] =	vst v62  }
0x76: {  	[tilespmem:$0xF780] =	vst v63  }
0x77: {  	_ =	swait.ge [sflag:s15], $0x2800  }
0x78: {  	[sflag:s15] =	ssyncset.done $0x0  }
0x79: {  	[sflag:s15] =	ssyncadd.s32 $0xFFFFD800  }
0x7a: {  	[hbm4b:s20+s3] =	stream.linear.scatter [tilespmem:s13], [sflag:$0x3], $0x2800, $0x38;
	[tilespmem:$0xF800] =	vst v63  }
0x7b: {  	_ =	swait.ge [sflag:s10], $0x2800  }
0x7c: {  	p0 =	sne.s32 s21, $0xF800;
	[sflag:s10] =	ssyncset.done $0x0  }
.Ltmp0:
0x7d: {  	[sflag:s10] =	ssyncadd.s32 $0xFFFFD800;
	(pc) =	sbr.rel @p0 .LBB2_2-.Ltmp0, $4  }
0x7e: {  	[hbm4b:s19+s3] =	stream.linear.scatter [tilespmem:s17], [sflag:$0x3], $0x2800, $0x38;
	[tilespmem:$0xF800] =	vst v63  }
0x7f: {  	_ =	swait.ge [sflag:s10], $0x2800  }
0x80: {  	s21 =	sadd.s32 $0x200, s21;
	[sflag:s10] =	ssyncset.done $0x0  }
0x81: {  	s20 =	sadd.s32 $0x500, s20;
	s19 =	sadd.s32 $0x500, s19;
	[sflag:s10] =	ssyncadd.s32 $0xFFFFD800  }
0x82: {  	s18 =	sadd.s32 $0x1, s18  }
0x83: {  	p0 =	sne.s32 s18, s7  }
.Ltmp1:
0x84: {  	_ = 	snop;
	(pc) =	sbr.rel @p0 .LBB2_1-.Ltmp1, $1  }
0x85: {  	_ =	sdelay $0x3  }
0x86: {  	_ =	sfence.sel $0x180000  }
0x87: {  	[bflag:$0x0] =	sbarrier.arrive $0xFFFF  }
0x88: {  	p0 =	sne.s32 s2, $0x0;
	_ =	strace $0x90000047  }
0x89: {  	s0 =	sadd.s32 @!p0 $0x100000, s0;
	[bflag:$0x2] =	sbarrier.arrive $0xFFFF  }
0x8a: {  	[sflag:s0] =	ssyncadd.tile.s32 @!p0 $0x1;
	_ =	shalt  }
.Lfunc_end2:
_tile_overlayer_lowered:
.L_overlay_start_2:
0x8b: {  	(tag) =	ssettag $0x2  }
0x8c: {  	s0 =	rddreg [dreg:$0x0];
	s2 =	stileid.u32  }
0x8d: {  	s1 =	rddreg [dreg:$0x1];
	p0 =	sne.s32 s2, $0x0  }
0x8e: {  	s3 =	rddreg [dreg:$0x2];
	[bflag:$0x3] =	sbarrier.arrive $0xFFFF;
	s2 =	simm.s32 @!p0 $0x1C03  }
0x8f: {  	[timem:s3], [sflag:s2] =	dma.local @!p0 [hbm:s0], s1  }
0x90: {  	s0 =	simm.s32 @!p0 $0x3  }
0x91: {  	_ =	swait.ge @!p0 [sflag:s0], s1  }
0x92: {  	s1 =	ssub.s32 @!p0 $0x0, s1;
	[sflag:s0] =	ssyncset.done @!p0 $0x0  }
0x93: {  	[sflag:s0] =	ssyncadd.s32 @!p0 s1  }
0x94: {  	[bflag:$0x3] =	sbarrier.arrive $0xFFFF  }
0x95: {  	_ =	shalt  }

// kernel: scatter_offload_async_start
scs
__scs_entry_jumppad:
0x0: {  	(pc) =	sbr.rel $0x88, $3  }
0x1: {  	(tag) =	ssettag $0x0;
	lr =	simm.s32 $0x1  }
0x2: {  	[smem:$0x3F91] =	sst lr;
	_ =	strace $0xD0000000  }
0x3: {  	_ = 	snop  }
0x4: {  	_ = 	snop  }
0x5: {  	_ = 	snop  }
0x6: {  	_ = 	snop  }
0x7: {  	_ = 	snop  }
__scs_overlays_trampoline_lowered:
0x8: {  	[smem:$0x3FA0] =	sst s0  }
0x9: {  	[smem:$0x3FA1] =	sst s1  }
0xa: {  	[smem:$0x3FA2] =	sst s2  }
0xb: {  	[smem:$0x3FA3] =	sst s3  }
0xc: {  	[smem:$0x3FA4] =	sst s4  }
0xd: {  	[smem:$0x3FA5] =	sst s5  }
0xe: {  	[smem:$0x3FA6] =	sst s6  }
0xf: {  	[smem:$0x3FA7] =	sst s7  }
0x10: {  	[smem:$0x3FA8] =	sst s8  }
0x11: {  	[smem:$0x3FA9] =	sst s9;
	s0 =	simm.s32 @!p0 $0x0  }
0x12: {  	s1 =	sld [smem:$0x3F8F];
	s0 =	simm.s32 @p0 $0x1  }
0x13: {  	[smem:$0x3FAA] =	sst s0;
	s0 =	simm.s32 @!p1 $0x0  }
0x14: {  	s2 =	sld [smem:$0x3F8E];
	s0 =	simm.s32 @p1 $0x1  }
0x15: {  	[smem:$0x3FAB] =	sst s0;
	s0 =	simm.s32 @!p2 $0x0  }
0x16: {  	s3 =	sld [smem:$0x3FDB];
	s0 =	simm.s32 @p2 $0x1  }
0x17: {  	s4 =	simm.s32 $0x1BF5;
	[smem:$0x3FAD] =	sst s0  }
0x18: {  	s0 =	sld [smem:$0x3F90];
	_ =	swait.ge [sflag:s4], $0x0  }
0x19: {  	s7 =	sld [smem:$0x3F91]  }
0x1a: {  	s8 =	sadd.s32 $0xFFFFE003, lr  }
0x1b: {  	s9 =	sadd.s32 $0xFFFFFEF7, lr;
	s5 =	simm.s32 $0xFFFFFFFF;
	p2 =	slt.u32 s8, $0xFFFFF086  }
0x1c: {  	p1 =	slt.u32 s9, $0xF7A;
	s5 =	simm.s32 @!p2 $0x0  }
0x1d: {  	s5 =	simm.s32 @p1 $0x1;
	p0 =	seq.s32 s7, s2  }
0x1e: {  	s7 =	smul.u32 @!p0 $0xF7A, s2;
	p2 =	seq.s32 @!p0 s5, $0x0  }
0x1f: {  	s9 =	smul.u32 $0xF7A, s1;
	s8 =	simm.s32 @!p0 $0x1BF5;
	p2 =	por !p2, p0  }
0x20: {  	[sflag:s8] =	ssyncset.s32 @!p0 $0xFFFFF086;
	s6 =	sadd.s32 @!p0 s3, s7;
	s7 =	simm.s32 @!p0 $0x108  }
0x21: {  	s3 =	sadd.s32 s3, s9;
	s6 =	sadd.s32 @!p0 $0x88, s6;
	s7 =	simm.s32 @p2 $0x1082  }
0x22: {  	[simem:s7], [sflag:s8] =	dma.local @!p0 [hbm:s6], $0xF7A  }
0x23: {  	s9 =	sor.u32 $0xD0000000, s2;
	s6 =	simm.s32 $0x108;
	_ =	swait.ge @!p0 [sflag:s8], $0x0  }
0x24: {  	s3 =	sadd.s32 $0x88, s3;
	s6 =	simm.s32 @!p1 $0x1082;
	[sflag:s4] =	ssyncset.s32 $0xFFFFF086  }
0x25: {  	[simem:s6], [sflag:s4] =	dma.local [hbm:s3], $0xF7A  }
0x26: {  	[smem:$0x3F91] =	sst s1;
	(tag) =	ssettag s2;
	_ =	strace s9  }
0x27: {  	s1 =	sld [smem:$0x3FA1]  }
0x28: {  	s2 =	sld [smem:$0x3FA2]  }
0x29: {  	s4 =	sld [smem:$0x3FA4]  }
0x2a: {  	p0 =	seq.s32 s5, $0x0;
	s5 =	sld [smem:$0x3FA5]  }
0x2b: {  	s6 =	sld [smem:$0x3FA6]  }
0x2c: {  	s7 =	sld [smem:$0x3FA7]  }
0x2d: {  	s3 =	simm.s32 $0x108;
	s8 =	sld [smem:$0x3FA8]  }
0x2e: {  	s3 =	simm.s32 @!p0 $0x1082;
	s9 =	sld [smem:$0x3FA9]  }
0x2f: {  	lr =	sadd.s32 s0, s3;
	s0 =	sld [smem:$0x3FA0]  }
0x30: {  	s3 =	sld [smem:$0x3FA3]  }
0x31: {  	[smem:$0x3FAC] =	sst s10  }
0x32: {  	s10 =	sld [smem:$0x3FAA];
	_ =	sdelay $0x3  }
0x33: {  	p0 =	seq.s32 s10, $0x1;
	s10 =	sld [smem:$0x3FAC];
	_ =	sdelay $0x3  }
0x34: {  	[smem:$0x3FAC] =	sst s10  }
0x35: {  	s10 =	sld [smem:$0x3FAB];
	_ =	sdelay $0x3  }
0x36: {  	p1 =	seq.s32 s10, $0x1;
	s10 =	sld [smem:$0x3FAC];
	_ =	sdelay $0x3  }
0x37: {  	[smem:$0x3FAC] =	sst s10  }
0x38: {  	s10 =	sld [smem:$0x3FAD]  }
0x39: {  	_ = 	snop;
	(pc) =	sbr.ind lr, $3  }
0x3a: {  	_ = 	snop  }
0x3b: {  	_ = 	snop  }
0x3c: {  	p2 =	seq.s32 s10, $0x1;
	s10 =	sld [smem:$0x3FAC]  }
0x3d: {  	_ =	shalt  }
0x3e: {  	_ =	shalt  }
0x3f: {  	_ =	shalt  }
0x40: {  	_ =	shalt  }
0x41: {  	_ =	shalt  }
0x42: {  	_ =	shalt  }
0x43: {  	_ =	shalt  }
0x44: {  	_ =	shalt  }
0x45: {  	_ =	shalt  }
0x46: {  	_ =	shalt  }
0x47: {  	_ =	shalt  }
0x48: {  	_ =	shalt  }
0x49: {  	_ =	shalt  }
0x4a: {  	_ =	shalt  }
0x4b: {  	_ =	shalt  }
0x4c: {  	_ =	shalt  }
0x4d: {  	_ =	shalt  }
0x4e: {  	_ =	shalt  }
0x4f: {  	_ =	shalt  }
0x50: {  	_ =	shalt  }
0x51: {  	_ =	shalt  }
0x52: {  	_ =	shalt  }
0x53: {  	_ =	shalt  }
0x54: {  	_ =	shalt  }
0x55: {  	_ =	shalt  }
0x56: {  	_ =	shalt  }
0x57: {  	_ =	shalt  }
0x58: {  	_ =	shalt  }
0x59: {  	_ =	shalt  }
0x5a: {  	_ =	shalt  }
0x5b: {  	_ =	shalt  }
0x5c: {  	_ =	shalt  }
0x5d: {  	_ =	shalt  }
0x5e: {  	_ =	shalt  }
0x5f: {  	_ =	shalt  }
0x60: {  	_ =	shalt  }
0x61: {  	_ =	shalt  }
0x62: {  	_ =	shalt  }
0x63: {  	_ =	shalt  }
0x64: {  	_ =	shalt  }
0x65: {  	_ =	shalt  }
0x66: {  	_ =	shalt  }
0x67: {  	_ =	shalt  }
0x68: {  	_ =	shalt  }
0x69: {  	_ =	shalt  }
0x6a: {  	_ =	shalt  }
0x6b: {  	_ =	shalt  }
0x6c: {  	_ =	shalt  }
0x6d: {  	_ =	shalt  }
0x6e: {  	_ =	shalt  }
0x6f: {  	_ =	shalt  }
0x70: {  	_ =	shalt  }
0x71: {  	_ =	shalt  }
0x72: {  	_ =	shalt  }
0x73: {  	_ =	shalt  }
0x74: {  	_ =	shalt  }
0x75: {  	_ =	shalt  }
0x76: {  	_ =	shalt  }
0x77: {  	_ =	shalt  }
0x78: {  	_ =	shalt  }
0x79: {  	_ =	shalt  }
0x7a: {  	_ =	shalt  }
0x7b: {  	_ =	shalt  }
0x7c: {  	_ =	shalt  }
0x7d: {  	_ =	shalt  }
0x7e: {  	_ =	shalt  }
0x7f: {  	_ =	shalt  }
0x80: {  	_ =	shalt  }
0x81: {  	_ =	shalt  }
0x82: {  	_ =	shalt  }
0x83: {  	_ =	shalt  }
0x84: {  	_ =	shalt  }
0x85: {  	_ =	shalt  }
0x86: {  	_ =	shalt  }
0x87: {  	_ =	shalt  }
.Lfunc_end0:
.L_simem_size_0:
called_computation_lowered:
.L_overlay_start_0:
0x88: {  	s2 =	sld [smem:$0x3FD9]  }
0x89: {  	s3 =	sld [smem:$0x3FFE];
	_ =	sdelay $0x1  }
0x8a: {  	s1 =	srdreg.scid  }
0x8b: {  	s0 =	sand.u32 $0x1, s1  }
0x8c: {  	s15 =	sshll.u32 s0, $0xA;
	s2 =	sadd.s32 s3, s2  }
0x8d: {  	s2 =	sadd.s32 s2, s15  }
0x8e: {  	[smem:$0x3FB8] =	sst s2  }
0x8f: {  	_ = 	snop  }
0x90: {  	(tm) =	ssettm $0x1  }
0x91: {  	s16 =	sld [smem:$0x3FFB];
	_ =	sdelay $0x3  }
0x92: {  	_ =	strace s16  }
0x93: {  	s2 =	sld [smem:$0x3FFC];
	_ =	sdelay $0x3  }
0x94: {  	_ =	strace s2  }
0x95: {  	s2 =	sld [smem:$0x3FFD];
	_ =	sdelay $0x3  }
0x96: {  	_ =	strace s2  }
0x97: {  	_ =	strace $0x8FFFFFFF  }
0x98: {  	s17 =	sld [smem:$0x3FDB];
	_ =	sdelay $0x1  }
0x99: {  	s18 =	simm.s32 $_scs_section_size  }
0x9a: {  	s4 =	simm.s32 $_size__tile_overlayer_lowered;
	s5 =	simm.s32 $_tile_overlayer_lowered  }
0x9b: {  	s21 =	simm.s32 $0x1BFF;
	s20 =	sshll.u32 s5, $0x1;
	s2 =	sadd.s32 s18, s17  }
0x9c: {  	s6 =	simm.s32 $0x0;
	s19 =	sshll.u32 s4, $0x1;
	s4 =	sadd.s32 s20, s2  }
0x9d: {  	[timem:s6], [sflag:s21] =	dma.local [hbm:s4], s19  }
0x9e: {  	_ =	swait.ge [sflag:s21], s19  }
0x9f: {  	s3 =	ssub.s32 $0x0, s19;
	[sflag:s21] =	ssyncset.done $0x0  }
0xa0: {  	[sflag:s21] =	ssyncadd.s32 s3;
	_ =	sdelay $0x1  }
0xa1: {  	s22 =	simm.s32 $0x1B8B  }
0xa2: {  	_ =	swait.ge [sflag:s22], $0x1  }
0xa3: {  	[sflag:s22] =	ssyncset.done $0x0  }
0xa4: {  	s23 =	sld [smem:$0x3FFE];
	[sflag:s22] =	ssyncadd.s32 $0xFFFFFFFF  }
0xa5: {  	s25 =	simm.s32 $0x1B8E;
	s24 =	sld [smem:$0x0]  }
0xa6: {  	s26 =	simm.s32 $execute0_lowered;
	[smem:$0x3FD2] =	sst s25  }
0xa7: {  	s5 =	sshll.u32 s26, $0x1;
	_ =	strace $0x80000049;
	[dreg:$0x1] =	wrdreg $0xFFFFFFFF  }
0xa8: {  	s28 =	simm.s32 $_size_execute0_lowered;
	s2 =	sadd.s32 s2, s5;
	[dreg:$0x0] =	wrdreg $0x0  }
0xa9: {  	s5 =	sshll.u32 s28, $0x1;
	[dreg:$0x2] =	wrdreg s2  }
0xaa: {  	[dreg:$0x3] =	wrdreg s5  }
0xab: {  	[dreg:$0x4] =	wrdreg $0xC0  }
0xac: {  	_ =	task [dreg:s6], $0x5FFFF  }
0xad: {  	[dreg:$0x1] =	wrdreg $0xFFFFFFFF  }
0xae: {  	[dreg:$0x0] =	wrdreg $0x60  }
0xaf: {  	[dreg:$0x2] =	wrdreg s23  }
0xb0: {  	[dreg:$0x3] =	wrdreg s1  }
0xb1: {  	[dreg:$0x4] =	wrdreg s24  }
0xb2: {  	[dreg:$0x5] =	wrdreg $0x9  }
0xb3: {  	_ =	task.clear_ibuf [dreg:s6], $0x6FFFF;
	_ =	strace $0x90000049  }
0xb4: {  	s29 =	simm.s32 $0x9;
	_ =	strace $0x8000004B  }
0xb5: {  	_ =	swait.ge [sflag:s29], $0x1  }
0xb6: {  	[sflag:s29] =	ssyncadd.s32 $0xFFFFFFFF  }
0xb7: {  	_ =	strace $0x9000004B  }
0xb8: {  	_ =	sfence  }
0xb9: {  	s30 =	sld [smem:$0x0];
	_ =	sdelay $0x2  }
0xba: {  	s31 =	sshll.u32 s1, $0xD;
	s1 =	sshrl.u32 s1, $0x2  }
0xbb: {  	s3 =	sand.u32 $0x4000, s31;
	s1 =	sadd.s32 s1, s30  }
0xbc: {  	s0 =	sor.u32 s3, s0;
	s1 =	sshll.u32 s1, $0x11  }
0xbd: {  	s0 =	sor.u32 s1, s0  }
0xbe: {  	s0 =	sadd.s32 $0x8F2B, s0  }
0xbf: {  	[sflag:s0] =	ssyncadd.remote.s32 $0x1  }
0xc0: {  	_ =	sfence.sel $0xFFFF  }
0xc1: {  	[dreg:$0x0] =	wrdreg $0xFFFFFFFF;
	(pc) =	sbr.abs _section_cstart, $3  }
0xc2: {  	[dreg:$0x1] =	wrdreg $0xFFFFFFFF  }
0xc3: {  	_ =	task.clear_ibuf [dreg:s6], $0x2FFFF;
	_ =	strace $0x9FFFFFFF  }
0xc4: {  	(tm) =	ssettm $0x7FFFFFFF  }
0xc5: {  	_ =	shalt  }
tec
execute0_lowered:
.L_overlay_start_1:
0x0: {  	(tag) =	ssettag $0x1  }
0x1: {  	s11 =	rddreg [dreg:$0x0]  }
0x2: {  	s2 =	rddreg [dreg:$0x1];
	_ =	strace $0x8000004A;
	s12 =	simm.s32 $0x1  }
0x3: {  	v0 =	vimm.s32 $0x0;
	[sflag:s12] =	ssyncpa.u1 $0x0  }
0x4: {  	[tilespmem:$0x28] =	vst v0  }
0x5: {  	[tilespmem:$0x38] =	vst v0  }
0x6: {  	[tilespmem:$0x48] =	vst v0  }
0x7: {  	[tilespmem:$0x58] =	vst v0  }
0x8: {  	[tilespmem:$0x68] =	vst v0  }
0x9: {  	[tilespmem:$0x78] =	vst v0  }
0xa: {  	[tilespmem:$0x88] =	vst v0  }
0xb: {  	[tilespmem:$0x98] =	vst v0  }
0xc: {  	[tilespmem:$0xA8] =	vst v0  }
0xd: {  	[tilespmem:$0xB8] =	vst v0  }
0xe: {  	[tilespmem:$0xC8] =	vst v0  }
0xf: {  	[tilespmem:$0xD8] =	vst v0  }
0x10: {  	[tilespmem:$0xE8] =	vst v0  }
0x11: {  	[tilespmem:$0xF8] =	vst v0  }
0x12: {  	[tilespmem:$0x108] =	vst v0  }
0x13: {  	[tilespmem:$0x118] =	vst v0  }
0x14: {  	[tilespmem:$0x128] =	vst v0  }
0x15: {  	[tilespmem:$0x138] =	vst v0  }
0x16: {  	[tilespmem:$0x148] =	vst v0  }
0x17: {  	[tilespmem:$0x158] =	vst v0  }
0x18: {  	[tilespmem:$0x168] =	vst v0  }
0x19: {  	[tilespmem:$0x178] =	vst v0  }
0x1a: {  	[tilespmem:$0x188] =	vst v0  }
0x1b: {  	[tilespmem:$0x198] =	vst v0  }
0x1c: {  	[tilespmem:$0x1A8] =	vst v0  }
0x1d: {  	[tilespmem:$0x1B8] =	vst v0  }
0x1e: {  	[tilespmem:$0x1C8] =	vst v0  }
0x1f: {  	[tilespmem:$0x1D8] =	vst v0  }
0x20: {  	[tilespmem:$0x1E8] =	vst v0  }
0x21: {  	[tilespmem:$0x1F8] =	vst v0  }
0x22: {  	[tilespmem:$0x208] =	vst v0  }
0x23: {  	[tilespmem:$0x218] =	vst v0  }
0x24: {  	[tilespmem:$0x228] =	vst v0  }
0x25: {  	[tilespmem:$0x238] =	vst v0  }
0x26: {  	[tilespmem:$0x248] =	vst v0  }
0x27: {  	[tilespmem:$0x258] =	vst v0  }
0x28: {  	[tilespmem:$0x268] =	vst v0  }
0x29: {  	[tilespmem:$0x278] =	vst v0  }
0x2a: {  	[tilespmem:$0x288] =	vst v0  }
0x2b: {  	[tilespmem:$0x298] =	vst v0  }
0x2c: {  	[tilespmem:$0x2A8] =	vst v0  }
0x2d: {  	[tilespmem:$0x2B8] =	vst v0  }
0x2e: {  	[tilespmem:$0x2C8] =	vst v0  }
0x2f: {  	[tilespmem:$0x2D8] =	vst v0  }
0x30: {  	[tilespmem:$0x2E8] =	vst v0  }
0x31: {  	[tilespmem:$0x2F8] =	vst v0  }
0x32: {  	[tilespmem:$0x308] =	vst v0  }
0x33: {  	[tilespmem:$0x318] =	vst v0  }
0x34: {  	[tilespmem:$0x328] =	vst v0  }
0x35: {  	[tilespmem:$0x338] =	vst v0  }
0x36: {  	[tilespmem:$0x348] =	vst v0  }
0x37: {  	[tilespmem:$0x358] =	vst v0  }
0x38: {  	[tilespmem:$0x368] =	vst v0  }
0x39: {  	[tilespmem:$0x378] =	vst v0  }
0x3a: {  	[tilespmem:$0x388] =	vst v0  }
0x3b: {  	[tilespmem:$0x398] =	vst v0  }
0x3c: {  	[tilespmem:$0x3A8] =	vst v0  }
0x3d: {  	[tilespmem:$0x3B8] =	vst v0  }
0x3e: {  	[tilespmem:$0x3C8] =	vst v0  }
0x3f: {  	[tilespmem:$0x3D8] =	vst v0  }
0x40: {  	[tilespmem:$0x3E8] =	vst v0  }
0x41: {  	[tilespmem:$0x3F8] =	vst v0  }
0x42: {  	[tilespmem:$0x408] =	vst v0  }
0x43: {  	[tilespmem:$0x418] =	vst v0  }
0x44: {  	[tilespmem:$0x428] =	vst v0  }
0x45: {  	[tilespmem:$0x438] =	vst v0  }
0x46: {  	[tilespmem:$0x448] =	vst v0  }
0x47: {  	[tilespmem:$0x458] =	vst v0  }
0x48: {  	[tilespmem:$0x468] =	vst v0  }
0x49: {  	[tilespmem:$0x478] =	vst v0  }
0x4a: {  	[tilespmem:$0x488] =	vst v0  }
0x4b: {  	[tilespmem:$0x498] =	vst v0  }
0x4c: {  	[tilespmem:$0x4A8] =	vst v0  }
0x4d: {  	[tilespmem:$0x4B8] =	vst v0  }
0x4e: {  	[tilespmem:$0x4C8] =	vst v0  }
0x4f: {  	[tilespmem:$0x4D8] =	vst v0  }
0x50: {  	[tilespmem:$0x4E8] =	vst v0  }
0x51: {  	[tilespmem:$0x4F8] =	vst v0  }
0x52: {  	[tilespmem:$0x508] =	vst v0  }
0x53: {  	[tilespmem:$0x518] =	vst v0  }
0x54: {  	[tilespmem:$0x528] =	vst v0  }
0x55: {  	[tilespmem:$0x538] =	vst v0  }
0x56: {  	[tilespmem:$0x548] =	vst v0  }
0x57: {  	[tilespmem:$0x558] =	vst v0  }
0x58: {  	[tilespmem:$0x568] =	vst v0  }
0x59: {  	[tilespmem:$0x578] =	vst v0  }
0x5a: {  	[tilespmem:$0x588] =	vst v0  }
0x5b: {  	[tilespmem:$0x598] =	vst v0  }
0x5c: {  	[tilespmem:$0x5A8] =	vst v0  }
0x5d: {  	[tilespmem:$0x5B8] =	vst v0  }
0x5e: {  	[tilespmem:$0x5C8] =	vst v0  }
0x5f: {  	[tilespmem:$0x5D8] =	vst v0  }
0x60: {  	[tilespmem:$0x5E8] =	vst v0  }
0x61: {  	[tilespmem:$0x5F8] =	vst v0  }
0x62: {  	[tilespmem:$0x608] =	vst v0  }
0x63: {  	[tilespmem:$0x618] =	vst v0  }
0x64: {  	[tilespmem:$0x628] =	vst v0  }
0x65: {  	[tilespmem:$0x638] =	vst v0  }
0x66: {  	[tilespmem:$0x648] =	vst v0  }
0x67: {  	[tilespmem:$0x658] =	vst v0  }
0x68: {  	[tilespmem:$0x668] =	vst v0  }
0x69: {  	[tilespmem:$0x678] =	vst v0  }
0x6a: {  	[tilespmem:$0x688] =	vst v0  }
0x6b: {  	[tilespmem:$0x698] =	vst v0  }
0x6c: {  	[tilespmem:$0x6A8] =	vst v0  }
0x6d: {  	[tilespmem:$0x6B8] =	vst v0  }
0x6e: {  	[tilespmem:$0x6C8] =	vst v0  }
0x6f: {  	[tilespmem:$0x6D8] =	vst v0  }
0x70: {  	[tilespmem:$0x6E8] =	vst v0  }
0x71: {  	[tilespmem:$0x6F8] =	vst v0  }
0x72: {  	[tilespmem:$0x708] =	vst v0  }
0x73: {  	[tilespmem:$0x718] =	vst v0  }
0x74: {  	[tilespmem:$0x728] =	vst v0  }
0x75: {  	[tilespmem:$0x738] =	vst v0  }
0x76: {  	[tilespmem:$0x748] =	vst v0  }
0x77: {  	[tilespmem:$0x758] =	vst v0  }
0x78: {  	[tilespmem:$0x768] =	vst v0  }
0x79: {  	[tilespmem:$0x778] =	vst v0  }
0x7a: {  	[tilespmem:$0x788] =	vst v0  }
0x7b: {  	[tilespmem:$0x798] =	vst v0  }
0x7c: {  	[tilespmem:$0x7A8] =	vst v0  }
0x7d: {  	[tilespmem:$0x7B8] =	vst v0  }
0x7e: {  	[tilespmem:$0x7C8] =	vst v0  }
0x7f: {  	[tilespmem:$0x7D8] =	vst v0  }
0x80: {  	[tilespmem:$0x7E8] =	vst v0  }
0x81: {  	[tilespmem:$0x7F8] =	vst v0  }
0x82: {  	[tilespmem:$0x808] =	vst v0  }
0x83: {  	[tilespmem:$0x818] =	vst v0  }
0x84: {  	[tilespmem:$0x828] =	vst v0  }
0x85: {  	[tilespmem:$0x838] =	vst v0  }
0x86: {  	[tilespmem:$0x848] =	vst v0  }
0x87: {  	[tilespmem:$0x858] =	vst v0  }
0x88: {  	[tilespmem:$0x868] =	vst v0  }
0x89: {  	[tilespmem:$0x878] =	vst v0  }
0x8a: {  	[tilespmem:$0x888] =	vst v0  }
0x8b: {  	[tilespmem:$0x898] =	vst v0  }
0x8c: {  	[tilespmem:$0x8A8] =	vst v0  }
0x8d: {  	[tilespmem:$0x8B8] =	vst v0  }
0x8e: {  	[tilespmem:$0x8C8] =	vst v0  }
0x8f: {  	[tilespmem:$0x8D8] =	vst v0  }
0x90: {  	[tilespmem:$0x8E8] =	vst v0  }
0x91: {  	[tilespmem:$0x8F8] =	vst v0  }
0x92: {  	[tilespmem:$0x908] =	vst v0  }
0x93: {  	[tilespmem:$0x918] =	vst v0  }
0x94: {  	[tilespmem:$0x928] =	vst v0  }
0x95: {  	[tilespmem:$0x938] =	vst v0  }
0x96: {  	[tilespmem:$0x948] =	vst v0  }
0x97: {  	[tilespmem:$0x958] =	vst v0  }
0x98: {  	[tilespmem:$0x968] =	vst v0  }
0x99: {  	[tilespmem:$0x978] =	vst v0  }
0x9a: {  	[tilespmem:$0x988] =	vst v0  }
0x9b: {  	[tilespmem:$0x998] =	vst v0  }
0x9c: {  	[tilespmem:$0x9A8] =	vst v0  }
0x9d: {  	[tilespmem:$0x9B8] =	vst v0  }
0x9e: {  	[tilespmem:$0x9C8] =	vst v0  }
0x9f: {  	[tilespmem:$0x9D8] =	vst v0  }
0xa0: {  	[tilespmem:$0x9E8] =	vst v0  }
0xa1: {  	[tilespmem:$0x9F8] =	vst v0  }
0xa2: {  	[tilespmem:$0xA08] =	vst v0  }
0xa3: {  	[tilespmem:$0xA18] =	vst v0  }
0xa4: {  	[tilespmem:$0xA28] =	vst v0  }
0xa5: {  	[tilespmem:$0xA38] =	vst v0  }
0xa6: {  	[tilespmem:$0xA48] =	vst v0  }
0xa7: {  	[tilespmem:$0xA58] =	vst v0  }
0xa8: {  	[tilespmem:$0xA68] =	vst v0  }
0xa9: {  	[tilespmem:$0xA78] =	vst v0  }
0xaa: {  	[tilespmem:$0xA88] =	vst v0  }
0xab: {  	[tilespmem:$0xA98] =	vst v0  }
0xac: {  	[tilespmem:$0xAA8] =	vst v0  }
0xad: {  	[tilespmem:$0xAB8] =	vst v0  }
0xae: {  	[tilespmem:$0xAC8] =	vst v0  }
0xaf: {  	[tilespmem:$0xAD8] =	vst v0  }
0xb0: {  	[tilespmem:$0xAE8] =	vst v0  }
0xb1: {  	[tilespmem:$0xAF8] =	vst v0  }
0xb2: {  	[tilespmem:$0xB08] =	vst v0  }
0xb3: {  	[tilespmem:$0xB18] =	vst v0  }
0xb4: {  	[tilespmem:$0xB28] =	vst v0  }
0xb5: {  	[tilespmem:$0xB38] =	vst v0  }
0xb6: {  	[tilespmem:$0xB48] =	vst v0  }
0xb7: {  	[tilespmem:$0xB58] =	vst v0  }
0xb8: {  	[tilespmem:$0xB68] =	vst v0  }
0xb9: {  	[tilespmem:$0xB78] =	vst v0  }
0xba: {  	[tilespmem:$0xB88] =	vst v0  }
0xbb: {  	[tilespmem:$0xB98] =	vst v0  }
0xbc: {  	[tilespmem:$0xBA8] =	vst v0  }
0xbd: {  	[tilespmem:$0xBB8] =	vst v0  }
0xbe: {  	[tilespmem:$0xBC8] =	vst v0  }
0xbf: {  	[tilespmem:$0xBD8] =	vst v0  }
0xc0: {  	[tilespmem:$0xBE8] =	vst v0  }
0xc1: {  	[tilespmem:$0xBF8] =	vst v0  }
0xc2: {  	[tilespmem:$0xC08] =	vst v0  }
0xc3: {  	[tilespmem:$0xC18] =	vst v0  }
0xc4: {  	[tilespmem:$0xC28] =	vst v0  }
0xc5: {  	[tilespmem:$0xC38] =	vst v0  }
0xc6: {  	[tilespmem:$0xC48] =	vst v0  }
0xc7: {  	[tilespmem:$0xC58] =	vst v0  }
0xc8: {  	[tilespmem:$0xC68] =	vst v0  }
0xc9: {  	[tilespmem:$0xC78] =	vst v0  }
0xca: {  	[tilespmem:$0xC88] =	vst v0  }
0xcb: {  	[tilespmem:$0xC98] =	vst v0  }
0xcc: {  	[tilespmem:$0xCA8] =	vst v0  }
0xcd: {  	[tilespmem:$0xCB8] =	vst v0  }
0xce: {  	[tilespmem:$0xCC8] =	vst v0  }
0xcf: {  	[tilespmem:$0xCD8] =	vst v0  }
0xd0: {  	[tilespmem:$0xCE8] =	vst v0  }
0xd1: {  	[tilespmem:$0xCF8] =	vst v0  }
0xd2: {  	[tilespmem:$0xD08] =	vst v0  }
0xd3: {  	[tilespmem:$0xD18] =	vst v0  }
0xd4: {  	[tilespmem:$0xD28] =	vst v0  }
0xd5: {  	[tilespmem:$0xD38] =	vst v0  }
0xd6: {  	[tilespmem:$0xD48] =	vst v0  }
0xd7: {  	[tilespmem:$0xD58] =	vst v0  }
0xd8: {  	[tilespmem:$0xD68] =	vst v0  }
0xd9: {  	[tilespmem:$0xD78] =	vst v0  }
0xda: {  	[tilespmem:$0xD88] =	vst v0  }
0xdb: {  	[tilespmem:$0xD98] =	vst v0  }
0xdc: {  	[tilespmem:$0xDA8] =	vst v0  }
0xdd: {  	[tilespmem:$0xDB8] =	vst v0  }
0xde: {  	[tilespmem:$0xDC8] =	vst v0  }
0xdf: {  	[tilespmem:$0xDD8] =	vst v0  }
0xe0: {  	[tilespmem:$0xDE8] =	vst v0  }
0xe1: {  	[tilespmem:$0xDF8] =	vst v0  }
0xe2: {  	[tilespmem:$0xE08] =	vst v0  }
0xe3: {  	[tilespmem:$0xE18] =	vst v0  }
0xe4: {  	[tilespmem:$0xE28] =	vst v0  }
0xe5: {  	[tilespmem:$0xE38] =	vst v0  }
0xe6: {  	[tilespmem:$0xE48] =	vst v0  }
0xe7: {  	[tilespmem:$0xE58] =	vst v0  }
0xe8: {  	[tilespmem:$0xE68] =	vst v0  }
0xe9: {  	[tilespmem:$0xE78] =	vst v0  }
0xea: {  	[tilespmem:$0xE88] =	vst v0  }
0xeb: {  	[tilespmem:$0xE98] =	vst v0  }
0xec: {  	[tilespmem:$0xEA8] =	vst v0  }
0xed: {  	[tilespmem:$0xEB8] =	vst v0  }
0xee: {  	[tilespmem:$0xEC8] =	vst v0  }
0xef: {  	[tilespmem:$0xED8] =	vst v0  }
0xf0: {  	[tilespmem:$0xEE8] =	vst v0  }
0xf1: {  	[tilespmem:$0xEF8] =	vst v0  }
0xf2: {  	[tilespmem:$0xF08] =	vst v0  }
0xf3: {  	[tilespmem:$0xF18] =	vst v0  }
0xf4: {  	[tilespmem:$0xF28] =	vst v0  }
0xf5: {  	[tilespmem:$0xF38] =	vst v0  }
0xf6: {  	[tilespmem:$0xF48] =	vst v0  }
0xf7: {  	[tilespmem:$0xF58] =	vst v0  }
0xf8: {  	[tilespmem:$0xF68] =	vst v0  }
0xf9: {  	[tilespmem:$0xF78] =	vst v0  }
0xfa: {  	[tilespmem:$0xF88] =	vst v0  }
0xfb: {  	[tilespmem:$0xF98] =	vst v0  }
0xfc: {  	[tilespmem:$0xFA8] =	vst v0  }
0xfd: {  	[tilespmem:$0xFB8] =	vst v0  }
0xfe: {  	[tilespmem:$0xFC8] =	vst v0  }
0xff: {  	[tilespmem:$0xFD8] =	vst v0  }
0x100: {  	[tilespmem:$0xFE8] =	vst v0  }
0x101: {  	[tilespmem:$0xFF8] =	vst v0  }
0x102: {  	[tilespmem:$0x1028] =	vst v0  }
0x103: {  	[tilespmem:$0x10E8] =	vst v0  }
0x104: {  	[tilespmem:$0x1068] =	vst v0  }
0x105: {  	[tilespmem:$0x1B28] =	vst v0  }
0x106: {  	[tilespmem:$0x1B18] =	vst v0  }
0x107: {  	[tilespmem:$0x1B08] =	vst v0  }
0x108: {  	[tilespmem:$0x1AF8] =	vst v0  }
0x109: {  	[tilespmem:$0x1AE8] =	vst v0  }
0x10a: {  	[tilespmem:$0x1AD8] =	vst v0  }
0x10b: {  	[tilespmem:$0x1AC8] =	vst v0  }
0x10c: {  	[tilespmem:$0x1AB8] =	vst v0  }
0x10d: {  	[tilespmem:$0x1AA8] =	vst v0  }
0x10e: {  	[tilespmem:$0x1A98] =	vst v0  }
0x10f: {  	[tilespmem:$0x1A88] =	vst v0  }
0x110: {  	[tilespmem:$0x1A78] =	vst v0  }
0x111: {  	[tilespmem:$0x1A68] =	vst v0  }
0x112: {  	[tilespmem:$0x1A58] =	vst v0  }
0x113: {  	[tilespmem:$0x1A48] =	vst v0  }
0x114: {  	[tilespmem:$0x1A38] =	vst v0  }
0x115: {  	[tilespmem:$0x1A28] =	vst v0  }
0x116: {  	[tilespmem:$0x1A18] =	vst v0  }
0x117: {  	[tilespmem:$0x1A08] =	vst v0  }
0x118: {  	[tilespmem:$0x19F8] =	vst v0  }
0x119: {  	[tilespmem:$0x19E8] =	vst v0  }
0x11a: {  	[tilespmem:$0x19D8] =	vst v0  }
0x11b: {  	[tilespmem:$0x19C8] =	vst v0  }
0x11c: {  	[tilespmem:$0x19B8] =	vst v0  }
0x11d: {  	[tilespmem:$0x19A8] =	vst v0  }
0x11e: {  	[tilespmem:$0x1998] =	vst v0  }
0x11f: {  	[tilespmem:$0x1988] =	vst v0  }
0x120: {  	[tilespmem:$0x1978] =	vst v0  }
0x121: {  	[tilespmem:$0x1968] =	vst v0  }
0x122: {  	[tilespmem:$0x1958] =	vst v0  }
0x123: {  	[tilespmem:$0x1948] =	vst v0  }
0x124: {  	[tilespmem:$0x1938] =	vst v0  }
0x125: {  	[tilespmem:$0x1928] =	vst v0  }
0x126: {  	[tilespmem:$0x1918] =	vst v0  }
0x127: {  	[tilespmem:$0x1908] =	vst v0  }
0x128: {  	[tilespmem:$0x18F8] =	vst v0  }
0x129: {  	[tilespmem:$0x18E8] =	vst v0  }
0x12a: {  	[tilespmem:$0x18D8] =	vst v0  }
0x12b: {  	[tilespmem:$0x18C8] =	vst v0  }
0x12c: {  	[tilespmem:$0x18B8] =	vst v0  }
0x12d: {  	[tilespmem:$0x18A8] =	vst v0  }
0x12e: {  	[tilespmem:$0x1898] =	vst v0  }
0x12f: {  	[tilespmem:$0x1888] =	vst v0  }
0x130: {  	[tilespmem:$0x1878] =	vst v0  }
0x131: {  	[tilespmem:$0x1868] =	vst v0  }
0x132: {  	[tilespmem:$0x1858] =	vst v0  }
0x133: {  	[tilespmem:$0x1848] =	vst v0  }
0x134: {  	[tilespmem:$0x1838] =	vst v0  }
0x135: {  	[tilespmem:$0x1828] =	vst v0  }
0x136: {  	[tilespmem:$0x1818] =	vst v0  }
0x137: {  	[tilespmem:$0x1808] =	vst v0  }
0x138: {  	[tilespmem:$0x17F8] =	vst v0  }
0x139: {  	[tilespmem:$0x17E8] =	vst v0  }
0x13a: {  	[tilespmem:$0x17D8] =	vst v0  }
0x13b: {  	[tilespmem:$0x17C8] =	vst v0  }
0x13c: {  	[tilespmem:$0x17B8] =	vst v0  }
0x13d: {  	[tilespmem:$0x17A8] =	vst v0  }
0x13e: {  	[tilespmem:$0x1798] =	vst v0  }
0x13f: {  	[tilespmem:$0x1788] =	vst v0  }
0x140: {  	[tilespmem:$0x1778] =	vst v0  }
0x141: {  	[tilespmem:$0x1768] =	vst v0  }
0x142: {  	[tilespmem:$0x1758] =	vst v0  }
0x143: {  	[tilespmem:$0x1748] =	vst v0  }
0x144: {  	[tilespmem:$0x1738] =	vst v0  }
0x145: {  	[tilespmem:$0x1728] =	vst v0  }
0x146: {  	[tilespmem:$0x1718] =	vst v0  }
0x147: {  	[tilespmem:$0x1708] =	vst v0  }
0x148: {  	[tilespmem:$0x16F8] =	vst v0  }
0x149: {  	[tilespmem:$0x16E8] =	vst v0  }
0x14a: {  	[tilespmem:$0x16D8] =	vst v0  }
0x14b: {  	[tilespmem:$0x16C8] =	vst v0  }
0x14c: {  	[tilespmem:$0x16B8] =	vst v0  }
0x14d: {  	[tilespmem:$0x16A8] =	vst v0  }
0x14e: {  	[tilespmem:$0x1698] =	vst v0  }
0x14f: {  	[tilespmem:$0x1688] =	vst v0  }
0x150: {  	[tilespmem:$0x1678] =	vst v0  }
0x151: {  	[tilespmem:$0x1668] =	vst v0  }
0x152: {  	[tilespmem:$0x1658] =	vst v0  }
0x153: {  	[tilespmem:$0x1648] =	vst v0  }
0x154: {  	[tilespmem:$0x1638] =	vst v0  }
0x155: {  	[tilespmem:$0x1628] =	vst v0  }
0x156: {  	[tilespmem:$0x1618] =	vst v0  }
0x157: {  	[tilespmem:$0x1608] =	vst v0  }
0x158: {  	[tilespmem:$0x15F8] =	vst v0  }
0x159: {  	[tilespmem:$0x15E8] =	vst v0  }
0x15a: {  	[tilespmem:$0x15D8] =	vst v0  }
0x15b: {  	[tilespmem:$0x15C8] =	vst v0  }
0x15c: {  	[tilespmem:$0x15B8] =	vst v0  }
0x15d: {  	[tilespmem:$0x15A8] =	vst v0  }
0x15e: {  	[tilespmem:$0x1598] =	vst v0  }
0x15f: {  	[tilespmem:$0x1588] =	vst v0  }
0x160: {  	[tilespmem:$0x1578] =	vst v0  }
0x161: {  	[tilespmem:$0x1568] =	vst v0  }
0x162: {  	[tilespmem:$0x1558] =	vst v0  }
0x163: {  	[tilespmem:$0x1548] =	vst v0  }
0x164: {  	[tilespmem:$0x1538] =	vst v0  }
0x165: {  	[tilespmem:$0x1528] =	vst v0  }
0x166: {  	[tilespmem:$0x1518] =	vst v0  }
0x167: {  	[tilespmem:$0x1508] =	vst v0  }
0x168: {  	[tilespmem:$0x14F8] =	vst v0  }
0x169: {  	[tilespmem:$0x14E8] =	vst v0  }
0x16a: {  	[tilespmem:$0x14D8] =	vst v0  }
0x16b: {  	[tilespmem:$0x14C8] =	vst v0  }
0x16c: {  	[tilespmem:$0x14B8] =	vst v0  }
0x16d: {  	[tilespmem:$0x14A8] =	vst v0  }
0x16e: {  	[tilespmem:$0x1498] =	vst v0  }
0x16f: {  	[tilespmem:$0x1488] =	vst v0  }
0x170: {  	[tilespmem:$0x1478] =	vst v0  }
0x171: {  	[tilespmem:$0x1468] =	vst v0  }
0x172: {  	[tilespmem:$0x1458] =	vst v0  }
0x173: {  	[tilespmem:$0x1448] =	vst v0  }
0x174: {  	[tilespmem:$0x1438] =	vst v0  }
0x175: {  	[tilespmem:$0x1428] =	vst v0  }
0x176: {  	[tilespmem:$0x1418] =	vst v0  }
0x177: {  	[tilespmem:$0x1408] =	vst v0  }
0x178: {  	[tilespmem:$0x13F8] =	vst v0  }
0x179: {  	[tilespmem:$0x13E8] =	vst v0  }
0x17a: {  	[tilespmem:$0x13D8] =	vst v0  }
0x17b: {  	[tilespmem:$0x13C8] =	vst v0  }
0x17c: {  	[tilespmem:$0x13B8] =	vst v0  }
0x17d: {  	[tilespmem:$0x13A8] =	vst v0  }
0x17e: {  	[tilespmem:$0x1398] =	vst v0  }
0x17f: {  	[tilespmem:$0x1388] =	vst v0  }
0x180: {  	[tilespmem:$0x1378] =	vst v0  }
0x181: {  	[tilespmem:$0x1368] =	vst v0  }
0x182: {  	[tilespmem:$0x1358] =	vst v0  }
0x183: {  	[tilespmem:$0x1348] =	vst v0  }
0x184: {  	[tilespmem:$0x1338] =	vst v0  }
0x185: {  	[tilespmem:$0x1328] =	vst v0  }
0x186: {  	[tilespmem:$0x1318] =	vst v0  }
0x187: {  	[tilespmem:$0x1308] =	vst v0  }
0x188: {  	[tilespmem:$0x12F8] =	vst v0  }
0x189: {  	[tilespmem:$0x12E8] =	vst v0  }
0x18a: {  	[tilespmem:$0x12D8] =	vst v0  }
0x18b: {  	[tilespmem:$0x12C8] =	vst v0  }
0x18c: {  	[tilespmem:$0x12B8] =	vst v0  }
0x18d: {  	[tilespmem:$0x12A8] =	vst v0  }
0x18e: {  	[tilespmem:$0x1298] =	vst v0  }
0x18f: {  	[tilespmem:$0x1288] =	vst v0  }
0x190: {  	[tilespmem:$0x1278] =	vst v0  }
0x191: {  	[tilespmem:$0x1268] =	vst v0  }
0x192: {  	[tilespmem:$0x1258] =	vst v0  }
0x193: {  	[tilespmem:$0x1248] =	vst v0  }
0x194: {  	[tilespmem:$0x1238] =	vst v0  }
0x195: {  	[tilespmem:$0x1228] =	vst v0  }
0x196: {  	[tilespmem:$0x1218] =	vst v0  }
0x197: {  	[tilespmem:$0x1208] =	vst v0  }
0x198: {  	[tilespmem:$0x11F8] =	vst v0  }
0x199: {  	[tilespmem:$0x11E8] =	vst v0  }
0x19a: {  	[tilespmem:$0x11D8] =	vst v0  }
0x19b: {  	[tilespmem:$0x11C8] =	vst v0  }
0x19c: {  	[tilespmem:$0x11B8] =	vst v0  }
0x19d: {  	[tilespmem:$0x11A8] =	vst v0  }
0x19e: {  	[tilespmem:$0x1198] =	vst v0  }
0x19f: {  	[tilespmem:$0x1188] =	vst v0  }
0x1a0: {  	[tilespmem:$0x1178] =	vst v0  }
0x1a1: {  	[tilespmem:$0x1168] =	vst v0  }
0x1a2: {  	[tilespmem:$0x1158] =	vst v0  }
0x1a3: {  	[tilespmem:$0x1148] =	vst v0  }
0x1a4: {  	[tilespmem:$0x1138] =	vst v0  }
0x1a5: {  	[tilespmem:$0x1128] =	vst v0  }
0x1a6: {  	[tilespmem:$0x1118] =	vst v0  }
0x1a7: {  	s4 =	stileid.u32;
	[tilespmem:$0x1108] =	vst v0  }
0x1a8: {  	s0 =	smul.u32 $0x17, s4;
	[tilespmem:$0x10F8] =	vst v0  }
0x1a9: {  	s1 =	smin.u32 s4, $0x3;
	[tilespmem:$0x10C8] =	vst v0  }
0x1aa: {  	[tilespmem:$0x10D8] =	vst v0;
	s0 =	sadd.s32 s1, s0  }
0x1ab: {  	p0 =	slt.u32 s4, $0x3;
	[tilespmem:$0x10B8] =	vst v0;
	s1 =	simm.s32 $0x2880;
	s6 =	smul.u32 $0x1B0, s0  }
0x1ac: {  	s1 =	simm.s32 @!p0 $0x26D0;
	[tilespmem:$0x1038] =	vst v0  }
0x1ad: {  	[tilespmem:$0x10A8] =	vst v0;
	s0 =	sadd.s32 s1, s6  }
0x1ae: {  	s3 =	simm.s32 $0x2;
	s8 =	simm.s32 $0x9;
	[tilespmem:$0x1098] =	vst v0;
	s7 =	smin.u32 s0, $0x27100  }
0x1af: {  	s10 =	simm.s32 $0xA;
	s30 =	simm.s32 $0xB;
	[tilespmem:$0x1088] =	vst v0;
	s0 =	ssub.s32 s7, s6  }
0x1b0: {  	s16 =	simm.s32 $0x0;
	p4 =	por $0x0, $0x0;
	[tilespmem:$0x1078] =	vst v0;
	p0 =	sgt.s32 s0, $0x0  }
0x1b1: {  	s17 =	simm.s32 $0xC;
	s21 =	simm.s32 $0x0;
	[tilespmem:$0x1058] =	vst v0;
	s0 =	simm.s32 @!p0 $0x0  }
0x1b2: {  	s18 =	simm.s32 $0x0;
	s2 =	sand.u32 $0x1, s2;
	[tilespmem:$0x1048] =	vst v0;
	s29 =	smulhi.u32 $0x4BDA12F7, s0  }
0x1b3: {  	s20 =	simm.s32 $0x0;
	s31 =	sshll.u32 s4, $0x5;
	[tilespmem:$0x1018] =	vst v0;
	[dreg:$0x5] =	wrdreg s2  }
0x1b4: {  	s2 =	smul.u32 $0x4E20, s2;
	[tilespmem:$0x1008] =	vst v0;
	[sflag:s3] =	ssyncpa.u1 $0x0;
	s1 =	sshrl.u32 s29, $0x7  }
0x1b5: {  	v0 =	vimm.s32 $0xFFFFFFFF;
	s3 =	sadd.s32 $0x1E00, s11;
	[dreg:$0x4] =	wrdreg s31;
	s5 =	smul.u32 $0x1B0, s1  }
.Ltmp0:
0x1b6: {  	[tilespmem:$0x3648] =	vst v0;
	[sflag:s8] =	ssyncpa.u1 $0x0;
	s2 =	sadd.s32 s2, s11;
	(pc) =	sbr.rel .LBB2_1-.Ltmp0, $4  }
0x1b7: {  	[sflag:s10] =	ssyncpa.u1 $0x0;
	s11 =	sadd.s32 $0x18C6C00, s11;
	p0 =	sne.s32 s0, s5  }
0x1b8: {  	[sflag:s30] =	ssyncpa.u1 $0x0;
	s14 =	sadd.s32 $0x18BCE00, s2;
	s12 =	simm.s32 @!p0 $0x0  }
0x1b9: {  	s15 =	sadd.s32 $0x18B3000, s2;
	s19 =	smov.u32 s6;
	s12 =	sadd.s32 s12, s1  }
0x1ba: {  	v0 =	vlaneseq.u32;
	[dreg:$0x6] =	wrdreg s6;
	p0 =	por $0x1, $0x1;
	s4 =	sadd.s32 $0x1, s12  }
.LBB2_18:
0x1bb: {  	s0 =	simm.s32 $0x2  }
0x1bc: {  	_ =	swait.ge [sflag:s0], $0x0  }
0x1bd: {  	[sflag:s0] =	ssyncset.done $0x0;
	s0 =	simm.s32 $0x0  }
.LBB2_19:
0x1be: {  	_ =	swait.ge [sflag:s17], s0  }
0x1bf: {  	s31 =	ssub.s32 $0x0, s0;
	v1 =	vmov s23;
	vm0 =	veq.s32 v0, $0x0;
	[sflag:s17] =	ssyncset.done $0x0  }
0x1c0: {  	vm15 =	veq.s32 v0, $0x2;
	v1 =	vsel vm0, s28, v1;
	[sflag:s17] =	ssyncadd.s32 s31  }
0x1c1: {  	v1 =	vsel vm15, s21, v1;
	[sflag:s17] =	ssyncpa.u1 $0x1  }
0x1c2: {  	[tilespmem:$0x3648] =	vst v1  }
.LBB2_20:
0x1c3: {  	s0 =	sadd.s32 $0x1B0, s19  }
0x1c4: {  	s1 =	smov.u32 s6;
	p1 =	slt.s32 s0, s7  }
0x1c5: {  	s1 =	smov.u32 @p1 s0;
	p1 =	sne.s32 s20, s4  }
.Ltmp1:
0x1c6: {  	_ = 	snop;
	(pc) =	sbr.rel @!p1 .LBB2_21-.Ltmp1, $4  }
0x1c7: {  	_ = 	snop  }
0x1c8: {  	s21 =	smov.u32 s18  }
0x1c9: {  	s31 =	sadd.s32 $0x1, s20;
	s18 =	smov.u32 s19;
	p0 =	por !p0, !p0  }
0x1ca: {  	p4 =	por !p4, !p4;
	s20 =	smov.u32 s31;
	s19 =	smov.u32 s1  }
.LBB2_1:
0x1cb: {  	p2 =	sge.u32 s20, s12  }
0x1cc: {  	s0 =	smulhi.u32 @!p2 $0xAAAAAAAB, s20  }
0x1cd: {  	s1 =	smov.u32 s19;
	p3 =	sgt.s32 @!p2 s19, $0x26F50  }
0x1ce: {  	s2 =	sshra.s32 @!p2 s19, $0x1F;
	p3 =	por !p3, p2;
	s0 =	sshrl.u32 @!p2 s0, $0x1  }
0x1cf: {  	s2 =	sand.u32 @!p2 s2, s19;
	s1 =	simm.s32 @p3 $0x26F50;
	s0 =	smul.u32 @!p2 $0x3, s0  }
0x1d0: {  	s1 =	ssub.s32 @!p2 s1, s2  }
0x1d1: {  	s23 =	sadd.s32 $0xFFFFFFFF, s20;
	s1 =	sadd.s32 @!p2 $0xFFFD90B0, s1;
	s0 =	ssub.s32 @!p2 s20, s0  }
0x1d2: {  	s2 =	sshll.u32 @!p2 s1, $0x2;
	p3 =	sgt.s32 @!p2 s1, $0x1AF;
	s0 =	smul.u32 @!p2 $0x6C0, s0  }
0x1d3: {  	s5 =	sand.u32 @!p2 $0x7, s19;
	s1 =	ssub.s32 @!p2 $0x6C0, s2;
	p3 =	por !p3, p2  }
0x1d4: {  	s2 =	sshrl.u32 @!p2 s19, $0x3;
	s1 =	sshrl.u32 @!p2 s1, $0x2;
	s0 =	sshrl.u32 @!p2 s0, $0x2  }
0x1d5: {  	s2 =	sadd.s32 @!p2 s2, s14;
	s1 =	simm.s32 @!p3 $0x0;
	s0 =	sadd.s32 @!p2 $0x3888, s0  }
0x1d6: {  	[tilespmem:s0], [sflag:$0xA] =	stream.linear.gather @!p2 [hbm4b:s2+s5], s1, $0x38;
	[tilespmem:$0x1F0F8] =	vst v63  }
0x1d7: {  	p2 =	sge.u32 s23, s12  }
0x1d8: {  	p3 =	sgt.s32 @!p2 s18, $0x26F50  }
0x1d9: {  	s0 =	smov.u32 s18;
	s1 =	sshra.s32 @!p2 s18, $0x1F;
	p3 =	por !p3, p2  }
0x1da: {  	s1 =	sand.u32 @!p2 s1, s18;
	s0 =	simm.s32 @p3 $0x26F50  }
0x1db: {  	s0 =	ssub.s32 @!p2 s0, s1  }
0x1dc: {  	s0 =	sadd.s32 @!p2 $0xFFFD90B0, s0  }
0x1dd: {  	s1 =	sshll.u32 @!p2 s0, $0x2  }
0x1de: {  	p3 =	sgt.s32 @!p2 s0, $0x1AF;
	s0 =	ssub.s32 @!p2 $0x6C0, s1  }
0x1df: {  	s22 =	ssub.s32 @!p2 $0x27100, s18;
	p3 =	por !p3, p2;
	s0 =	sshrl.u32 @!p2 s0, $0x2  }
0x1e0: {  	s1 =	sand.u32 @!p2 $0x1, s23;
	s0 =	simm.s32 @!p3 $0x0;
	p3 =	slt.s32 @!p2 s22, $0x1  }
0x1e1: {  	s2 =	simm.s32 @!p2 $0xA;
	s1 =	smul.u32 @!p2 $0x6C0, s1;
	p3 =	por p2, p3  }
.Ltmp2:
0x1e2: {  	_ =	swait.ge @!p2 [sflag:s2], s0;
	(pc) =	sbr.rel @p3 .LBB2_7-.Ltmp2, $4  }
0x1e3: {  	s5 =	ssub.s32 @!p2 $0x0, s0;
	[sflag:s2] =	ssyncset.done @!p2 $0x0  }
0x1e4: {  	s1 =	sshrl.u32 @!p2 s1, $0x2;
	[sflag:s2] =	ssyncadd.s32 @!p2 s5;
	s2 =	sshrl.u32 @!p2 s18, $0x3  }
0x1e5: {  	s1 =	sadd.s32 @!p2 $0x3D98, s1;
	s5 =	sand.u32 @!p2 $0x7, s18;
	s2 =	sadd.s32 @!p2 s2, s15  }
0x1e6: {  	[tilespmem:s1], [sflag:$0xB] =	stream.linear.gather @!p2 [hbm4b:s2+s5], s0, $0x38;
	[tilespmem:$0x1F0F8] =	vst v63  }
0x1e7: {  	s0 =	smulhi.u32 $0xAAAAAAAB, s23;
	_ =	sdelay $0x1  }
0x1e8: {  	s0 =	sshrl.u32 s0, $0x1  }
0x1e9: {  	s0 =	smul.u32 $0x3, s0;
	_ =	sdelay $0x1  }
0x1ea: {  	s0 =	ssub.s32 s23, s0  }
0x1eb: {  	s1 =	simm.s32 $0x1;
	s0 =	smul.u32 $0x6C0, s0  }
.Ltmp3:
0x1ec: {  	s1 =	simm.s32 @!p0 $0x0;
	(pc) =	sbr.rel .LBB2_4-.Ltmp3, $4  }
0x1ed: {  	s1 =	smul.u32 $0x36000, s1  }
0x1ee: {  	p3 =	slt.s32 @!p2 s22, $0x1B0;
	s0 =	sshrl.u32 s0, $0x2  }
0x1ef: {  	p2 =	por !p3, p2;
	s1 =	sshrl.u32 s1, $0x2;
	s0 =	sadd.s32 $0x3888, s0  }
0x1f0: {  	s24 =	simm.s32 $0x0;
	s22 =	simm.s32 @p2 $0x1B0;
	s23 =	sadd.s32 $0x40F8, s1;
	v1 =	vmov s0  }
.LBB2_3:
0x1f1: {  	p2 =	sge.s32 s24, s22  }
.Ltmp4:
0x1f2: {  	_ = 	snop;
	(pc) =	sbr.rel @p2 .LBB2_7-.Ltmp4, $2  }
0x1f3: {  	_ =	sdelay $0x2  }
0x1f4: {  	s23 =	sadd.s32 $0x800, s23  }
.LBB2_4:
0x1f5: {  	p2 =	sle.s32 s22, s24  }
.Ltmp5:
0x1f6: {  	_ = 	snop;
	(pc) =	sbr.rel @p2 .LBB2_3-.Ltmp5, $2  }
0x1f7: {  	_ =	sdelay $0x2  }
0x1f8: {  	s0 =	smov.u32 s24;
	s24 =	sadd.s32 $0x10, s24  }
0x1f9: {  	s1 =	ssub.s32 s22, s0  }
0x1fa: {  	p2 =	slt.s32 s1, $0x10  }
0x1fb: {  	s1 =	simm.s32 @!p2 $0x10  }
0x1fc: {  	v2 =	vmov s1  }
0x1fd: {  	vm0 =	vgt.s32 v2, v0;
	_ =	sdelay $0x5  }
0x1fe: {  	v2 =	vld.idx.msk [tilespmem:v1+s0+$0x0 ss:$0x1], vm0;
	_ =	sdelay $0x2  }
0x1ff: {  	p2 =	slt.s32 s24, s22;
	s1 =	smov.u32 s22  }
0x200: {  	s2 =	smov.u32 s23;
	s25 =	simm.s32 $0x0;
	s1 =	smov.u32 @p2 s24  }
.LBB2_6:
0x201: {  	(v2sf) =	vpush v2, s25;
	_ =	sdelay $0xc  }
0x202: {  	s25 =	sadd.s32 $0x1, s25  }
0x203: {  	s31 =	sadd.s32 s25, s0  }
0x204: {  	p2 =	slt.s32 s31, s1;
	s5 =	spop (v2sf)  }
.Ltmp6:
0x205: {  	s5 =	sshll.u32 s5, $0x4;
	(pc) =	sbr.rel @p2 .LBB2_6-.Ltmp6, $4  }
0x206: {  	s5 =	sand.u32 $0x1FFFFFF0, s5  }
0x207: {  	s5 =	sadd.s32 s11, s5  }
0x208: {  	[tilespmem:s2], [sflag:$0x9] =	stream.linear.gather [hbm4b:s5+s16], $0x3, $0x38;
	[tilespmem:$0x1F0F8] =	vst v63  }
0x209: {  	s2 =	sadd.s32 $0x80, s2  }
.Ltmp7:
0x20a: {  	_ = 	snop;
	(pc) =	sbr.rel .LBB2_3-.Ltmp7, $1  }
0x20b: {  	_ =	sdelay $0x3  }
.LBB2_7:
0x20c: {  	p2 =	slt.u32 s20, $0x2  }
.Ltmp8:
0x20d: {  	_ = 	snop;
	(pc) =	sbr.rel @p2 .LBB2_20-.Ltmp8, $1  }
0x20e: {  	_ =	sdelay $0x3  }
0x20f: {  	s0 =	ssub.s32 $0x27100, s21;
	p2 =	sgt.s32 s21, $0x26F50  }
0x210: {  	s1 =	smov.u32 s21;
	s2 =	sshra.s32 s21, $0x1F;
	p3 =	slt.s32 s0, $0x1B0  }
0x211: {  	s1 =	simm.s32 @!p2 $0x26F50;
	s2 =	sand.u32 s2, s21;
	s0 =	simm.s32 @!p3 $0x1B0  }
0x212: {  	s1 =	ssub.s32 s1, s2;
	s0 =	smul.u32 $0xC, s0  }
0x213: {  	s1 =	sadd.s32 $0xFFFD90B0, s1  }
0x214: {  	s26 =	simm.s32 $0x9;
	s24 =	sshll.u32 s1, $0x2;
	s0 =	sshrl.u32 s0, $0x2  }
0x215: {  	p2 =	sgt.s32 s1, $0x1AF;
	s25 =	ssub.s32 $0x6C0, s24;
	_ =	swait.ge [sflag:s26], s0  }
0x216: {  	s0 =	ssub.s32 $0x0, s0;
	s1 =	sshrl.u32 s25, $0x2;
	[sflag:s26] =	ssyncset.done $0x0  }
0x217: {  	s28 =	simm.s32 $0xB;
	s1 =	simm.s32 @p2 $0x0;
	[sflag:s26] =	ssyncadd.s32 s0  }
0x218: {  	_ =	swait.ge [sflag:s28], s1  }
0x219: {  	s30 =	ssub.s32 $0x0, s1;
	[sflag:s28] =	ssyncset.done $0x0  }
0x21a: {  	[sflag:s28] =	ssyncadd.s32 s30  }
0x21b: {  	v1 =	vld [tilespmem:$0x3648];
	_ =	sdelay $0x4  }
0x21c: {  	(v2sf) =	vpush v1, $0x0  }
0x21d: {  	(v2sf) =	vpush v1, $0x1  }
0x21e: {  	(v2sf) =	vpush v1, $0x2;
	_ =	sdelay $0x3  }
0x21f: {  	s0 =	sadd.s32 $0x1B0, s21  }
0x220: {  	p2 =	slt.s32 s7, s0;
	s1 =	ssub.s32 $0x4E200, s21  }
0x221: {  	s0 =	smov.u32 @p2 s7;
	p2 =	sgt.s32 s1, $0x0  }
0x222: {  	s25 =	ssub.s32 s0, s21;
	s1 =	simm.s32 @!p2 $0x0  }
0x223: {  	p2 =	slt.s32 s1, s25  }
0x224: {  	s25 =	smov.u32 @p2 s1  }
0x225: {  	s24 =	simm.s32 $0x1;
	p2 =	slt.s32 s25, $0x1  }
.Ltmp9:
0x226: {  	s24 =	simm.s32 @!p4 $0x0;
	(pc) =	sbr.rel @p2 .LBB2_12-.Ltmp9, $4  }
0x227: {  	s31 =	smul.u32 $0x6C0, s24  }
0x228: {  	s26 =	spop (v2sf)  }
0x229: {  	s0 =	sshrl.u32 s31, $0x2;
	s29 =	spop (v2sf)  }
0x22a: {  	s22 =	sadd.s32 $0x3D98, s0;
	s21 =	spop (v2sf)  }
0x22b: {  	s0 =	smin.u32 s25, $0x10  }
0x22c: {  	v1 =	vmov s0  }
0x22d: {  	p3 =	sgt.s32 s25, $0x10;
	vm1 =	vgt.u32 v1, v0  }
.Ltmp10:
0x22e: {  	_ = 	snop;
	(pc) =	sbr.rel @!p3 .LBB2_11-.Ltmp10, $2  }
0x22f: {  	_ =	sdelay $0x2  }
0x230: {  	s23 =	simm.s32 $0x10;
	s28 =	sadd.s32 $0xFFFFFFF0, s25;
	s0 =	smov.u32 s22;
	vm0 =	vmmov vm1  }
.LBB2_10:
0x231: {  	s1 =	smin.u32 s28, $0x10;
	s23 =	sadd.s32 $0x10, s23;
	v1 =	vld.msk [tilespmem:s0+$0x0 ss:$0x1], vm1  }
0x232: {  	v2 =	vmov s1;
	p3 =	slt.s32 s23, s25  }
0x233: {  	vm1 =	vgt.u32 v2, v0  }
.Ltmp11:
0x234: {  	(pc) =	sbr.rel @p3 .LBB2_10-.Ltmp11, $3  }
0x235: {  	_ =	sdelay $0x1  }
0x236: {  	v1 =	vshll.u32 v1, $0x4  }
0x237: {  	s28 =	sadd.s32 $0xFFFFFFF0, s28;
	[tilespmem:s0+$0x0] =	vst.msk vm0, v1;
	s0 =	sadd.s32 $0x10, s0;
	vm0 =	vmmov vm1  }
.LBB2_11:
0x238: {  	_ =	sdelay $0x4  }
0x239: {  	v1 =	vld.msk [tilespmem:s0+$0x0 ss:$0x1], vm1;
	_ =	sdelay $0x4  }
0x23a: {  	v1 =	vshll.u32 v1, $0x4  }
0x23b: {  	[tilespmem:s0+$0x0] =	vst.msk vm0, v1  }
.LBB2_12:
0x23c: {  	s0 =	sand.u32 $0x1, s20  }
0x23d: {  	s0 =	smul.u32 $0x1B0, s0  }
0x23e: {  	p3 =	sne.s32 s29, $0xFFFFFFFF  }
0x23f: {  	v1 =	vld.msk @!p3 [tilespmem:s0+$0x3D98], $0x1;
	_ =	sdelay $0x4  }
0x240: {  	(v2sf) =	vpush @!p3 v1, $0x0;
	_ =	sdelay $0xc  }
.Ltmp12:
0x241: {  	_ = 	snop;
	(pc) =	sbr.rel @p2 .LBB2_18-.Ltmp12, $4  }
0x242: {  	_ = 	snop  }
0x243: {  	s28 =	spop @!p3 (v2sf)  }
0x244: {  	s21 =	simm.s32 @!p3 $0x0;
	s23 =	smov.u32 s28  }
0x245: {  	[sflag:s17] =	ssyncpa.u1 $0x0;
	s28 =	smov.u32 @p3 s26;
	s23 =	smov.u32 @p3 s29  }
0x246: {  	v1 =	vld.msk [tilespmem:s22+$0x0], $0x1;
	_ =	sdelay $0x4  }
0x247: {  	(v2sf) =	vpush v1, $0x0;
	_ =	sdelay $0xe  }
0x248: {  	s0 =	simm.s32 @!p4 $0x0;
	s26 =	smul.u32 $0x36000, s24;
	s31 =	spop (v2sf)  }
0x249: {  	s29 =	ssub.s32 $0x0, s25;
	s0 =	simm.s32 @p4 $0x1;
	p2 =	seq.s32 s28, s31  }
0x24a: {  	s1 =	smov.u32 s28;
	[smem:$0x7FD] =	sst s0;
	p3 =	sgt.s32 @!p2 s28, $0x0  }
0x24b: {  	s0 =	sshrl.u32 s26, $0x2;
	s26 =	sadd.s32 $0x1, s29;
	p3 =	por !p3, p2  }
0x24c: {  	s1 =	simm.s32 @p3 $0x0;
	p3 =	seq.s32 s26, $0x0  }
.Ltmp13:
0x24d: {  	_ = 	snop;
	(pc) =	sbr.rel @p3 .LBB2_15-.Ltmp13, $4  }
0x24e: {  	s6 =	smov.u32 s4;
	s25 =	simm.s32 $0x0  }
0x24f: {  	s24 =	sadd.s32 $0x40F8, s0;
	s0 =	simm.s32 @!p2 $0x1;
	s2 =	smin.u32 @!p2 s1, $0x270FF  }
0x250: {  	s30 =	sadd.s32 $0x1, s22;
	s0 =	smov.u32 @p2 s25;
	s5 =	sand.u32 @!p2 $0x3FFF8, s2  }
0x251: {  	s1 =	simm.s32 @!p2 $0x1B38;
	s2 =	sand.u32 @!p2 $0x7, s2;
	s5 =	sadd.s32 @!p2 s3, s5  }
.LBB2_14:
0x252: {  	s4 =	smov.u32 s0  }
0x253: {  	[tilespmem:s1], [sflag:$0x2] =	stream.linear.gather @!p2 [hbm4b:s5+s2], $0x3, $0x38;
	[tilespmem:$0x1F0F8] =	vst v63  }
0x254: {  	s26 =	sadd.s32 $0x1, s26;
	s2 =	smov.u32 s31;
	v1 =	vld.msk [tilespmem:s30+$0x0], $0x1  }
0x255: {  	p3 =	seq.s32 s26, $0x0;
	_ =	sdelay $0x3  }
0x256: {  	(v2sf) =	vpush v1, $0x0;
	_ =	sdelay $0xe  }
0x257: {  	s31 =	spop (v2sf)  }
0x258: {  	p2 =	seq.s32 s2, s31  }
0x259: {  	p4 =	sgt.s32 @!p2 s2, $0x0;
	s1 =	sshll.u32 @!p2 s0, $0x6;
	s0 =	sadd.s32 @!p2 $0x1, s0  }
.Ltmp14:
0x25a: {  	p4 =	por !p4, p2;
	s1 =	sshra.s32 @!p2 s1, $0x2;
	(pc) =	sbr.rel @!p3 .LBB2_14-.Ltmp14, $4  }
0x25b: {  	s0 =	smov.u32 @p2 s4;
	s2 =	simm.s32 @p4 $0x0;
	s1 =	sadd.s32 @!p2 $0x1B38, s1  }
0x25c: {  	s2 =	smin.u32 @!p2 s2, $0x270FF  }
0x25d: {  	s4 =	sand.u32 @!p2 $0x3FFF8, s2;
	s2 =	sand.u32 @!p2 $0x7, s2  }
0x25e: {  	s30 =	sadd.s32 $0x1, s30;
	s5 =	sadd.s32 @!p2 s3, s4  }
.LBB2_15:
0x25f: {  	s0 =	smul.u32 $0xC, s0  }
0x260: {  	[tilespmem:s1], [sflag:$0x2] =	stream.linear.gather @!p2 [hbm4b:s5+s2], $0x3, $0x38;
	[tilespmem:$0x1F0F8] =	vst v63  }
0x261: {  	s31 =	simm.s32 $0x2;
	s0 =	sshrl.u32 s0, $0x2  }
0x262: {  	_ =	swait.ge [sflag:s31], s0  }
0x263: {  	s0 =	ssub.s32 $0x0, s0;
	[sflag:s31] =	ssyncset.done $0x0  }
0x264: {  	[sflag:s31] =	ssyncadd.s32 s0  }
0x265: {  	v1 =	vld.msk [tilespmem:s22+$0x0], $0x1;
	_ =	sdelay $0x4  }
0x266: {  	(v2sf) =	vpush v1, $0x0;
	_ =	sdelay $0xe  }
0x267: {  	s26 =	spop (v2sf)  }
0x268: {  	p2 =	sne.s32 s28, s26  }
0x269: {  	p4 =	sne.s32 @p2 s28, s23  }
0x26a: {  	p3 =	por !p4, !p2  }
0x26b: {  	s0 =	simm.s32 @!p3 $0x0  }
0x26c: {  	v1 =	vld.msk @!p3 [tilespmem:s0+$0x1B38], $0x7  }
0x26d: {  	p5 =	sgt.u32 @!p3 s28, $0x270FF  }
0x26e: {  	s1 =	sshll.u32 @!p3 s21, $0x6;
	p6 =	por @p2 p5, !p4  }
0x26f: {  	s1 =	sshra.s32 @!p3 s1, $0x2;
	p1 =	por p6, !p2;
	p6 =	por p4, !p2  }
0x270: {  	s2 =	sadd.s32 @!p3 $0x28, s1;
	s4 =	sand.u32 @!p1 $0x3FFF8, s28;
	s5 =	sshll.u32 @!p6 s21, $0x6  }
0x271: {  	s28 =	sand.u32 @!p1 $0x7, s28;
	[tilespmem:s1+$0x28] =	vst.add.f32.msk @!p3 $0x7, v1;
	s1 =	sadd.s32 @!p1 s3, s4;
	s4 =	sshra.s32 @!p6 s5, $0x2  }
0x272: {  	[hbm4b:s1+s28] =	stream.linear.scatter @!p1 [tilespmem:s2], [sflag:$0xC], $0x3, $0x38;
	[tilespmem:$0x1F0F8] =	vst v63  }
0x273: {  	s0 =	rddreg [dreg:$0x4];
	s1 =	sadd.s32 @!p6 $0x28, s4;
	s2 =	simm.s32 @!p6 $0x1  }
0x274: {  	[spmem:s0] =	stream.linear.scatter @!p6 [tilespmem:s1], [sflag:$0x1], $0x3, $0x38;
	[tilespmem:$0x1F0F8] =	vst v63  }
0x275: {  	s0 =	sadd.s32 @p2 $0x1, s21;
	_ =	swait.ge @!p6 [sflag:s2], $0x3  }
0x276: {  	s1 =	sshrl.u32 @p2 s0, $0x4;
	[sflag:s2] =	ssyncset.done @!p6 $0x0  }
0x277: {  	s1 =	smulhi.u32 @p2 $0x97B425F, s1;
	[sflag:s2] =	ssyncadd.s32 @!p6 $0xFFFFFFFD  }
0x278: {  	s28 =	sadd.s32 $0x1, s29;
	v1 =	vld.msk @p2 [tilespmem:s24+$0x0], $0x7  }
0x279: {  	p1 =	por @p2 !p5, !p4;
	p4 =	seq.s32 s28, $0x0;
	s1 =	smul.u32 @p2 $0x1B0, s1  }
.Ltmp15:
0x27a: {  	p1 =	por !p1, !p2;
	s2 =	simm.s32 @!p3 $0x0;
	(pc) =	sbr.rel @p4 .LBB2_17-.Ltmp15, $4  }
0x27b: {  	s4 =	sshll.u32 @!p2 s21, $0x6;
	s2 =	simm.s32 @!p1 $0xC;
	s0 =	ssub.s32 @p2 s0, s1  }
0x27c: {  	s29 =	simm.s32 $0x0;
	s2 =	sadd.s32 @!p3 $0x0, s2;
	s5 =	sshll.u32 @p2 s0, $0x4  }
0x27d: {  	s30 =	sshra.s32 @!p2 s4, $0x2;
	s1 =	simm.s32 @p2 $0x1;
	s2 =	smov.u32 @p3 s25;
	[tilespmem:s5+$0x28] =	vst.msk @p2 $0x7, v1  }
0x27e: {  	s21 =	smov.u32 @p2 s0;
	s29 =	smov.u32 @p2 s2;
	s25 =	smov.u32 @p2 s1;
	v1 =	vld.msk @!p2 [tilespmem:s24+$0x0], $0x7  }
.LBB2_16:
0x27f: {  	_ =	sdelay $0x3  }
0x280: {  	s22 =	sadd.s32 $0x1, s22;
	[tilespmem:s30+$0x28] =	vst.add.f32.msk @!p2 $0x7, v1  }
0x281: {  	v1 =	vld.msk [tilespmem:s22+$0x0], $0x1;
	_ =	sdelay $0x4  }
0x282: {  	(v2sf) =	vpush v1, $0x0;
	_ =	sdelay $0xe  }
0x283: {  	s0 =	smov.u32 s26;
	s26 =	spop (v2sf)  }
0x284: {  	p2 =	sne.s32 s0, s26  }
0x285: {  	p5 =	sne.s32 @p2 s0, s23  }
0x286: {  	s4 =	sshll.u32 @!p2 s21, $0x6;
	p4 =	por !p5, !p2  }
0x287: {  	s30 =	sshra.s32 @!p2 s4, $0x2;
	s4 =	sshll.u32 @!p4 s25, $0x6  }
0x288: {  	s4 =	sshra.s32 @!p4 s4, $0x2  }
0x289: {  	p1 =	sgt.u32 @!p4 s0, $0x270FF;
	v1 =	vld.msk @!p4 [tilespmem:s4+$0x1B38], $0x7  }
0x28a: {  	s31 =	sshll.u32 @!p4 s21, $0x6;
	p6 =	por @p2 p1, !p5;
	p1 =	por @p2 !p1, !p5  }
0x28b: {  	s8 =	simm.s32 @!p4 $0x0;
	s31 =	sshra.s32 @!p4 s31, $0x2;
	p1 =	por !p1, !p2  }
0x28c: {  	p5 =	por p5, !p2;
	s8 =	simm.s32 @!p1 $0xC;
	p1 =	por p6, !p2  }
0x28d: {  	s4 =	sadd.s32 @!p4 $0x28, s31;
	s13 =	sshll.u32 @!p5 s21, $0x6;
	s10 =	sand.u32 @!p1 $0x3FFF8, s0  }
0x28e: {  	s13 =	sshra.s32 @!p5 s13, $0x2;
	s0 =	sand.u32 @!p1 $0x7, s0;
	s10 =	sadd.s32 @!p1 s3, s10;
	[tilespmem:s31+$0x28] =	vst.add.f32.msk @!p4 $0x7, v1  }
0x28f: {  	[hbm4b:s10+s0] =	stream.linear.scatter @!p1 [tilespmem:s4], [sflag:$0xC], $0x3, $0x38;
	[tilespmem:$0x1F0F8] =	vst v63  }
0x290: {  	s1 =	rddreg [dreg:$0x4];
	s0 =	sadd.s32 @!p5 $0x28, s13;
	s4 =	simm.s32 @!p5 $0x1  }
0x291: {  	[spmem:s1] =	stream.linear.scatter @!p5 [tilespmem:s0], [sflag:$0x1], $0x3, $0x38;
	[tilespmem:$0x1F0F8] =	vst v63  }
0x292: {  	s2 =	sadd.s32 @p2 $0x1, s21;
	_ =	swait.ge @!p5 [sflag:s4], $0x3  }
0x293: {  	s5 =	sshrl.u32 @p2 s2, $0x4;
	[sflag:s4] =	ssyncset.done @!p5 $0x0  }
0x294: {  	s24 =	sadd.s32 $0x80, s24;
	s5 =	smulhi.u32 @p2 $0x97B425F, s5;
	[sflag:s4] =	ssyncadd.s32 @!p5 $0xFFFFFFFD  }
0x295: {  	s28 =	sadd.s32 $0x1, s28;
	v1 =	vld.msk @p2 [tilespmem:s24+$0x0], $0x7  }
0x296: {  	p3 =	seq.s32 s28, $0x0;
	s5 =	smul.u32 @p2 $0x1B0, s5  }
.Ltmp16:
0x297: {  	_ = 	snop;
	(pc) =	sbr.rel @!p3 .LBB2_16-.Ltmp16, $4  }
0x298: {  	s2 =	ssub.s32 @p2 s2, s5  }
0x299: {  	s8 =	sadd.s32 @!p4 s8, s29;
	s5 =	sshll.u32 @p2 s2, $0x4  }
0x29a: {  	s9 =	sadd.s32 @p2 $0x1, s25;
	s8 =	smov.u32 @p4 s29;
	[tilespmem:s5+$0x28] =	vst.msk @p2 $0x7, v1  }
0x29b: {  	s25 =	smov.u32 @p2 s9;
	s21 =	smov.u32 @p2 s2;
	s29 =	smov.u32 @p2 s8;
	v1 =	vld.msk @!p2 [tilespmem:s24+$0x0], $0x7  }
.LBB2_17:
.Ltmp17:
0x29c: {  	_ = 	snop;
	(pc) =	sbr.rel .LBB2_19-.Ltmp17, $3  }
0x29d: {  	s1 =	sld [smem:$0x7FD];
	_ =	sdelay $0x1  }
0x29e: {  	s0 =	sshrl.u32 s29, $0x2;
	s28 =	smov.u32 s26  }
0x29f: {  	s4 =	smov.u32 s6;
	s6 =	rddreg [dreg:$0x6];
	p4 =	seq.s32 s1, $0x1;
	[tilespmem:s30+$0x28] =	vst.add.f32.msk @!p2 $0x7, v1  }
.LBB2_21:
0x2a0: {  	_ =	sfence.sel $0x180000  }
0x2a1: {  	s0 =	simm.s32 $0x9;
	[bflag:$0x0] =	sbarrier.arrive $0xFFFF  }
0x2a2: {  	s24 =	simm.s32 $0xA;
	[sflag:s0] =	ssyncpa.u1 $0x1  }
0x2a3: {  	s25 =	simm.s32 $0xB;
	[sflag:s24] =	ssyncpa.u1 $0x1  }
0x2a4: {  	s26 =	simm.s32 $0x2;
	[sflag:s25] =	ssyncpa.u1 $0x1  }
0x2a5: {  	[sflag:s26] =	ssyncpa.u1 $0x1  }
0x2a6: {  	v0 =	vld [tilespmem:$0x3648];
	_ =	sdelay $0x4  }
0x2a7: {  	(v2sf) =	vpush v0, $0x0  }
0x2a8: {  	(v2sf) =	vpush v0, $0x1;
	_ =	sdelay $0x1  }
0x2a9: {  	(v2sf) =	vpush v0, $0x2;
	_ =	sdelay $0xb  }
0x2aa: {  	s0 =	spop (v2sf)  }
0x2ab: {  	s1 =	spop (v2sf)  }
0x2ac: {  	s2 =	smov.u32 s0;
	p0 =	sne.s32 s0, s1  }
0x2ad: {  	s4 =	spop (v2sf);
	s2 =	simm.s32 @!p0 $0xFFFFFFFF  }
0x2ae: {  	v2 =	vimm.s32 $0x1;
	v3 =	vlaneseq.u32;
	p0 =	seq.s32 s4, $0xFFFFFFFF;
	v1 =	vmov s2  }
0x2af: {  	s16 =	stileid.u32;
	v0 =	vperm.xlane v0, v2;
	p1 =	sne.s32 @!p0 s0, s1;
	v1 =	vperm.xlane v1, v3  }
0x2b0: {  	vm0 =	vcmask $0x3F04;
	s6 =	simm.s32 $0x3648;
	s0 =	simm.s32 @!p0 $0x1;
	p1 =	por !p1, p0  }
0x2b1: {  	s2 =	sshll.u32 s16, $0x1;
	s1 =	sshll.u32 @!p0 s4, $0x6;
	s0 =	simm.s32 @p1 $0x0;
	v0 =	vsel vm0, v1, v0  }
0x2b2: {  	s5 =	sor.u32 $0x200, s2;
	s1 =	sshra.s32 @!p0 s1, $0x2;
	s0 =	sor.u32 @!p0 s0, s2;
	[tilespmem:$0x3648] =	vst v0  }
0x2b3: {  	[spmem:s5] =	stream.linear.scatter [tilespmem:s6], [sflag:$0x1], $0x2, $0x38;
	[tilespmem:$0x1F0F8] =	vst v63  }
0x2b4: {  	s1 =	sadd.s32 @!p0 $0x28, s1;
	s0 =	sshll.u32 @!p0 s0, $0x4  }
0x2b5: {  	[spmem:s0] =	stream.linear.scatter @!p0 [tilespmem:s1], [sflag:$0x1], $0x10, $0x38;
	[tilespmem:$0x1F0F8] =	vst v63  }
0x2b6: {  	s0 =	simm.s32 @!p0 $0x12  }
0x2b7: {  	s28 =	simm.s32 $0x1;
	s0 =	simm.s32 @p0 $0x2  }
0x2b8: {  	_ =	swait.ge [sflag:s28], s0  }
0x2b9: {  	s0 =	ssub.s32 $0x0, s0;
	[sflag:s28] =	ssyncset.done $0x0  }
0x2ba: {  	p0 =	sne.s32 s16, $0x0;
	[sflag:s28] =	ssyncadd.s32 s0  }
.Ltmp18:
0x2bb: {  	_ =	sfence.stream.spmem;
	(pc) =	sbr.rel @p0 .LBB2_38-.Ltmp18, $4  }
0x2bc: {  	s29 =	simm.s32 $0x3;
	[bflag:$0x0] =	sbarrier.arrive $0xFFFF  }
0x2bd: {  	s30 =	simm.s32 $0x4;
	[sflag:s29] =	ssyncpa.u1 $0x1  }
0x2be: {  	s31 =	simm.s32 $0x3C;
	[sflag:s30] =	ssyncpa.u1 $0x1  }
0x2bf: {  	s17 =	rddreg [dreg:$0x5];
	[sflag:s31] =	ssyncpa.u1 $0x1  }
0x2c0: {  	_ =	sfence.stream.spmem;
	s0 =	simm.s32 $0x5  }
0x2c1: {  	s1 =	simm.s32 $0x200;
	s2 =	simm.s32 $0x3658;
	[sflag:s0] =	ssyncpa.u1 $0x0  }
0x2c2: {  	[tilespmem:s2], [sflag:$0x5] =	stream.linear.gather [spmem:s1], $0x20, $0x38;
	[tilespmem:$0x1F0F8] =	vst v63  }
0x2c3: {  	s26 =	simm.s32 $0x0;
	s28 =	simm.s32 $0x3678  }
0x2c4: {  	[tilespmem:s28], [sflag:$0x5] =	stream.linear.gather [spmem:s26], $0x200, $0x38;
	[tilespmem:$0x1F0F8] =	vst v63  }
0x2c5: {  	_ =	swait.ge [sflag:s0], $0x220  }
0x2c6: {  	[sflag:s0] =	ssyncset.done $0x0  }
0x2c7: {  	s29 =	simm.s32 $0x0;
	[sflag:s0] =	ssyncadd.s32 $0xFFFFFDE0  }
0x2c8: {  	v0 =	vld.msk [tilespmem:s29+$0x3658], $0x1;
	_ =	sdelay $0x1  }
0x2c9: {  	s30 =	simm.s32 $0x1  }
0x2ca: {  	v1 =	vld.msk [tilespmem:s30+$0x3658], $0x1;
	_ =	sdelay $0x1  }
0x2cb: {  	(v2sf) =	vpush v0, $0x0;
	_ =	sdelay $0x2  }
0x2cc: {  	(v2sf) =	vpush v1, $0x0;
	_ =	sdelay $0x2  }
0x2cd: {  	s31 =	simm.s32 $0x2  }
0x2ce: {  	v0 =	vld.msk [tilespmem:s31+$0x3658], $0x1;
	_ =	sdelay $0x2  }
0x2cf: {  	s6 =	simm.s32 $0xFFFFFFFF;
	s1 =	simm.s32 $0xFFFFFFFF;
	s0 =	simm.s32 $0xC  }
.LBB2_23:
0x2d0: {  	s2 =	smov.u32 s6;
	s4 =	smov.u32 s1  }
0x2d1: {  	s1 =	sshra.s32 s0, $0x2;
	p1 =	sne.s32 s0, $0x7C;
	s0 =	sadd.s32 $0x4, s0;
	(v2sf) =	vpush v0, $0x0  }
0x2d2: {  	v0 =	vld.msk [tilespmem:s1+$0x3658], $0x1  }
.Ltmp19:
0x2d3: {  	(pc) =	sbr.rel @p1 .LBB2_23-.Ltmp19, $4  }
0x2d4: {  	s6 =	spop (v2sf)  }
0x2d5: {  	p2 =	sne.s32 s4, $0xFFFFFFFF;
	s1 =	smov.u32 s6  }
0x2d6: {  	p3 =	seq.s32 s6, $0xFFFFFFFF;
	s1 =	smov.u32 @p2 s4  }
0x2d7: {  	s6 =	smov.u32 @p3 s2;
	s1 =	smov.u32 @p3 s4  }
0x2d8: {  	(v2sf) =	vpush v0, $0x0;
	_ =	sdelay $0x8  }
0x2d9: {  	s0 =	spop (v2sf)  }
0x2da: {  	p1 =	sne.s32 s1, $0xFFFFFFFF;
	s2 =	smov.u32 s0  }
0x2db: {  	s9 =	simm.s32 $0x6;
	p2 =	seq.s32 s0, $0xFFFFFFFF;
	s2 =	smov.u32 @p1 s1  }
0x2dc: {  	s10 =	simm.s32 $0x3638;
	s2 =	smov.u32 @p2 s1;
	s1 =	spop (v2sf)  }
0x2dd: {  	s0 =	smov.u32 @p2 s6;
	p1 =	sne.s32 s2, $0xFFFFFFFF;
	s4 =	smov.u32 s1  }
.Ltmp20:
0x2de: {  	p2 =	seq.s32 s1, $0xFFFFFFFF;
	s4 =	smov.u32 @p1 s2;
	(pc) =	sbr.rel .LBB2_25-.Ltmp20, $4  }
0x2df: {  	s11 =	simm.s32 $0x0;
	s4 =	smov.u32 @p2 s2;
	s7 =	spop (v2sf)  }
0x2e0: {  	[sflag:s9] =	ssyncpa.u1 $0x0;
	p1 =	sne.s32 s4, $0xFFFFFFFF;
	s8 =	smov.u32 s7  }
0x2e1: {  	s1 =	smov.u32 @p2 s0;
	p2 =	seq.s32 s7, $0xFFFFFFFF;
	s8 =	smov.u32 @p1 s4  }
0x2e2: {  	s6 =	simm.s32 $0x0;
	s7 =	smov.u32 @p2 s1;
	s8 =	smov.u32 @p2 s4  }
.LBB2_30:
0x2e3: {  	p1 =	sgt.u32 s12, $0x270FF  }
0x2e4: {  	p2 =	seq.s32 @!p1 s12, s8  }
0x2e5: {  	p1 =	por p1, p2  }
0x2e6: {  	p2 =	sne.s32 @!p1 s12, s7  }
0x2e7: {  	p1 =	por p1, !p2  }
0x2e8: {  	s0 =	sshll.u32 @p1 s11, $0x6  }
0x2e9: {  	s0 =	sand.u32 @!p1 $0x3FFF8, s12  }
0x2ea: {  	s1 =	sand.u32 @!p1 $0x7, s12;
	s0 =	sadd.s32 @!p1 s3, s0  }
0x2eb: {  	[tilespmem:s10], [sflag:$0x6] =	stream.linear.gather @!p1 [hbm4b:s0+s1], $0x3, $0x38;
	[tilespmem:$0x1F0F8] =	vst v63  }
0x2ec: {  	_ =	swait.ge @!p1 [sflag:s9], $0x3  }
0x2ed: {  	[sflag:s9] =	ssyncset.done @!p1 $0x0  }
0x2ee: {  	[sflag:s9] =	ssyncadd.s32 @!p1 $0xFFFFFFFD  }
0x2ef: {  	v1 =	vld @!p1 [tilespmem:$0x3638];
	_ =	sdelay $0x2  }
0x2f0: {  	s0 =	sshll.u32 @!p1 s11, $0x6  }
0x2f1: {  	s1 =	sshrl.u32 @!p1 s0, $0x2  }
0x2f2: {  	[tilespmem:s1+$0x3678] =	vst.add.f32.msk @!p1 $0xffff, v1  }
0x2f3: {  	s0 =	sshrl.u32 s0, $0x2;
	[tilespmem:s6+$0x3658] =	vst.msk $0x1, v0  }
0x2f4: {  	v0 =	vld [tilespmem:s0+$0x3678];
	_ =	sdelay $0x2  }
0x2f5: {  	s31 =	sshll.u32 s6, $0x6  }
0x2f6: {  	s0 =	sshra.s32 s31, $0x2  }
0x2f7: {  	s6 =	sadd.s32 $0x1, s6;
	[tilespmem:s0+$0x3678] =	vst v0  }
.LBB2_32:
0x2f8: {  	s11 =	sadd.s32 $0x1, s11  }
0x2f9: {  	p1 =	sne.s32 s11, $0x20  }
.Ltmp21:
0x2fa: {  	_ = 	snop;
	(pc) =	sbr.rel @!p1 .LBB2_33-.Ltmp21, $1  }
0x2fb: {  	_ =	sdelay $0x3  }
.LBB2_25:
0x2fc: {  	v0 =	vld.msk [tilespmem:s11+$0x3658], $0x1;
	_ =	sdelay $0x4  }
0x2fd: {  	(v2sf) =	vpush v0, $0x0;
	_ =	sdelay $0xe  }
0x2fe: {  	s12 =	spop (v2sf)  }
0x2ff: {  	p1 =	seq.s32 s12, $0xFFFFFFFF  }
.Ltmp22:
0x300: {  	_ = 	snop;
	(pc) =	sbr.rel @p1 .LBB2_32-.Ltmp22, $1  }
0x301: {  	_ =	sdelay $0x3  }
0x302: {  	p1 =	slt.s32 s6, $0x1  }
.Ltmp23:
0x303: {  	_ = 	snop;
	(pc) =	sbr.rel @p1 .LBB2_30-.Ltmp23, $1  }
0x304: {  	_ =	sdelay $0x3  }
0x305: {  	s13 =	simm.s32 $0x3658;
	p1 =	por $0x0, $0x0  }
0x306: {  	v1 =	vld.msk @!p1 [tilespmem:s13+$0x0], $0x1;
	_ =	sdelay $0x4  }
0x307: {  	(v2sf) =	vpush @!p1 v1, $0x0;
	_ =	sdelay $0xd  }
0x308: {  	p3 =	sne.s32 s6, $0x1  }
.Ltmp24:
0x309: {  	s0 =	spop @!p1 (v2sf);
	(pc) =	sbr.rel @!p3 .LBB2_29-.Ltmp24, $4  }
0x30a: {  	p2 =	seq.s32 @!p1 s12, s0  }
0x30b: {  	s14 =	simm.s32 $0x0;
	p2 =	por !p2, p1  }
0x30c: {  	s0 =	simm.s32 $0xFFFFFFFF;
	s14 =	simm.s32 @p2 $0xFFFFFFFF  }
0x30d: {  	s15 =	simm.s32 $0x1;
	s14 =	smov.u32 @p1 s0  }
.LBB2_28:
0x30e: {  	s0 =	smov.u32 s14;
	p1 =	sne.s32 s14, $0xFFFFFFFF  }
0x30f: {  	s13 =	sadd.s32 $0x1, s13;
	s14 =	smov.u32 s15;
	s15 =	sadd.s32 $0x1, s15  }
0x310: {  	p2 =	sne.s32 s6, s15;
	v1 =	vld.msk @!p1 [tilespmem:s13+$0x0], $0x1;
	_ =	sdelay $0x4  }
0x311: {  	(v2sf) =	vpush @!p1 v1, $0x0;
	_ =	sdelay $0xe  }
.Ltmp25:
0x312: {  	s1 =	spop @!p1 (v2sf);
	(pc) =	sbr.rel @p2 .LBB2_28-.Ltmp25, $4  }
0x313: {  	p3 =	seq.s32 @!p1 s12, s1  }
0x314: {  	p3 =	por !p3, p1  }
0x315: {  	s14 =	simm.s32 @p3 $0xFFFFFFFF  }
0x316: {  	s14 =	smov.u32 @p1 s0  }
.LBB2_29:
0x317: {  	p1 =	sne.s32 s14, $0xFFFFFFFF  }
.Ltmp26:
0x318: {  	_ = 	snop;
	(pc) =	sbr.rel @!p1 .LBB2_30-.Ltmp26, $1  }
0x319: {  	_ =	sdelay $0x3  }
0x31a: {  	s0 =	sshll.u32 s11, $0x4  }
0x31b: {  	s0 =	sand.u32 $0x3FFFFFF0, s0  }
0x31c: {  	v0 =	vld [tilespmem:s0+$0x3678]  }
.Ltmp27:
0x31d: {  	_ = 	snop;
	(pc) =	sbr.rel .LBB2_32-.Ltmp27, $4  }
0x31e: {  	_ = 	snop  }
0x31f: {  	s31 =	sshll.u32 s14, $0x6  }
0x320: {  	s0 =	sshra.s32 s31, $0x2  }
0x321: {  	[tilespmem:s0+$0x3678] =	vst.add.f32.msk $0xffff, v0  }
.LBB2_33:
0x322: {  	s0 =	simm.s32 $0x6;
	p1 =	seq.s32 s6, $0x0  }
0x323: {  	[sflag:s0] =	ssyncpa.u1 $0x1;
	v0 =	vimm.s32 @p1 $0xFFFFFFFF  }
0x324: {  	s9 =	sadd.s32 $0xFFFFFFFF, s6;
	[tilespmem:$0x3878] =	vst @p1 v0  }
0x325: {  	v0 =	vld.msk @!p1 [tilespmem:s9+$0x3658], $0x1;
	_ =	sdelay $0x1  }
0x326: {  	v1 =	vld.msk @!p1 [tilespmem:$0x3658], $0x1;
	_ =	sdelay $0x2  }
0x327: {  	p2 =	seq.s32 @!p1 s9, $0x0;
	v0 =	vbroadcast @!p1 v0, $0x0  }
0x328: {  	vm0 =	vmmov @!p1 $0x1;
	p2 =	por !p2, p1  }
0x329: {  	v1 =	vnsel @!p1 vm0, $0xFFFFFFFF, v1;
	vm0 =	vcmask @!p1 $0x308;
	v0 =	vpsel !p2, $0xFFFFFFFF, v0  }
0x32a: {  	p2 =	sne.s32 @!p1 s8, s7;
	v0 =	vsel @!p1 vm0, v1, v0  }
0x32b: {  	s0 =	simm.s32 @!p1 $0x3678;
	s1 =	simm.s32 @!p1 $0x0;
	p3 =	por !p2, p1;
	[tilespmem:$0x3878] =	vst @!p1 v0  }
0x32c: {  	[spmem:s1] =	stream.linear.scatter @!p1 [tilespmem:s0], [sflag:$0x1], $0x10, $0x38;
	[tilespmem:$0x1F0F8] =	vst v63  }
0x32d: {  	s0 =	sshll.u32 @!p3 s9, $0x6  }
0x32e: {  	s0 =	sshra.s32 @!p3 s0, $0x2  }
0x32f: {  	s1 =	simm.s32 @!p3 $0x10;
	s0 =	sadd.s32 @!p3 $0x3678, s0  }
0x330: {  	[spmem:s1] =	stream.linear.scatter @!p3 [tilespmem:s0], [sflag:$0x1], $0x10, $0x38;
	[tilespmem:$0x1F0F8] =	vst v63  }
0x331: {  	s0 =	simm.s32 @!p3 $0x1  }
0x332: {  	_ =	swait.ge @!p3 [sflag:s0], $0x20  }
0x333: {  	p1 =	por p2, p1;
	[sflag:s0] =	ssyncset.done @!p3 $0x0  }
0x334: {  	[sflag:s0] =	ssyncadd.s32 @!p3 $0xFFFFFFE0;
	s0 =	simm.s32 @!p1 $0x1  }
0x335: {  	_ =	swait.ge @!p1 [sflag:s0], $0x10  }
0x336: {  	s29 =	simm.s32 $0x3878;
	[sflag:s0] =	ssyncset.done @!p1 $0x0  }
0x337: {  	s30 =	simm.s32 $0x200;
	s31 =	simm.s32 $0x1;
	[sflag:s0] =	ssyncadd.s32 @!p1 $0xFFFFFFF0  }
0x338: {  	[spmem:s30] =	stream.linear.scatter [tilespmem:s29], [sflag:$0x1], $0x10, $0x38;
	[tilespmem:$0x1F0F8] =	vst v63  }
0x339: {  	_ =	swait.ge [sflag:s31], $0x10  }
0x33a: {  	[sflag:s31] =	ssyncset.done $0x0  }
0x33b: {  	p1 =	seq.s32 s17, $0x0;
	s8 =	rddreg [dreg:$0x1];
	[sflag:s31] =	ssyncadd.s32 $0xFFFFFFF0  }
0x33c: {  	s1 =	sshll.u32 @p1 s8, $0xE;
	s7 =	rddreg [dreg:$0x2]  }
0x33d: {  	s0 =	sadd.s32 @p1 $0x15C3C, s1;
	s1 =	sshll.u32 @p1 s7, $0x11  }
0x33e: {  	_ =	sfence.stream.spmem;
	s0 =	sor.u32 @p1 s1, s0  }
0x33f: {  	[sflag:s0] =	ssyncadd.remote.s32 @p1 $0x1;
	s0 =	simm.s32 @p1 $0x4  }
0x340: {  	s2 =	simm.s32 @!p1 $0x3C;
	s1 =	sand.u32 $0xFFFFFFFE, s8;
	_ =	swait.ge @p1 [sflag:s0], $0x6  }
0x341: {  	s4 =	simm.s32 @!p1 $0x0;
	s1 =	sadd.s32 @!p1 $0x4, s1;
	[sflag:s0] =	ssyncset.done @p1 $0x0  }
0x342: {  	s5 =	simm.s32 @!p1 $0x20;
	[sflag:s0] =	ssyncadd.s32 @p1 $0xFFFFFFFA;
	s0 =	sshll.u32 @!p1 s1, $0x1A  }
0x343: {  	s1 =	sshll.u32 @!p1 s1, $0xD;
	s0 =	sor.u32 @!p1 s0, s7;
	_ =	swait.eq @!p1 [sflag:s2], $0x1  }
0x344: {  	s1 =	sor.u32 @!p1 $0x1C04, s1;
	s2 =	simm.s32 @!p1 $0x1C03;
	s0 =	sor.u32 @!p1 $0x80004000, s0  }
0x345: {  	[spmem:s5], [sflag:s1] =	dma.general @!p1 [spmem:s4], [sflag:s2], length:$0x4, [dreg:$0x0], stride_count:$0x0, ici_dest:s0, dma_misc:DstOpCode:WRITE  }
0x346: {  	p2 =	slt.s32 s9, $0x2;
	s4 =	simm.s32 @!p1 $0x40;
	s5 =	simm.s32 @!p1 $0x42  }
0x347: {  	[spmem:s5], [sflag:s1] =	dma.general @!p1 [spmem:s4], [sflag:s2], length:$0x2, [dreg:$0x0], stride_count:$0x0, ici_dest:s0, dma_misc:DstOpCode:WRITE  }
.Ltmp28:
0x348: {  	s0 =	simm.s32 @!p1 $0x3;
	(pc) =	sbr.rel @p2 .LBB2_37-.Ltmp28, $4  }
0x349: {  	s1 =	sshll.u32 @!p1 s8, $0xE;
	_ =	swait.ge @!p1 [sflag:s0], $0x6  }
0x34a: {  	s2 =	sshll.u32 @!p1 s7, $0x11;
	s1 =	sadd.s32 @!p1 $0x11C3C, s1;
	[sflag:s0] =	ssyncset.done @!p1 $0x0  }
0x34b: {  	[sflag:s0] =	ssyncadd.s32 @!p1 $0xFFFFFFFA;
	s0 =	sor.u32 @!p1 s2, s1  }
0x34c: {  	[sflag:s0] =	ssyncadd.remote.s32 @!p1 $0xFFFFFFFF;
	s0 =	simm.s32 $0x0  }
0x34d: {  	s0 =	simm.s32 $0x3659  }
0x34e: {  	v0 =	vld.msk [tilespmem:s0+$0x0], $0x1;
	_ =	sdelay $0x4  }
0x34f: {  	(v2sf) =	vpush v0, $0x0;
	_ =	sdelay $0xd  }
0x350: {  	s2 =	sadd.s32 $0xFFFFFFFE, s6  }
0x351: {  	s2 =	sadd.s32 $0xFFFFFFFF, s2;
	s0 =	spop (v2sf)  }
0x352: {  	p2 =	sne.s32 s2, $0x0;
	p1 =	sgt.u32 s0, $0x270FF  }
.Ltmp29:
0x353: {  	s4 =	sand.u32 @!p1 $0x3FFF8, s0;
	(pc) =	sbr.rel @!p2 .LBB2_36-.Ltmp29, $4  }
0x354: {  	s1 =	simm.s32 $0x3688;
	s0 =	sand.u32 @!p1 $0x7, s0;
	s4 =	sadd.s32 @!p1 s3, s4  }
0x355: {  	[hbm4b:s4+s0] =	stream.linear.scatter @!p1 [tilespmem:s1], [sflag:$0x5], $0x3, $0x38;
	[tilespmem:$0x1F0F8] =	vst v63  }
0x356: {  	s0 =	simm.s32 $0x0  }
0x357: {  	s6 =	simm.s32 $0x0;
	s7 =	simm.s32 $0x365A;
	s0 =	simm.s32 @!p1 $0xC  }
.LBB2_35:
0x358: {  	v0 =	vld.msk [tilespmem:s7+$0x0], $0x1;
	s2 =	sadd.s32 $0xFFFFFFFF, s2;
	s6 =	sadd.s32 s6, s0  }
0x359: {  	p1 =	sne.s32 s2, $0x0;
	_ =	sdelay $0x3  }
0x35a: {  	(v2sf) =	vpush v0, $0x0;
	_ =	sdelay $0xe  }
.Ltmp30:
0x35b: {  	s4 =	spop (v2sf);
	(pc) =	sbr.rel @p1 .LBB2_35-.Ltmp30, $4  }
0x35c: {  	s0 =	simm.s32 $0x0;
	p2 =	sgt.u32 s4, $0x270FF  }
0x35d: {  	s1 =	sadd.s32 $0x10, s1;
	s0 =	simm.s32 @!p2 $0xC;
	s5 =	sand.u32 @!p2 $0x3FFF8, s4  }
0x35e: {  	s7 =	sadd.s32 $0x1, s7;
	s4 =	sand.u32 @!p2 $0x7, s4;
	s5 =	sadd.s32 @!p2 s3, s5  }
0x35f: {  	[hbm4b:s5+s4] =	stream.linear.scatter @!p2 [tilespmem:s1], [sflag:$0x5], $0x3, $0x38;
	[tilespmem:$0x1F0F8] =	vst v63  }
.LBB2_36:
0x360: {  	s0 =	sadd.s32 s6, s0  }
0x361: {  	s0 =	sshrl.u32 s0, $0x2  }
.LBB2_37:
0x362: {  	s1 =	simm.s32 $0x5  }
0x363: {  	_ =	swait.ge [sflag:s1], s0  }
0x364: {  	s31 =	ssub.s32 $0x0, s0;
	[sflag:s1] =	ssyncset.done $0x0  }
0x365: {  	[sflag:s1] =	ssyncadd.s32 s31  }
0x366: {  	[sflag:s1] =	ssyncpa.u1 $0x1  }
.LBB2_38:
0x367: {  	s0 =	sor.u32 s17, s16  }
0x368: {  	p1 =	sne.s32 s0, $0x0  }
.Ltmp31:
0x369: {  	_ = 	snop;
	(pc) =	sbr.rel @p1 .LBB2_53-.Ltmp31, $3  }
0x36a: {  	_ =	sdelay $0x1  }
0x36b: {  	[bflag:$0x0] =	sbarrier.arrive $0xFFFF  }
0x36c: {  	_ =	sfence  }
0x36d: {  	s0 =	simm.s32 $0x7  }
0x36e: {  	s1 =	simm.s32 $0x200;
	s2 =	simm.s32 $0x3658;
	[sflag:s0] =	ssyncpa.u1 $0x0  }
0x36f: {  	[tilespmem:s2], [sflag:$0x7] =	stream.linear.gather [spmem:s1], $0x20, $0x38;
	[tilespmem:$0x1F0F8] =	vst v63  }
0x370: {  	s30 =	simm.s32 $0x3678;
	s1 =	simm.s32 $0x0  }
0x371: {  	[tilespmem:s30], [sflag:$0x7] =	stream.linear.gather [spmem:s1], $0x200, $0x38;
	[tilespmem:$0x1F0F8] =	vst v63  }
.Ltmp32:
0x372: {  	_ = 	snop;
	(pc) =	sbr.rel .LBB2_40-.Ltmp32, $4  }
0x373: {  	_ =	swait.ge [sflag:s0], $0x220  }
0x374: {  	[sflag:s0] =	ssyncset.done $0x0  }
0x375: {  	s31 =	simm.s32 $0x8;
	[sflag:s0] =	ssyncadd.s32 $0xFFFFFDE0  }
0x376: {  	s2 =	simm.s32 $0x0;
	[sflag:s31] =	ssyncpa.u1 $0x0  }
.LBB2_45:
0x377: {  	p1 =	slt.u32 s4, $0x27100  }
0x378: {  	s0 =	sand.u32 @p1 $0x3FFF8, s4  }
0x379: {  	s4 =	sand.u32 @p1 $0x7, s4;
	s5 =	simm.s32 @p1 $0x3638;
	s0 =	sadd.s32 @p1 s3, s0  }
0x37a: {  	[tilespmem:s5], [sflag:$0x8] =	stream.linear.gather @p1 [hbm4b:s0+s4], $0x3, $0x38;
	[tilespmem:$0x1F0F8] =	vst v63  }
0x37b: {  	s0 =	simm.s32 @p1 $0x8  }
0x37c: {  	_ =	swait.ge @p1 [sflag:s0], $0x3  }
0x37d: {  	[sflag:s0] =	ssyncset.done @p1 $0x0  }
0x37e: {  	[sflag:s0] =	ssyncadd.s32 @p1 $0xFFFFFFFD  }
0x37f: {  	v1 =	vld @p1 [tilespmem:$0x3638];
	_ =	sdelay $0x2  }
0x380: {  	s0 =	sshll.u32 @p1 s2, $0x6  }
0x381: {  	s5 =	sshll.u32 @!p1 s2, $0x6;
	s4 =	sshrl.u32 @p1 s0, $0x2  }
0x382: {  	s5 =	smov.u32 @p1 s0;
	[tilespmem:s4+$0x3678] =	vst.add.f32.msk @p1 $0xffff, v1  }
0x383: {  	s0 =	sshrl.u32 s5, $0x2;
	[tilespmem:s1+$0x3658] =	vst.msk $0x1, v0  }
0x384: {  	v0 =	vld [tilespmem:s0+$0x3678];
	_ =	sdelay $0x2  }
0x385: {  	s31 =	sshll.u32 s1, $0x6  }
0x386: {  	s0 =	sshra.s32 s31, $0x2  }
0x387: {  	s1 =	sadd.s32 $0x1, s1;
	[tilespmem:s0+$0x3678] =	vst v0  }
.LBB2_47:
0x388: {  	s2 =	sadd.s32 $0x1, s2  }
0x389: {  	p1 =	sne.s32 s2, $0x20  }
.Ltmp33:
0x38a: {  	_ = 	snop;
	(pc) =	sbr.rel @!p1 .LBB2_48-.Ltmp33, $1  }
0x38b: {  	_ =	sdelay $0x3  }
.LBB2_40:
0x38c: {  	v0 =	vld.msk [tilespmem:s2+$0x3658], $0x1;
	_ =	sdelay $0x4  }
0x38d: {  	(v2sf) =	vpush v0, $0x0;
	_ =	sdelay $0xe  }
0x38e: {  	s4 =	spop (v2sf)  }
0x38f: {  	p1 =	seq.s32 s4, $0xFFFFFFFF  }
.Ltmp34:
0x390: {  	_ = 	snop;
	(pc) =	sbr.rel @p1 .LBB2_47-.Ltmp34, $1  }
0x391: {  	_ =	sdelay $0x3  }
0x392: {  	p1 =	slt.s32 s1, $0x1  }
.Ltmp35:
0x393: {  	_ = 	snop;
	(pc) =	sbr.rel @p1 .LBB2_45-.Ltmp35, $1  }
0x394: {  	_ =	sdelay $0x3  }
0x395: {  	s5 =	simm.s32 $0x3658;
	p1 =	por $0x0, $0x0  }
0x396: {  	v1 =	vld.msk @!p1 [tilespmem:s5+$0x0], $0x1;
	_ =	sdelay $0x4  }
0x397: {  	(v2sf) =	vpush @!p1 v1, $0x0;
	_ =	sdelay $0xd  }
0x398: {  	p3 =	sne.s32 s1, $0x1  }
.Ltmp36:
0x399: {  	s0 =	spop @!p1 (v2sf);
	(pc) =	sbr.rel @!p3 .LBB2_44-.Ltmp36, $4  }
0x39a: {  	p2 =	seq.s32 @!p1 s4, s0  }
0x39b: {  	s6 =	simm.s32 $0x0;
	p2 =	por !p2, p1  }
0x39c: {  	s0 =	simm.s32 $0xFFFFFFFF;
	s6 =	simm.s32 @p2 $0xFFFFFFFF  }
0x39d: {  	s7 =	simm.s32 $0x1;
	s6 =	smov.u32 @p1 s0  }
.LBB2_43:
0x39e: {  	s0 =	smov.u32 s6;
	p1 =	sne.s32 s6, $0xFFFFFFFF  }
0x39f: {  	s5 =	sadd.s32 $0x1, s5;
	s6 =	smov.u32 s7;
	s7 =	sadd.s32 $0x1, s7  }
0x3a0: {  	p2 =	sne.s32 s1, s7;
	v1 =	vld.msk @!p1 [tilespmem:s5+$0x0], $0x1;
	_ =	sdelay $0x4  }
0x3a1: {  	(v2sf) =	vpush @!p1 v1, $0x0;
	_ =	sdelay $0xe  }
.Ltmp37:
0x3a2: {  	s8 =	spop @!p1 (v2sf);
	(pc) =	sbr.rel @p2 .LBB2_43-.Ltmp37, $4  }
0x3a3: {  	p3 =	seq.s32 @!p1 s4, s8  }
0x3a4: {  	p3 =	por !p3, p1  }
0x3a5: {  	s6 =	simm.s32 @p3 $0xFFFFFFFF  }
0x3a6: {  	s6 =	smov.u32 @p1 s0  }
.LBB2_44:
0x3a7: {  	p1 =	sne.s32 s6, $0xFFFFFFFF  }
.Ltmp38:
0x3a8: {  	_ = 	snop;
	(pc) =	sbr.rel @!p1 .LBB2_45-.Ltmp38, $1  }
0x3a9: {  	_ =	sdelay $0x3  }
0x3aa: {  	s0 =	sshll.u32 s2, $0x4  }
0x3ab: {  	s0 =	sand.u32 $0x3FFFFFF0, s0  }
0x3ac: {  	v0 =	vld [tilespmem:s0+$0x3678]  }
.Ltmp39:
0x3ad: {  	_ = 	snop;
	(pc) =	sbr.rel .LBB2_47-.Ltmp39, $4  }
0x3ae: {  	_ = 	snop  }
0x3af: {  	s31 =	sshll.u32 s6, $0x6  }
0x3b0: {  	s0 =	sshra.s32 s31, $0x2  }
0x3b1: {  	[tilespmem:s0+$0x3678] =	vst.add.f32.msk $0xffff, v0  }
.LBB2_48:
0x3b2: {  	p1 =	slt.s32 s1, $0x1  }
.Ltmp40:
0x3b3: {  	_ = 	snop;
	(pc) =	sbr.rel @p1 .LBB2_52-.Ltmp40, $3  }
0x3b4: {  	_ =	sdelay $0x1  }
0x3b5: {  	s0 =	simm.s32 $0x8  }
0x3b6: {  	s2 =	simm.s32 $0x0;
	[sflag:s0] =	ssyncpa.u1 $0x1  }
0x3b7: {  	s0 =	simm.s32 $0x3658  }
0x3b8: {  	v0 =	vld.msk [tilespmem:s0+$0x0], $0x1;
	_ =	sdelay $0x4  }
0x3b9: {  	(v2sf) =	vpush v0, $0x0;
	_ =	sdelay $0xe  }
0x3ba: {  	s1 =	sadd.s32 $0xFFFFFFFF, s1;
	s0 =	spop (v2sf)  }
0x3bb: {  	p2 =	sne.s32 s1, $0x0;
	p1 =	sgt.u32 s0, $0x270FF  }
.Ltmp41:
0x3bc: {  	s5 =	sand.u32 @!p1 $0x3FFF8, s0;
	(pc) =	sbr.rel @!p2 .LBB2_51-.Ltmp41, $4  }
0x3bd: {  	s4 =	simm.s32 $0x3678;
	s0 =	sand.u32 @!p1 $0x7, s0;
	s5 =	sadd.s32 @!p1 s3, s5  }
0x3be: {  	[hbm4b:s5+s0] =	stream.linear.scatter @!p1 [tilespmem:s4], [sflag:$0x7], $0x3, $0x38;
	[tilespmem:$0x1F0F8] =	vst v63  }
0x3bf: {  	s0 =	simm.s32 $0x0  }
0x3c0: {  	s5 =	simm.s32 $0x3659;
	s0 =	simm.s32 @!p1 $0xC  }
.LBB2_50:
0x3c1: {  	v0 =	vld.msk [tilespmem:s5+$0x0], $0x1;
	s1 =	sadd.s32 $0xFFFFFFFF, s1;
	s2 =	sadd.s32 s2, s0  }
0x3c2: {  	p1 =	sne.s32 s1, $0x0;
	_ =	sdelay $0x3  }
0x3c3: {  	(v2sf) =	vpush v0, $0x0;
	_ =	sdelay $0xe  }
.Ltmp42:
0x3c4: {  	s6 =	spop (v2sf);
	(pc) =	sbr.rel @p1 .LBB2_50-.Ltmp42, $4  }
0x3c5: {  	s0 =	simm.s32 $0x0;
	p2 =	sgt.u32 s6, $0x270FF  }
0x3c6: {  	s4 =	sadd.s32 $0x10, s4;
	s0 =	simm.s32 @!p2 $0xC;
	s7 =	sand.u32 @!p2 $0x3FFF8, s6  }
0x3c7: {  	s5 =	sadd.s32 $0x1, s5;
	s6 =	sand.u32 @!p2 $0x7, s6;
	s7 =	sadd.s32 @!p2 s3, s7  }
0x3c8: {  	[hbm4b:s7+s6] =	stream.linear.scatter @!p2 [tilespmem:s4], [sflag:$0x7], $0x3, $0x38;
	[tilespmem:$0x1F0F8] =	vst v63  }
.LBB2_51:
0x3c9: {  	s0 =	sadd.s32 s2, s0  }
0x3ca: {  	s2 =	sshrl.u32 s0, $0x2  }
.LBB2_52:
0x3cb: {  	s0 =	simm.s32 $0x7  }
0x3cc: {  	_ =	swait.ge [sflag:s0], s2  }
0x3cd: {  	s1 =	ssub.s32 $0x0, s2;
	[sflag:s0] =	ssyncset.done $0x0  }
0x3ce: {  	[sflag:s0] =	ssyncadd.s32 s1  }
0x3cf: {  	[sflag:s0] =	ssyncpa.u1 $0x1  }
.LBB2_53:
0x3d0: {  	_ =	sfence;
	s0 =	simm.s32 $0x1  }
0x3d1: {  	[sflag:s0] =	ssyncpa.u1 $0x1  }
0x3d2: {  	_ =	strace $0x9000004A  }
0x3d3: {  	[bflag:$0x2] =	sbarrier.arrive $0xFFFF  }
0x3d4: {  	s0 =	rddreg [dreg:$0x3]  }
0x3d5: {  	s0 =	sadd.s32 @!p0 $0x100000, s0  }
0x3d6: {  	[sflag:s0] =	ssyncadd.tile.s32 @!p0 $0x1;
	_ =	shalt  }
.Lfunc_end2:
_tile_overlayer_lowered:
.L_overlay_start_2:
0x3d7: {  	(tag) =	ssettag $0x2  }
0x3d8: {  	s0 =	rddreg [dreg:$0x0];
	s2 =	stileid.u32  }
0x3d9: {  	s1 =	rddreg [dreg:$0x1];
	p0 =	sne.s32 s2, $0x0  }
0x3da: {  	s3 =	rddreg [dreg:$0x2];
	[bflag:$0x3] =	sbarrier.arrive $0xFFFF;
	s2 =	simm.s32 @!p0 $0x1C01  }
0x3db: {  	[timem:s3], [sflag:s2] =	dma.local @!p0 [hbm:s0], s1  }
0x3dc: {  	s0 =	simm.s32 @!p0 $0x1  }
0x3dd: {  	_ =	swait.ge @!p0 [sflag:s0], s1  }
0x3de: {  	s1 =	ssub.s32 @!p0 $0x0, s1;
	[sflag:s0] =	ssyncset.done @!p0 $0x0  }
0x3df: {  	[sflag:s0] =	ssyncadd.s32 @!p0 s1  }
0x3e0: {  	[bflag:$0x3] =	sbarrier.arrive $0xFFFF  }
0x3e1: {  	_ =	shalt  }

</sc_bundles>
